<compile_context>
chip_gen: v7x
topology: tpu7x:2x2x1
jax: 0.10.2.dev20260603
libtpu: 0.0.44.dev20260713+nightly
codegen_flags: <defaults>
</compile_context>

<pallas_src>
import functools

import jax
import jax.numpy as jnp
from jax import lax
from jax.experimental import pallas as pl
from jax.experimental.pallas import tpu as pltpu
from jax.experimental.pallas import tpu_sc as plsc

NC = 2
NS = 16
CH = 128


def _mesh():
    return plsc.VectorSubcoreMesh(core_axis_name="c", subcore_axis_name="s",
                                  num_cores=NC, num_subcores=NS)


def _node_slab(s):
    return s * 624


def _make_deg(n, e):
    rows = e // CH
    rpt = rows // (NC * NS)
    np128 = -(-(n + 128) // 128) * 128

    @functools.partial(
        pl.kernel,
        out_type=jax.ShapeDtypeStruct((NC, np128), jnp.float32),
        mesh=_mesh(),
        scratch_types=[
            pltpu.VMEM((rpt, CH), jnp.int32),
            pltpu.VMEM((128,), jnp.float32),
            pltpu.VMEM((640,), jnp.float32),
            pltpu.VMEM_SHARED((np128,), jnp.float32),
            pltpu.SemaphoreType.DMA,
            pltpu.SemaphoreType.DMA,
        ],
    )
    def deg_kernel(ei_hbm, deg_hbm, idx_v, ones_v, zero_v, deg_sh, isem,
                   ssem):
        dst_hbm = ei_hbm.at[1]
        c = lax.axis_index("c")
        s = lax.axis_index("s")
        w = c * NS + s

        pltpu.async_copy(dst_hbm.at[pl.ds(w * rpt, rpt)], idx_v, isem)

        for j in range(8):
            ones_v[pl.ds(j * 16, 16)] = jnp.ones((16,), jnp.float32)

        def zero_body(i, _):
            zero_v[pl.ds(i * 16, 16)] = jnp.zeros((16,), jnp.float32)
            return 0

        lax.fori_loop(0, 640 // 16, zero_body, 0)
        r0 = _node_slab(s)

        @pl.when(s < NS - 1)
        def _():
            pltpu.sync_copy(zero_v.at[pl.ds(0, 624)],
                            deg_sh.at[pl.ds(r0, 624)])

        @pl.when(s == NS - 1)
        def _():
            pltpu.sync_copy(zero_v, deg_sh.at[pl.ds(r0, 640)])

        pltpu.make_async_copy(dst_hbm.at[pl.ds(w * rpt, rpt)], idx_v,
                              isem).wait()
        plsc.subcore_barrier()

        ones = ones_v

        def count_body(j, _):
            for u in range(8):
                pltpu.async_copy(ones, deg_sh.at[idx_v.at[8 * j + u]], ssem,
                                 add=True)
            for u in range(8):
                pltpu.make_async_copy(ones, deg_sh.at[idx_v.at[8 * j + u]],
                                      ssem).wait()
            return 0

        lax.fori_loop(0, rpt // 8, count_body, 0)
        plsc.subcore_barrier()

        @pl.when(s == 0)
        def _():
            pltpu.sync_copy(deg_sh, deg_hbm.at[c])

    return deg_kernel


def _make_prop(n, e, d, feature_split):
    rows = e // CH
    ntiles = NS if feature_split else NC * NS
    rpt = rows // ntiles
    nbk = 16
    nblk = rpt // nbk
    assert nblk * nbk == rpt

    @functools.partial(
        pl.kernel,
        out_type=jax.ShapeDtypeStruct((NC, n, d), jnp.float32),
        mesh=_mesh(),
        scratch_types=[
            pltpu.VMEM((nbk, CH), jnp.int32),
            pltpu.VMEM((nbk, CH), jnp.int32),
            pltpu.VMEM((nbk, CH), jnp.int32),
            pltpu.VMEM((nbk, CH), jnp.int32),
            pltpu.VMEM((CH, d), jnp.float32),
            pltpu.VMEM((CH, d), jnp.float32),
            pltpu.VMEM_SHARED((n + 128, d), jnp.float32),
            pltpu.SemaphoreType.DMA,
            pltpu.SemaphoreType.DMA,
            pltpu.SemaphoreType.DMA,
            pltpu.SemaphoreType.DMA,
            pltpu.SemaphoreType.DMA,
            pltpu.SemaphoreType.DMA,
        ],
    )
    def prop_kernel(p_hbm, ei_hbm, q_hbm, src_a, dst_a, src_b,
                    dst_b, rows0_v, rows1_v, acc_sh, g0, g1, s0, s1,
                    ia, ib):
        src_hbm = ei_hbm.at[0]
        dst_hbm = ei_hbm.at[1]
        c = lax.axis_index("c")
        s = lax.axis_index("s")
        if feature_split:
            table = p_hbm.at[c]
            base = s * rpt
        else:
            table = p_hbm
            base = (c * NS + s) * rpt

        pltpu.async_copy(src_hbm.at[pl.ds(base, nbk)], src_a, ia)
        pltpu.async_copy(dst_hbm.at[pl.ds(base, nbk)], dst_a, ia)

        r0 = _node_slab(s)

        @pl.when(s < NS - 1)
        def _():
            sl = pl.ds(r0, 624)
            pltpu.sync_copy(table.at[sl], acc_sh.at[sl])

        @pl.when(s == NS - 1)
        def _():
            sl = pl.ds(r0, 640)
            pltpu.sync_copy(table.at[sl], acc_sh.at[sl])

        pltpu.make_async_copy(src_hbm.at[pl.ds(base, nbk)], src_a, ia).wait()
        pltpu.make_async_copy(dst_hbm.at[pl.ds(base, nbk)], dst_a, ia).wait()
        pltpu.async_copy(table.at[src_a.at[0]], rows0_v, g0)
        pltpu.async_copy(table.at[src_a.at[1]], rows1_v, g1)
        plsc.subcore_barrier()

        def do_block(k, src_v, dst_v, src_o, dst_o, is_oth):
            @pl.when(k + 1 < nblk)
            def _():
                nxt = pl.ds(base + (k + 1) * nbk, nbk)
                pltpu.async_copy(src_hbm.at[nxt], src_o, is_oth)
                pltpu.async_copy(dst_hbm.at[nxt], dst_o, is_oth)

            def pair(i, _):
                pltpu.make_async_copy(table.at[src_v.at[2 * i]],
                                      rows0_v, g0).wait()
                pltpu.sync_copy(rows0_v, acc_sh.at[dst_v.at[2 * i]], add=True)
                pltpu.make_async_copy(table.at[src_v.at[2 * i + 1]],
                                      rows1_v, g1).wait()

                @pl.when(i < nbk // 2 - 1)
                def _():
                    pltpu.async_copy(table.at[src_v.at[2 * i + 2]],
                                     rows0_v, g0)

                pltpu.sync_copy(rows1_v, acc_sh.at[dst_v.at[2 * i + 1]],
                                add=True)

                @pl.when(i < nbk // 2 - 1)
                def _():
                    pltpu.async_copy(table.at[src_v.at[2 * i + 3]],
                                     rows1_v, g1)

                @pl.when((i == nbk // 2 - 1) & (k + 1 < nblk))
                def _():
                    nxt = pl.ds(base + (k + 1) * nbk, nbk)
                    pltpu.make_async_copy(src_hbm.at[nxt], src_o,
                                          is_oth).wait()
                    pltpu.make_async_copy(dst_hbm.at[nxt], dst_o,
                                          is_oth).wait()
                    pltpu.async_copy(table.at[src_o.at[0]], rows0_v, g0)
                    pltpu.async_copy(table.at[src_o.at[1]], rows1_v, g1)

                return 0

            lax.fori_loop(0, nbk // 2, pair, 0)

        def outer(k, _):
            @pl.when(k % 2 == 0)
            def _():
                do_block(k, src_a, dst_a, src_b, dst_b, ib)

            @pl.when(k % 2 == 1)
            def _():
                do_block(k, src_b, dst_b, src_a, dst_a, ia)

            return 0

        lax.fori_loop(0, nblk, outer, 0)
        plsc.subcore_barrier()

        @pl.when(s < NS - 1)
        def _():
            sl = pl.ds(r0, 624)
            pltpu.sync_copy(acc_sh.at[sl], q_hbm.at[c, sl])

        @pl.when(s == NS - 1)
        def _():
            sl = pl.ds(r0, 640)
            pltpu.sync_copy(acc_sh.at[sl], q_hbm.at[c, sl])

    return prop_kernel


def _dinv(degt_ref, bn):
    d = degt_ref[0:1, pl.ds(0, bn)] + degt_ref[1:2, pl.ds(0, bn)] + 1.0
    return lax.rsqrt(jnp.reshape(d, (bn, 1)))


def _mm1_body(degt_ref, x_ref, w1_ref, p1_ref):
    dinv = _dinv(degt_ref, x_ref.shape[0])
    z = jnp.dot(x_ref[...], w1_ref[...], preferred_element_type=jnp.float32)
    p = z * dinv
    h = p.shape[1] // 2
    p1_ref[0] = p[:, :h]
    p1_ref[1] = p[:, h:]


def _mm2_body(degt_ref, q1_ref, b1_ref, w2_ref, p2_ref):
    dinv = _dinv(degt_ref, p2_ref.shape[0])
    q = jnp.concatenate([q1_ref[0], q1_ref[1]], axis=1)
    h = jnp.maximum(q * dinv + b1_ref[...], 0.0)
    z = jnp.dot(h, w2_ref[...], preferred_element_type=jnp.float32)
    p2_ref[...] = z * dinv


def _fin_body(degt_ref, q2_ref, p2_ref, b2_ref, out_ref):
    dinv = _dinv(degt_ref, out_ref.shape[0])
    o = (q2_ref[0] + q2_ref[1] - p2_ref[...]) * dinv + b2_ref[...]
    m = jnp.max(o, axis=1, keepdims=True)
    ssum = jnp.sum(jnp.exp(o - m), axis=1, keepdims=True)
    out_ref[...] = o - m - jnp.log(ssum)


def kernel(x, edge_index, W1, b1, W2, b2):
    n, d_in = x.shape
    d_hid = W1.shape[1]
    d_out = W2.shape[1]
    e = edge_index.shape[1]
    hh = d_hid // 2

    e_pad = -(-e // (512 * CH)) * (512 * CH)
    ei = edge_index.astype(jnp.int32)
    lanes = jnp.arange(e_pad - e, dtype=jnp.int32) % 128
    pad = jnp.stack([lanes, n + lanes])
    ei2 = jnp.concatenate([ei, pad], axis=1).reshape(2, e_pad // CH, CH)

    degt = _make_deg(n, e_pad)(ei2)
    b1r = b1.reshape(1, d_hid)
    b2r = b2.reshape(1, d_out)

    bn = n
    grid = (1,)
    f32 = jnp.float32

    p1 = pl.pallas_call(
        _mm1_body,
        grid=grid,
        in_specs=[
            pl.BlockSpec((2, -(-n // 128) * 128), lambda i: (0, 0)),
            pl.BlockSpec((bn, d_in), lambda i: (0, 0)),
            pl.BlockSpec((d_in, d_hid), lambda i: (0, 0)),
        ],
        out_specs=pl.BlockSpec((NC, bn, hh), lambda i: (0, 0, 0)),
        out_shape=jax.ShapeDtypeStruct((NC, n, hh), f32),
    )(degt, x, W1)

    q1 = _make_prop(n, e_pad, hh, feature_split=True)(p1, ei2)

    p2 = pl.pallas_call(
        _mm2_body,
        grid=grid,
        in_specs=[
            pl.BlockSpec((2, -(-n // 128) * 128), lambda i: (0, 0)),
            pl.BlockSpec((NC, bn, hh), lambda i: (0, 0, 0)),
            pl.BlockSpec((1, d_hid), lambda i: (0, 0)),
            pl.BlockSpec((d_hid, d_out), lambda i: (0, 0)),
        ],
        out_specs=pl.BlockSpec((bn, d_out), lambda i: (0, 0)),
        out_shape=jax.ShapeDtypeStruct((n, d_out), f32),
    )(degt, q1, b1r, W2)

    q2 = _make_prop(n, e_pad, d_out, feature_split=False)(p2, ei2)

    out = pl.pallas_call(
        _fin_body,
        grid=grid,
        in_specs=[
            pl.BlockSpec((2, -(-n // 128) * 128), lambda i: (0, 0)),
            pl.BlockSpec((NC, bn, d_out), lambda i: (0, 0, 0)),
            pl.BlockSpec((bn, d_out), lambda i: (0, 0)),
            pl.BlockSpec((1, d_out), lambda i: (0, 0)),
        ],
        out_specs=pl.BlockSpec((bn, d_out), lambda i: (0, 0)),
        out_shape=jax.ShapeDtypeStruct((n, d_out), f32),
    )(degt, q2, p2, b2r)

    return out

# --- scband reference (transcript-rebuilt; emitter-appended) ---
"""Pipeline reference for scband-net-309237645537 (READ-ONLY COPY).

The authoritative reference and input builder live on the scoring server;
editing this copy changes nothing except your own understanding.
"""

import jax, jax.numpy as jnp
import numpy as np

N_NODES = 10000

def gcn_conv(x, edge_index, W, b, n):
    h = x @ W
    loop = jnp.arange(n, dtype=edge_index.dtype)
    src = jnp.concatenate([edge_index[0], loop])
    dst = jnp.concatenate([edge_index[1], loop])
    deg = jnp.zeros((n,), dtype=x.dtype).at[dst].add(1.0)
    dinv = jax.lax.rsqrt(jnp.where(deg > 0, deg, 1.0))
    norm = dinv[src] * dinv[dst]
    msg = h[src] * norm[:, None]
    out = jnp.zeros((n, W.shape[1]), dtype=x.dtype).at[dst].add(msg)
    return out + b

def setup_inputs(seed: int = 0) -> dict:
    key = jax.random.key(seed)
    k1, k2, k3, k4, k5, k6 = jax.random.split(key, 6)
    d_in, d_hid, d_out = 128, 256, 128
    x = jax.random.normal(k1, (N_NODES, d_in), dtype=jnp.float32)
    edge_index = jax.random.randint(k2, (2, 320000), 0, N_NODES, dtype=jnp.int64)
    W1 = jax.random.normal(k3, (d_in, d_hid), dtype=jnp.float32) * (1.0 / np.sqrt(d_in))
    b1 = jnp.zeros((d_hid,), dtype=jnp.float32)
    W2 = jax.random.normal(k4, (d_hid, d_out), dtype=jnp.float32) * (1.0 / np.sqrt(d_hid))
    b2 = jnp.zeros((d_out,), dtype=jnp.float32)
    return {"x": x, "edge_index": edge_index, "W1": W1, "b1": b1, "W2": W2, "b2": b2}

def reference(x, edge_index, W1, b1, W2, b2):
    n = x.shape[0]
    h = gcn_conv(x, edge_index, W1, b1, n)
    h = jax.nn.relu(h)
    # dropout is identity in eval mode (self.training=False)
    h = gcn_conv(h, edge_index, W2, b2, n)
    return jax.nn.log_softmax(h, axis=1)

if __name__ == "__main__":
    import jax
    _d = setup_inputs()
    print(jax.jit(kernel)(*tuple(_d.values())))

</pallas_src>

<mosaic_0001>
#map = affine_map<(d0, d1) -> (0, 0)>
#map1 = affine_map<(d0, d1) -> (0, 0, 0)>
module attributes {stable_mosaic.version = 14 : i64} {
  func.func @prop_kernel(%arg0: i32, %arg1: i32, %arg2: memref<10000x128xf32, #tpu.memory_space<hbm>>, %arg3: memref<2x2560x128xi32, #tpu.memory_space<hbm>>, %arg4: memref<2x10000x128xf32, #tpu.memory_space<hbm>>, %arg5: memref<16x128xi32, #tpu.memory_space<vmem>>, %arg6: memref<16x128xi32, #tpu.memory_space<vmem>>, %arg7: memref<16x128xi32, #tpu.memory_space<vmem>>, %arg8: memref<16x128xi32, #tpu.memory_space<vmem>>, %arg9: memref<128x128xf32, #tpu.memory_space<vmem>>, %arg10: memref<128x128xf32, #tpu.memory_space<vmem>>, %arg11: memref<10128x128xf32, #tpu.memory_space<vmem_shared>>, %arg12: memref<!tpu.dma_semaphore, #tpu.memory_space<semaphore_mem>>, %arg13: memref<!tpu.dma_semaphore, #tpu.memory_space<semaphore_mem>>, %arg14: memref<!tpu.dma_semaphore, #tpu.memory_space<semaphore_mem>>, %arg15: memref<!tpu.dma_semaphore, #tpu.memory_space<semaphore_mem>>, %arg16: memref<!tpu.dma_semaphore, #tpu.memory_space<semaphore_mem>>, %arg17: memref<!tpu.dma_semaphore, #tpu.memory_space<semaphore_mem>>) attributes {dimension_semantics = [#tpu.dimension_semantics<core_parallel>, #tpu.dimension_semantics<subcore_parallel>], iteration_bounds = array<i64: 2, 16>, scalar_prefetch = 0 : i64, scratch_operands = 13 : i64, tpu.core_type = #tpu.core_type<sc_vector_subcore>, window_params = [{transform_indices = #map}, {transform_indices = #map1}, {transform_indices = #map1}]} {
    %mul3A = arith.constant 16 : i32
    %mul3A_0 = arith.muli %arg0, %mul3A : i32
    %add3A = arith.addi %mul3A_0, %arg1 : i32
    %mul3A_1 = arith.constant 80 : i32
    %mul3A_2 = arith.muli %add3A, %mul3A_1 : i32
    %dma_start3A = arith.constant 0 : i32
    %dma_start3A_3 = arith.constant 0 : i32
    %dma_start3A_4 = arith.constant 0 : i32
    %dma_start3A_5 = tpu.memref_slice %arg3[%dma_start3A, %dma_start3A_3, %dma_start3A_4] : memref<2x2560x128xi32, #tpu.memory_space<hbm>> -> memref<1x2560x128xi32, #tpu.memory_space<hbm>>
    %dma_start3A_6 = tpu.memref_squeeze %dma_start3A_5 : memref<1x2560x128xi32, #tpu.memory_space<hbm>> -> memref<2560x128xi32, #tpu.memory_space<hbm>>
    %dma_start3A_7 = arith.constant 0 : i32
    %dma_start3A_8 = tpu.memref_slice %dma_start3A_6[%mul3A_2, %dma_start3A_7] : memref<2560x128xi32, #tpu.memory_space<hbm>> -> memref<16x128xi32, #tpu.memory_space<hbm>>
    %dma_start3A_9 = arith.constant 0 : i32
    %dma_start3A_10 = arith.constant 0 : i32
    %dma_start3A_11 = tpu.memref_slice %arg3[%dma_start3A, %dma_start3A_9, %dma_start3A_10] : memref<2x2560x128xi32, #tpu.memory_space<hbm>> -> memref<1x2560x128xi32, #tpu.memory_space<hbm>>
    %dma_start3A_12 = tpu.memref_squeeze %dma_start3A_11 : memref<1x2560x128xi32, #tpu.memory_space<hbm>> -> memref<2560x128xi32, #tpu.memory_space<hbm>>
    %dma_start3A_13 = arith.constant 0 : i32
    %dma_start3A_14 = tpu.memref_slice %dma_start3A_12[%mul3A_2, %dma_start3A_13] : memref<2560x128xi32, #tpu.memory_space<hbm>> -> memref<16x128xi32, #tpu.memory_space<hbm>>
    tpu.enqueue_dma source(%dma_start3A_14 : memref<16x128xi32, #tpu.memory_space<hbm>>) target(%arg5 : memref<16x128xi32, #tpu.memory_space<vmem>>) target_semaphore(%arg16 : memref<!tpu.dma_semaphore, #tpu.memory_space<semaphore_mem>>)
    %dma_start3A_15 = arith.constant 1 : i32
    %dma_start3A_16 = arith.constant 0 : i32
    %dma_start3A_17 = arith.constant 0 : i32
    %dma_start3A_18 = tpu.memref_slice %arg3[%dma_start3A_15, %dma_start3A_16, %dma_start3A_17] : memref<2x2560x128xi32, #tpu.memory_space<hbm>> -> memref<1x2560x128xi32, #tpu.memory_space<hbm>>
    %dma_start3A_19 = tpu.memref_squeeze %dma_start3A_18 : memref<1x2560x128xi32, #tpu.memory_space<hbm>> -> memref<2560x128xi32, #tpu.memory_space<hbm>>
    %dma_start3A_20 = arith.constant 0 : i32
    %dma_start3A_21 = tpu.memref_slice %dma_start3A_19[%mul3A_2, %dma_start3A_20] : memref<2560x128xi32, #tpu.memory_space<hbm>> -> memref<16x128xi32, #tpu.memory_space<hbm>>
    %dma_start3A_22 = arith.constant 0 : i32
    %dma_start3A_23 = arith.constant 0 : i32
    %dma_start3A_24 = tpu.memref_slice %arg3[%dma_start3A_15, %dma_start3A_22, %dma_start3A_23] : memref<2x2560x128xi32, #tpu.memory_space<hbm>> -> memref<1x2560x128xi32, #tpu.memory_space<hbm>>
    %dma_start3A_25 = tpu.memref_squeeze %dma_start3A_24 : memref<1x2560x128xi32, #tpu.memory_space<hbm>> -> memref<2560x128xi32, #tpu.memory_space<hbm>>
    %dma_start3A_26 = arith.constant 0 : i32
    %dma_start3A_27 = tpu.memref_slice %dma_start3A_25[%mul3A_2, %dma_start3A_26] : memref<2560x128xi32, #tpu.memory_space<hbm>> -> memref<16x128xi32, #tpu.memory_space<hbm>>
    tpu.enqueue_dma source(%dma_start3A_27 : memref<16x128xi32, #tpu.memory_space<hbm>>) target(%arg6 : memref<16x128xi32, #tpu.memory_space<vmem>>) target_semaphore(%arg16 : memref<!tpu.dma_semaphore, #tpu.memory_space<semaphore_mem>>)
    %mul3A_28 = arith.constant 624 : i32
    %mul3A_29 = arith.muli %arg1, %mul3A_28 : i32
    %lt3A = arith.constant 15 : i32
    %lt3A_30 = arith.cmpi slt, %arg1, %lt3A : i32
    %convert_element_type3A = arith.extui %lt3A_30 : i1 to i32
    %cond3A = arith.constant 0 : i32
    %cond3A_31 = arith.cmpi ne, %convert_element_type3A, %cond3A : i32
    scf.if %cond3A_31 {
      "tpu.region"() ({
        %run_scoped3A = tpu.sem_alloc : memref<!tpu.dma_semaphore, #tpu.memory_space<semaphore_mem>>
        %dma_start3A_94 = arith.constant 0 : i32
        %dma_start3A_95 = tpu.memref_slice %arg11[%mul3A_29, %dma_start3A_94] : memref<10128x128xf32, #tpu.memory_space<vmem_shared>> -> memref<624x128xf32, #tpu.memory_space<vmem_shared>>
        %dma_start3A_96 = arith.constant 0 : i32
        %dma_start3A_97 = tpu.memref_slice %arg2[%mul3A_29, %dma_start3A_96] : memref<10000x128xf32, #tpu.memory_space<hbm>> -> memref<624x128xf32, #tpu.memory_space<hbm>>
        tpu.enqueue_dma source(%dma_start3A_97 : memref<624x128xf32, #tpu.memory_space<hbm>>) target(%dma_start3A_95 : memref<624x128xf32, #tpu.memory_space<vmem_shared>>) target_semaphore(%run_scoped3A : memref<!tpu.dma_semaphore, #tpu.memory_space<semaphore_mem>>)
        %dma_wait3A_98 = arith.constant 0 : i32
        %dma_wait3A_99 = tpu.memref_slice %arg11[%mul3A_29, %dma_wait3A_98] : memref<10128x128xf32, #tpu.memory_space<vmem_shared>> -> memref<624x128xf32, #tpu.memory_space<vmem_shared>>
        %dma_wait3A_100 = arith.constant 0 : i32
        %dma_wait3A_101 = tpu.memref_slice %arg2[%mul3A_29, %dma_wait3A_100] : memref<10000x128xf32, #tpu.memory_space<hbm>> -> memref<624x128xf32, #tpu.memory_space<hbm>>
        tpu.wait_dma2 semaphore(%run_scoped3A : memref<!tpu.dma_semaphore, #tpu.memory_space<semaphore_mem>>) src(%dma_wait3A_101 : memref<624x128xf32, #tpu.memory_space<hbm>>) dst(%dma_wait3A_99 : memref<624x128xf32, #tpu.memory_space<vmem_shared>>)
        tpu.yield
      }) : () -> ()
    } else {
    }
    %eq3A = arith.constant 15 : i32
    %eq3A_32 = arith.cmpi eq, %arg1, %eq3A : i32
    %convert_element_type3A_33 = arith.extui %eq3A_32 : i1 to i32
    %cond3A_34 = arith.constant 0 : i32
    %cond3A_35 = arith.cmpi ne, %convert_element_type3A_33, %cond3A_34 : i32
    scf.if %cond3A_35 {
      "tpu.region"() ({
        %run_scoped3A = tpu.sem_alloc : memref<!tpu.dma_semaphore, #tpu.memory_space<semaphore_mem>>
        %dma_start3A_94 = arith.constant 0 : i32
        %dma_start3A_95 = tpu.memref_slice %arg11[%mul3A_29, %dma_start3A_94] : memref<10128x128xf32, #tpu.memory_space<vmem_shared>> -> memref<640x128xf32, #tpu.memory_space<vmem_shared>>
        %dma_start3A_96 = arith.constant 0 : i32
        %dma_start3A_97 = tpu.memref_slice %arg2[%mul3A_29, %dma_start3A_96] : memref<10000x128xf32, #tpu.memory_space<hbm>> -> memref<640x128xf32, #tpu.memory_space<hbm>>
        tpu.enqueue_dma source(%dma_start3A_97 : memref<640x128xf32, #tpu.memory_space<hbm>>) target(%dma_start3A_95 : memref<640x128xf32, #tpu.memory_space<vmem_shared>>) target_semaphore(%run_scoped3A : memref<!tpu.dma_semaphore, #tpu.memory_space<semaphore_mem>>)
        %dma_wait3A_98 = arith.constant 0 : i32
        %dma_wait3A_99 = tpu.memref_slice %arg11[%mul3A_29, %dma_wait3A_98] : memref<10128x128xf32, #tpu.memory_space<vmem_shared>> -> memref<640x128xf32, #tpu.memory_space<vmem_shared>>
        %dma_wait3A_100 = arith.constant 0 : i32
        %dma_wait3A_101 = tpu.memref_slice %arg2[%mul3A_29, %dma_wait3A_100] : memref<10000x128xf32, #tpu.memory_space<hbm>> -> memref<640x128xf32, #tpu.memory_space<hbm>>
        tpu.wait_dma2 semaphore(%run_scoped3A : memref<!tpu.dma_semaphore, #tpu.memory_space<semaphore_mem>>) src(%dma_wait3A_101 : memref<640x128xf32, #tpu.memory_space<hbm>>) dst(%dma_wait3A_99 : memref<640x128xf32, #tpu.memory_space<vmem_shared>>)
        tpu.yield
      }) : () -> ()
    } else {
    }
    %dma_wait3A = arith.constant 0 : i32
    %dma_wait3A_36 = arith.constant 0 : i32
    %dma_wait3A_37 = arith.constant 0 : i32
    %dma_wait3A_38 = tpu.memref_slice %arg3[%dma_wait3A, %dma_wait3A_36, %dma_wait3A_37] : memref<2x2560x128xi32, #tpu.memory_space<hbm>> -> memref<1x2560x128xi32, #tpu.memory_space<hbm>>
    %dma_wait3A_39 = tpu.memref_squeeze %dma_wait3A_38 : memref<1x2560x128xi32, #tpu.memory_space<hbm>> -> memref<2560x128xi32, #tpu.memory_space<hbm>>
    %dma_wait3A_40 = arith.constant 0 : i32
    %dma_wait3A_41 = tpu.memref_slice %dma_wait3A_39[%mul3A_2, %dma_wait3A_40] : memref<2560x128xi32, #tpu.memory_space<hbm>> -> memref<16x128xi32, #tpu.memory_space<hbm>>
    %dma_wait3A_42 = arith.constant 0 : i32
    %dma_wait3A_43 = arith.constant 0 : i32
    %dma_wait3A_44 = tpu.memref_slice %arg3[%dma_wait3A, %dma_wait3A_42, %dma_wait3A_43] : memref<2x2560x128xi32, #tpu.memory_space<hbm>> -> memref<1x2560x128xi32, #tpu.memory_space<hbm>>
    %dma_wait3A_45 = tpu.memref_squeeze %dma_wait3A_44 : memref<1x2560x128xi32, #tpu.memory_space<hbm>> -> memref<2560x128xi32, #tpu.memory_space<hbm>>
    %dma_wait3A_46 = arith.constant 0 : i32
    %dma_wait3A_47 = tpu.memref_slice %dma_wait3A_45[%mul3A_2, %dma_wait3A_46] : memref<2560x128xi32, #tpu.memory_space<hbm>> -> memref<16x128xi32, #tpu.memory_space<hbm>>
    tpu.wait_dma2 semaphore(%arg16 : memref<!tpu.dma_semaphore, #tpu.memory_space<semaphore_mem>>) src(%dma_wait3A_47 : memref<16x128xi32, #tpu.memory_space<hbm>>) dst(%arg5 : memref<16x128xi32, #tpu.memory_space<vmem>>)
    %dma_wait3A_48 = arith.constant 1 : i32
    %dma_wait3A_49 = arith.constant 0 : i32
    %dma_wait3A_50 = arith.constant 0 : i32
    %dma_wait3A_51 = tpu.memref_slice %arg3[%dma_wait3A_48, %dma_wait3A_49, %dma_wait3A_50] : memref<2x2560x128xi32, #tpu.memory_space<hbm>> -> memref<1x2560x128xi32, #tpu.memory_space<hbm>>
    %dma_wait3A_52 = tpu.memref_squeeze %dma_wait3A_51 : memref<1x2560x128xi32, #tpu.memory_space<hbm>> -> memref<2560x128xi32, #tpu.memory_space<hbm>>
    %dma_wait3A_53 = arith.constant 0 : i32
    %dma_wait3A_54 = tpu.memref_slice %dma_wait3A_52[%mul3A_2, %dma_wait3A_53] : memref<2560x128xi32, #tpu.memory_space<hbm>> -> memref<16x128xi32, #tpu.memory_space<hbm>>
    %dma_wait3A_55 = arith.constant 0 : i32
    %dma_wait3A_56 = arith.constant 0 : i32
    %dma_wait3A_57 = tpu.memref_slice %arg3[%dma_wait3A_48, %dma_wait3A_55, %dma_wait3A_56] : memref<2x2560x128xi32, #tpu.memory_space<hbm>> -> memref<1x2560x128xi32, #tpu.memory_space<hbm>>
    %dma_wait3A_58 = tpu.memref_squeeze %dma_wait3A_57 : memref<1x2560x128xi32, #tpu.memory_space<hbm>> -> memref<2560x128xi32, #tpu.memory_space<hbm>>
    %dma_wait3A_59 = arith.constant 0 : i32
    %dma_wait3A_60 = tpu.memref_slice %dma_wait3A_58[%mul3A_2, %dma_wait3A_59] : memref<2560x128xi32, #tpu.memory_space<hbm>> -> memref<16x128xi32, #tpu.memory_space<hbm>>
    tpu.wait_dma2 semaphore(%arg16 : memref<!tpu.dma_semaphore, #tpu.memory_space<semaphore_mem>>) src(%dma_wait3A_60 : memref<16x128xi32, #tpu.memory_space<hbm>>) dst(%arg6 : memref<16x128xi32, #tpu.memory_space<vmem>>)
    %dma_start3A_61 = arith.constant 0 : i32
    %dma_start3A_62 = arith.constant 0 : i32
    %dma_start3A_63 = tpu.memref_slice %arg5[%dma_start3A_61, %dma_start3A_62] : memref<16x128xi32, #tpu.memory_space<vmem>> -> memref<1x128xi32, #tpu.memory_space<vmem>>
    %dma_start3A_64 = tpu.memref_squeeze %dma_start3A_63 : memref<1x128xi32, #tpu.memory_space<vmem>> -> memref<128xi32, #tpu.memory_space<vmem>>
    %dma_start3A_65 = arith.constant 0 : i32
    %dma_start3A_66 = arith.constant 0 : i32
    %dma_start3A_67 = tpu.memref_slice %arg2[%dma_start3A_65, %dma_start3A_66] : memref<10000x128xf32, #tpu.memory_space<hbm>> -> memref<10000x128xf32, #tpu.memory_space<hbm>>
    tpu.enqueue_indirect_dma source(%dma_start3A_67 : memref<10000x128xf32, #tpu.memory_space<hbm>>) target(%arg9 : memref<128x128xf32, #tpu.memory_space<vmem>>) offsets(%dma_start3A_64 : memref<128xi32, #tpu.memory_space<vmem>>) semaphore(%arg12 : memref<!tpu.dma_semaphore, #tpu.memory_space<semaphore_mem>>)
    %dma_start3A_68 = arith.constant 1 : i32
    %dma_start3A_69 = arith.constant 0 : i32
    %dma_start3A_70 = tpu.memref_slice %arg5[%dma_start3A_68, %dma_start3A_69] : memref<16x128xi32, #tpu.memory_space<vmem>> -> memref<1x128xi32, #tpu.memory_space<vmem>>
    %dma_start3A_71 = tpu.memref_squeeze %dma_start3A_70 : memref<1x128xi32, #tpu.memory_space<vmem>> -> memref<128xi32, #tpu.memory_space<vmem>>
    %dma_start3A_72 = arith.constant 0 : i32
    %dma_start3A_73 = arith.constant 0 : i32
    %dma_start3A_74 = tpu.memref_slice %arg2[%dma_start3A_72, %dma_start3A_73] : memref<10000x128xf32, #tpu.memory_space<hbm>> -> memref<10000x128xf32, #tpu.memory_space<hbm>>
    tpu.enqueue_indirect_dma source(%dma_start3A_74 : memref<10000x128xf32, #tpu.memory_space<hbm>>) target(%arg10 : memref<128x128xf32, #tpu.memory_space<vmem>>) offsets(%dma_start3A_71 : memref<128xi32, #tpu.memory_space<vmem>>) semaphore(%arg13 : memref<!tpu.dma_semaphore, #tpu.memory_space<semaphore_mem>>)
    %barrier3A = arith.constant 0 : index
    tpu.barrier barrier_id(%barrier3A)
    %scan3A = arith.constant 0 : i32
    %scan3A_75 = arith.constant 1 : i32
    %scan3A_76 = arith.constant 0 : i32
    %scan3A_77 = arith.constant 0 : i32
    %scan3A_78 = arith.constant 5 : i32
    %scan3A_79 = arith.addi %scan3A_77, %scan3A_78 : i32
    %scan3A_80 = arith.constant 1 : i32
    %scan3A_81 = scf.for %scan3A_94 = %scan3A_77 to %scan3A_79 step %scan3A_80 iter_args(%scan3A_95 = %scan3A_76) -> (i32)  : i32 {
      %jit3A = arith.constant 2 : i32
      %eq3A_96 = arith.constant 0 : i32
      %eq3A_97 = arith.cmpi eq, %jit3A, %eq3A_96 : i32
      %jit3A_98 = arith.constant 1 : i32
      %select_n3A = arith.select %eq3A_97, %jit3A_98, %jit3A : i32
      %rem3A = arith.remsi %scan3A_94, %select_n3A : i32
      %ne3A = arith.constant 0 : i32
      %ne3A_99 = arith.cmpi ne, %rem3A, %ne3A : i32
      %lt3A_100 = arith.constant 0 : i32
      %lt3A_101 = arith.cmpi slt, %rem3A, %lt3A_100 : i32
      %lt3A_102 = arith.constant 0 : i32
      %lt3A_103 = arith.cmpi slt, %select_n3A, %lt3A_102 : i32
      %ne3A_104 = arith.xori %lt3A_101, %lt3A_103 : i1
      %and3A = arith.andi %ne3A_104, %ne3A_99 : i1
      %add3A_105 = arith.addi %rem3A, %select_n3A : i32
      %select_n3A_106 = arith.select %and3A, %add3A_105, %rem3A : i32
      %eq3A_107 = arith.constant 0 : i32
      %eq3A_108 = arith.cmpi eq, %select_n3A_106, %eq3A_107 : i32
      %convert_element_type3A_109 = arith.extui %eq3A_108 : i1 to i32
      %cond3A_110 = arith.constant 0 : i32
      %cond3A_111 = arith.cmpi ne, %convert_element_type3A_109, %cond3A_110 : i32
      scf.if %cond3A_111 {
        %add3A_134 = arith.constant 1 : i32
        %add3A_135 = arith.addi %scan3A_94, %add3A_134 : i32
        %lt3A_136 = arith.constant 5 : i32
        %lt3A_137 = arith.cmpi slt, %add3A_135, %lt3A_136 : i32
        %convert_element_type3A_138 = arith.extui %lt3A_137 : i1 to i32
        %cond3A_139 = arith.constant 0 : i32
        %cond3A_140 = arith.cmpi ne, %convert_element_type3A_138, %cond3A_139 : i32
        scf.if %cond3A_140 {
          %add3A_148 = arith.constant 1 : i32
          %add3A_149 = arith.addi %scan3A_94, %add3A_148 : i32
          %mul3A_150 = arith.constant 16 : i32
          %mul3A_151 = arith.muli %add3A_149, %mul3A_150 : i32
          %add3A_152 = arith.addi %mul3A_2, %mul3A_151 : i32
          %dma_start3A_153 = arith.constant 0 : i32
          %dma_start3A_154 = arith.constant 0 : i32
          %dma_start3A_155 = tpu.memref_slice %arg3[%scan3A, %dma_start3A_153, %dma_start3A_154] : memref<2x2560x128xi32, #tpu.memory_space<hbm>> -> memref<1x2560x128xi32, #tpu.memory_space<hbm>>
          %dma_start3A_156 = tpu.memref_squeeze %dma_start3A_155 : memref<1x2560x128xi32, #tpu.memory_space<hbm>> -> memref<2560x128xi32, #tpu.memory_space<hbm>>
          %dma_start3A_157 = arith.constant 0 : i32
          %dma_start3A_158 = tpu.memref_slice %dma_start3A_156[%add3A_152, %dma_start3A_157] : memref<2560x128xi32, #tpu.memory_space<hbm>> -> memref<16x128xi32, #tpu.memory_space<hbm>>
          %dma_start3A_159 = arith.constant 0 : i32
          %dma_start3A_160 = arith.constant 0 : i32
          %dma_start3A_161 = tpu.memref_slice %arg3[%scan3A, %dma_start3A_159, %dma_start3A_160] : memref<2x2560x128xi32, #tpu.memory_space<hbm>> -> memref<1x2560x128xi32, #tpu.memory_space<hbm>>
          %dma_start3A_162 = tpu.memref_squeeze %dma_start3A_161 : memref<1x2560x128xi32, #tpu.memory_space<hbm>> -> memref<2560x128xi32, #tpu.memory_space<hbm>>
          %dma_start3A_163 = arith.constant 0 : i32
          %dma_start3A_164 = tpu.memref_slice %dma_start3A_162[%add3A_152, %dma_start3A_163] : memref<2560x128xi32, #tpu.memory_space<hbm>> -> memref<16x128xi32, #tpu.memory_space<hbm>>
          tpu.enqueue_dma source(%dma_start3A_164 : memref<16x128xi32, #tpu.memory_space<hbm>>) target(%arg7 : memref<16x128xi32, #tpu.memory_space<vmem>>) target_semaphore(%arg17 : memref<!tpu.dma_semaphore, #tpu.memory_space<semaphore_mem>>)
          %dma_start3A_165 = arith.constant 0 : i32
          %dma_start3A_166 = arith.constant 0 : i32
          %dma_start3A_167 = tpu.memref_slice %arg3[%scan3A_75, %dma_start3A_165, %dma_start3A_166] : memref<2x2560x128xi32, #tpu.memory_space<hbm>> -> memref<1x2560x128xi32, #tpu.memory_space<hbm>>
          %dma_start3A_168 = tpu.memref_squeeze %dma_start3A_167 : memref<1x2560x128xi32, #tpu.memory_space<hbm>> -> memref<2560x128xi32, #tpu.memory_space<hbm>>
          %dma_start3A_169 = arith.constant 0 : i32
          %dma_start3A_170 = tpu.memref_slice %dma_start3A_168[%add3A_152, %dma_start3A_169] : memref<2560x128xi32, #tpu.memory_space<hbm>> -> memref<16x128xi32, #tpu.memory_space<hbm>>
          %dma_start3A_171 = arith.constant 0 : i32
          %dma_start3A_172 = arith.constant 0 : i32
          %dma_start3A_173 = tpu.memref_slice %arg3[%scan3A_75, %dma_start3A_171, %dma_start3A_172] : memref<2x2560x128xi32, #tpu.memory_space<hbm>> -> memref<1x2560x128xi32, #tpu.memory_space<hbm>>
          %dma_start3A_174 = tpu.memref_squeeze %dma_start3A_173 : memref<1x2560x128xi32, #tpu.memory_space<hbm>> -> memref<2560x128xi32, #tpu.memory_space<hbm>>
          %dma_start3A_175 = arith.constant 0 : i32
          %dma_start3A_176 = tpu.memref_slice %dma_start3A_174[%add3A_152, %dma_start3A_175] : memref<2560x128xi32, #tpu.memory_space<hbm>> -> memref<16x128xi32, #tpu.memory_space<hbm>>
          tpu.enqueue_dma source(%dma_start3A_176 : memref<16x128xi32, #tpu.memory_space<hbm>>) target(%arg8 : memref<16x128xi32, #tpu.memory_space<vmem>>) target_semaphore(%arg17 : memref<!tpu.dma_semaphore, #tpu.memory_space<semaphore_mem>>)
        } else {
        }
        %scan3A_141 = arith.constant 0 : i32
        %scan3A_142 = arith.constant 0 : i32
        %scan3A_143 = arith.constant 8 : i32
        %scan3A_144 = arith.addi %scan3A_142, %scan3A_143 : i32
        %scan3A_145 = arith.constant 1 : i32
        %scan3A_146 = scf.for %scan3A_148 = %scan3A_142 to %scan3A_144 step %scan3A_145 iter_args(%scan3A_149 = %scan3A_141) -> (i32)  : i32 {
          %mul3A_150 = arith.constant 2 : i32
          %mul3A_151 = arith.muli %mul3A_150, %scan3A_148 : i32
          %dma_wait3A_152 = arith.constant 0 : i32
          %dma_wait3A_153 = tpu.memref_slice %arg5[%mul3A_151, %dma_wait3A_152] : memref<16x128xi32, #tpu.memory_space<vmem>> -> memref<1x128xi32, #tpu.memory_space<vmem>>
          %dma_wait3A_154 = tpu.memref_squeeze %dma_wait3A_153 : memref<1x128xi32, #tpu.memory_space<vmem>> -> memref<128xi32, #tpu.memory_space<vmem>>
          %dma_wait3A_155 = arith.constant 0 : i32
          %dma_wait3A_156 = arith.constant 0 : i32
          %dma_wait3A_157 = tpu.memref_slice %arg2[%dma_wait3A_155, %dma_wait3A_156] : memref<10000x128xf32, #tpu.memory_space<hbm>> -> memref<10000x128xf32, #tpu.memory_space<hbm>>
          tpu.wait_indirect_dma semaphore(%arg12 : memref<!tpu.dma_semaphore, #tpu.memory_space<semaphore_mem>>) src(%dma_wait3A_157 : memref<10000x128xf32, #tpu.memory_space<hbm>>) dst(%arg9 : memref<128x128xf32, #tpu.memory_space<vmem>>)
          %mul3A_158 = arith.constant 2 : i32
          %mul3A_159 = arith.muli %mul3A_158, %scan3A_148 : i32
          "tpu.region"() ({
            %run_scoped3A = tpu.sem_alloc : memref<!tpu.dma_semaphore, #tpu.memory_space<semaphore_mem>>
            %dma_start3A_195 = arith.constant 0 : i32
            %dma_start3A_196 = tpu.memref_slice %arg6[%mul3A_159, %dma_start3A_195] : memref<16x128xi32, #tpu.memory_space<vmem>> -> memref<1x128xi32, #tpu.memory_space<vmem>>
            %dma_start3A_197 = tpu.memref_squeeze %dma_start3A_196 : memref<1x128xi32, #tpu.memory_space<vmem>> -> memref<128xi32, #tpu.memory_space<vmem>>
            %dma_start3A_198 = arith.constant 0 : i32
            %dma_start3A_199 = arith.constant 0 : i32
            %dma_start3A_200 = tpu.memref_slice %arg11[%dma_start3A_198, %dma_start3A_199] : memref<10128x128xf32, #tpu.memory_space<vmem_shared>> -> memref<10128x128xf32, #tpu.memory_space<vmem_shared>>
            tpu.enqueue_indirect_dma source(%arg9 : memref<128x128xf32, #tpu.memory_space<vmem>>) target(%dma_start3A_200 : memref<10128x128xf32, #tpu.memory_space<vmem_shared>>) offsets(%dma_start3A_197 : memref<128xi32, #tpu.memory_space<vmem>>) semaphore(%run_scoped3A : memref<!tpu.dma_semaphore, #tpu.memory_space<semaphore_mem>>) {add = true}
            %dma_wait3A_201 = arith.constant 0 : i32
            %dma_wait3A_202 = tpu.memref_slice %arg6[%mul3A_159, %dma_wait3A_201] : memref<16x128xi32, #tpu.memory_space<vmem>> -> memref<1x128xi32, #tpu.memory_space<vmem>>
            %dma_wait3A_203 = tpu.memref_squeeze %dma_wait3A_202 : memref<1x128xi32, #tpu.memory_space<vmem>> -> memref<128xi32, #tpu.memory_space<vmem>>
            %dma_wait3A_204 = arith.constant 0 : i32
            %dma_wait3A_205 = arith.constant 0 : i32
            %dma_wait3A_206 = tpu.memref_slice %arg11[%dma_wait3A_204, %dma_wait3A_205] : memref<10128x128xf32, #tpu.memory_space<vmem_shared>> -> memref<10128x128xf32, #tpu.memory_space<vmem_shared>>
            tpu.wait_indirect_dma semaphore(%run_scoped3A : memref<!tpu.dma_semaphore, #tpu.memory_space<semaphore_mem>>) src(%arg9 : memref<128x128xf32, #tpu.memory_space<vmem>>) dst(%dma_wait3A_206 : memref<10128x128xf32, #tpu.memory_space<vmem_shared>>)
            tpu.yield
          }) : () -> ()
          %mul3A_160 = arith.constant 2 : i32
          %mul3A_161 = arith.muli %mul3A_160, %scan3A_148 : i32
          %add3A_162 = arith.constant 1 : i32
          %add3A_163 = arith.addi %mul3A_161, %add3A_162 : i32
          %dma_wait3A_164 = arith.constant 0 : i32
          %dma_wait3A_165 = tpu.memref_slice %arg5[%add3A_163, %dma_wait3A_164] : memref<16x128xi32, #tpu.memory_space<vmem>> -> memref<1x128xi32, #tpu.memory_space<vmem>>
          %dma_wait3A_166 = tpu.memref_squeeze %dma_wait3A_165 : memref<1x128xi32, #tpu.memory_space<vmem>> -> memref<128xi32, #tpu.memory_space<vmem>>
          %dma_wait3A_167 = arith.constant 0 : i32
          %dma_wait3A_168 = arith.constant 0 : i32
          %dma_wait3A_169 = tpu.memref_slice %arg2[%dma_wait3A_167, %dma_wait3A_168] : memref<10000x128xf32, #tpu.memory_space<hbm>> -> memref<10000x128xf32, #tpu.memory_space<hbm>>
          tpu.wait_indirect_dma semaphore(%arg13 : memref<!tpu.dma_semaphore, #tpu.memory_space<semaphore_mem>>) src(%dma_wait3A_169 : memref<10000x128xf32, #tpu.memory_space<hbm>>) dst(%arg10 : memref<128x128xf32, #tpu.memory_space<vmem>>)
          %lt3A_170 = arith.constant 7 : i32
          %lt3A_171 = arith.cmpi slt, %scan3A_148, %lt3A_170 : i32
          %convert_element_type3A_172 = arith.extui %lt3A_171 : i1 to i32
          %cond3A_173 = arith.constant 0 : i32
          %cond3A_174 = arith.cmpi ne, %convert_element_type3A_172, %cond3A_173 : i32
          scf.if %cond3A_174 {
            %mul3A_195 = arith.constant 2 : i32
            %mul3A_196 = arith.muli %mul3A_195, %scan3A_148 : i32
            %add3A_197 = arith.constant 2 : i32
            %add3A_198 = arith.addi %mul3A_196, %add3A_197 : i32
            %dma_start3A_199 = arith.constant 0 : i32
            %dma_start3A_200 = tpu.memref_slice %arg5[%add3A_198, %dma_start3A_199] : memref<16x128xi32, #tpu.memory_space<vmem>> -> memref<1x128xi32, #tpu.memory_space<vmem>>
            %dma_start3A_201 = tpu.memref_squeeze %dma_start3A_200 : memref<1x128xi32, #tpu.memory_space<vmem>> -> memref<128xi32, #tpu.memory_space<vmem>>
            %dma_start3A_202 = arith.constant 0 : i32
            %dma_start3A_203 = arith.constant 0 : i32
            %dma_start3A_204 = tpu.memref_slice %arg2[%dma_start3A_202, %dma_start3A_203] : memref<10000x128xf32, #tpu.memory_space<hbm>> -> memref<10000x128xf32, #tpu.memory_space<hbm>>
            tpu.enqueue_indirect_dma source(%dma_start3A_204 : memref<10000x128xf32, #tpu.memory_space<hbm>>) target(%arg9 : memref<128x128xf32, #tpu.memory_space<vmem>>) offsets(%dma_start3A_201 : memref<128xi32, #tpu.memory_space<vmem>>) semaphore(%arg12 : memref<!tpu.dma_semaphore, #tpu.memory_space<semaphore_mem>>)
          } else {
          }
          %mul3A_175 = arith.constant 2 : i32
          %mul3A_176 = arith.muli %mul3A_175, %scan3A_148 : i32
          %add3A_177 = arith.constant 1 : i32
          %add3A_178 = arith.addi %mul3A_176, %add3A_177 : i32
          "tpu.region"() ({
            %run_scoped3A = tpu.sem_alloc : memref<!tpu.dma_semaphore, #tpu.memory_space<semaphore_mem>>
            %dma_start3A_195 = arith.constant 0 : i32
            %dma_start3A_196 = tpu.memref_slice %arg6[%add3A_178, %dma_start3A_195] : memref<16x128xi32, #tpu.memory_space<vmem>> -> memref<1x128xi32, #tpu.memory_space<vmem>>
            %dma_start3A_197 = tpu.memref_squeeze %dma_start3A_196 : memref<1x128xi32, #tpu.memory_space<vmem>> -> memref<128xi32, #tpu.memory_space<vmem>>
            %dma_start3A_198 = arith.constant 0 : i32
            %dma_start3A_199 = arith.constant 0 : i32
            %dma_start3A_200 = tpu.memref_slice %arg11[%dma_start3A_198, %dma_start3A_199] : memref<10128x128xf32, #tpu.memory_space<vmem_shared>> -> memref<10128x128xf32, #tpu.memory_space<vmem_shared>>
            tpu.enqueue_indirect_dma source(%arg10 : memref<128x128xf32, #tpu.memory_space<vmem>>) target(%dma_start3A_200 : memref<10128x128xf32, #tpu.memory_space<vmem_shared>>) offsets(%dma_start3A_197 : memref<128xi32, #tpu.memory_space<vmem>>) semaphore(%run_scoped3A : memref<!tpu.dma_semaphore, #tpu.memory_space<semaphore_mem>>) {add = true}
            %dma_wait3A_201 = arith.constant 0 : i32
            %dma_wait3A_202 = tpu.memref_slice %arg6[%add3A_178, %dma_wait3A_201] : memref<16x128xi32, #tpu.memory_space<vmem>> -> memref<1x128xi32, #tpu.memory_space<vmem>>
            %dma_wait3A_203 = tpu.memref_squeeze %dma_wait3A_202 : memref<1x128xi32, #tpu.memory_space<vmem>> -> memref<128xi32, #tpu.memory_space<vmem>>
            %dma_wait3A_204 = arith.constant 0 : i32
            %dma_wait3A_205 = arith.constant 0 : i32
            %dma_wait3A_206 = tpu.memref_slice %arg11[%dma_wait3A_204, %dma_wait3A_205] : memref<10128x128xf32, #tpu.memory_space<vmem_shared>> -> memref<10128x128xf32, #tpu.memory_space<vmem_shared>>
            tpu.wait_indirect_dma semaphore(%run_scoped3A : memref<!tpu.dma_semaphore, #tpu.memory_space<semaphore_mem>>) src(%arg10 : memref<128x128xf32, #tpu.memory_space<vmem>>) dst(%dma_wait3A_206 : memref<10128x128xf32, #tpu.memory_space<vmem_shared>>)
            tpu.yield
          }) : () -> ()
          %lt3A_179 = arith.constant 7 : i32
          %lt3A_180 = arith.cmpi slt, %scan3A_148, %lt3A_179 : i32
          %convert_element_type3A_181 = arith.extui %lt3A_180 : i1 to i32
          %cond3A_182 = arith.constant 0 : i32
          %cond3A_183 = arith.cmpi ne, %convert_element_type3A_181, %cond3A_182 : i32
          scf.if %cond3A_183 {
            %mul3A_195 = arith.constant 2 : i32
            %mul3A_196 = arith.muli %mul3A_195, %scan3A_148 : i32
            %add3A_197 = arith.constant 3 : i32
            %add3A_198 = arith.addi %mul3A_196, %add3A_197 : i32
            %dma_start3A_199 = arith.constant 0 : i32
            %dma_start3A_200 = tpu.memref_slice %arg5[%add3A_198, %dma_start3A_199] : memref<16x128xi32, #tpu.memory_space<vmem>> -> memref<1x128xi32, #tpu.memory_space<vmem>>
            %dma_start3A_201 = tpu.memref_squeeze %dma_start3A_200 : memref<1x128xi32, #tpu.memory_space<vmem>> -> memref<128xi32, #tpu.memory_space<vmem>>
            %dma_start3A_202 = arith.constant 0 : i32
            %dma_start3A_203 = arith.constant 0 : i32
            %dma_start3A_204 = tpu.memref_slice %arg2[%dma_start3A_202, %dma_start3A_203] : memref<10000x128xf32, #tpu.memory_space<hbm>> -> memref<10000x128xf32, #tpu.memory_space<hbm>>
            tpu.enqueue_indirect_dma source(%dma_start3A_204 : memref<10000x128xf32, #tpu.memory_space<hbm>>) target(%arg10 : memref<128x128xf32, #tpu.memory_space<vmem>>) offsets(%dma_start3A_201 : memref<128xi32, #tpu.memory_space<vmem>>) semaphore(%arg13 : memref<!tpu.dma_semaphore, #tpu.memory_space<semaphore_mem>>)
          } else {
          }
          %eq3A_184 = arith.constant 7 : i32
          %eq3A_185 = arith.cmpi eq, %scan3A_148, %eq3A_184 : i32
          %add3A_186 = arith.constant 1 : i32
          %add3A_187 = arith.addi %scan3A_94, %add3A_186 : i32
          %lt3A_188 = arith.constant 5 : i32
          %lt3A_189 = arith.cmpi slt, %add3A_187, %lt3A_188 : i32
          %and3A_190 = arith.andi %eq3A_185, %lt3A_189 : i1
          %convert_element_type3A_191 = arith.extui %and3A_190 : i1 to i32
          %cond3A_192 = arith.constant 0 : i32
          %cond3A_193 = arith.cmpi ne, %convert_element_type3A_191, %cond3A_192 : i32
          scf.if %cond3A_193 {
            %add3A_195 = arith.constant 1 : i32
            %add3A_196 = arith.addi %scan3A_94, %add3A_195 : i32
            %mul3A_197 = arith.constant 16 : i32
            %mul3A_198 = arith.muli %add3A_196, %mul3A_197 : i32
            %add3A_199 = arith.addi %mul3A_2, %mul3A_198 : i32
            %dma_wait3A_200 = arith.constant 0 : i32
            %dma_wait3A_201 = arith.constant 0 : i32
            %dma_wait3A_202 = tpu.memref_slice %arg3[%scan3A, %dma_wait3A_200, %dma_wait3A_201] : memref<2x2560x128xi32, #tpu.memory_space<hbm>> -> memref<1x2560x128xi32, #tpu.memory_space<hbm>>
            %dma_wait3A_203 = tpu.memref_squeeze %dma_wait3A_202 : memref<1x2560x128xi32, #tpu.memory_space<hbm>> -> memref<2560x128xi32, #tpu.memory_space<hbm>>
            %dma_wait3A_204 = arith.constant 0 : i32
            %dma_wait3A_205 = tpu.memref_slice %dma_wait3A_203[%add3A_199, %dma_wait3A_204] : memref<2560x128xi32, #tpu.memory_space<hbm>> -> memref<16x128xi32, #tpu.memory_space<hbm>>
            %dma_wait3A_206 = arith.constant 0 : i32
            %dma_wait3A_207 = arith.constant 0 : i32
            %dma_wait3A_208 = tpu.memref_slice %arg3[%scan3A, %dma_wait3A_206, %dma_wait3A_207] : memref<2x2560x128xi32, #tpu.memory_space<hbm>> -> memref<1x2560x128xi32, #tpu.memory_space<hbm>>
            %dma_wait3A_209 = tpu.memref_squeeze %dma_wait3A_208 : memref<1x2560x128xi32, #tpu.memory_space<hbm>> -> memref<2560x128xi32, #tpu.memory_space<hbm>>
            %dma_wait3A_210 = arith.constant 0 : i32
            %dma_wait3A_211 = tpu.memref_slice %dma_wait3A_209[%add3A_199, %dma_wait3A_210] : memref<2560x128xi32, #tpu.memory_space<hbm>> -> memref<16x128xi32, #tpu.memory_space<hbm>>
            tpu.wait_dma2 semaphore(%arg17 : memref<!tpu.dma_semaphore, #tpu.memory_space<semaphore_mem>>) src(%dma_wait3A_211 : memref<16x128xi32, #tpu.memory_space<hbm>>) dst(%arg7 : memref<16x128xi32, #tpu.memory_space<vmem>>)
            %dma_wait3A_212 = arith.constant 0 : i32
            %dma_wait3A_213 = arith.constant 0 : i32
            %dma_wait3A_214 = tpu.memref_slice %arg3[%scan3A_75, %dma_wait3A_212, %dma_wait3A_213] : memref<2x2560x128xi32, #tpu.memory_space<hbm>> -> memref<1x2560x128xi32, #tpu.memory_space<hbm>>
            %dma_wait3A_215 = tpu.memref_squeeze %dma_wait3A_214 : memref<1x2560x128xi32, #tpu.memory_space<hbm>> -> memref<2560x128xi32, #tpu.memory_space<hbm>>
            %dma_wait3A_216 = arith.constant 0 : i32
            %dma_wait3A_217 = tpu.memref_slice %dma_wait3A_215[%add3A_199, %dma_wait3A_216] : memref<2560x128xi32, #tpu.memory_space<hbm>> -> memref<16x128xi32, #tpu.memory_space<hbm>>
            %dma_wait3A_218 = arith.constant 0 : i32
            %dma_wait3A_219 = arith.constant 0 : i32
            %dma_wait3A_220 = tpu.memref_slice %arg3[%scan3A_75, %dma_wait3A_218, %dma_wait3A_219] : memref<2x2560x128xi32, #tpu.memory_space<hbm>> -> memref<1x2560x128xi32, #tpu.memory_space<hbm>>
            %dma_wait3A_221 = tpu.memref_squeeze %dma_wait3A_220 : memref<1x2560x128xi32, #tpu.memory_space<hbm>> -> memref<2560x128xi32, #tpu.memory_space<hbm>>
            %dma_wait3A_222 = arith.constant 0 : i32
            %dma_wait3A_223 = tpu.memref_slice %dma_wait3A_221[%add3A_199, %dma_wait3A_222] : memref<2560x128xi32, #tpu.memory_space<hbm>> -> memref<16x128xi32, #tpu.memory_space<hbm>>
            tpu.wait_dma2 semaphore(%arg17 : memref<!tpu.dma_semaphore, #tpu.memory_space<semaphore_mem>>) src(%dma_wait3A_223 : memref<16x128xi32, #tpu.memory_space<hbm>>) dst(%arg8 : memref<16x128xi32, #tpu.memory_space<vmem>>)
            %dma_start3A_224 = arith.constant 0 : i32
            %dma_start3A_225 = arith.constant 0 : i32
            %dma_start3A_226 = tpu.memref_slice %arg7[%dma_start3A_224, %dma_start3A_225] : memref<16x128xi32, #tpu.memory_space<vmem>> -> memref<1x128xi32, #tpu.memory_space<vmem>>
            %dma_start3A_227 = tpu.memref_squeeze %dma_start3A_226 : memref<1x128xi32, #tpu.memory_space<vmem>> -> memref<128xi32, #tpu.memory_space<vmem>>
            %dma_start3A_228 = arith.constant 0 : i32
            %dma_start3A_229 = arith.constant 0 : i32
            %dma_start3A_230 = tpu.memref_slice %arg2[%dma_start3A_228, %dma_start3A_229] : memref<10000x128xf32, #tpu.memory_space<hbm>> -> memref<10000x128xf32, #tpu.memory_space<hbm>>
            tpu.enqueue_indirect_dma source(%dma_start3A_230 : memref<10000x128xf32, #tpu.memory_space<hbm>>) target(%arg9 : memref<128x128xf32, #tpu.memory_space<vmem>>) offsets(%dma_start3A_227 : memref<128xi32, #tpu.memory_space<vmem>>) semaphore(%arg12 : memref<!tpu.dma_semaphore, #tpu.memory_space<semaphore_mem>>)
            %dma_start3A_231 = arith.constant 1 : i32
            %dma_start3A_232 = arith.constant 0 : i32
            %dma_start3A_233 = tpu.memref_slice %arg7[%dma_start3A_231, %dma_start3A_232] : memref<16x128xi32, #tpu.memory_space<vmem>> -> memref<1x128xi32, #tpu.memory_space<vmem>>
            %dma_start3A_234 = tpu.memref_squeeze %dma_start3A_233 : memref<1x128xi32, #tpu.memory_space<vmem>> -> memref<128xi32, #tpu.memory_space<vmem>>
            %dma_start3A_235 = arith.constant 0 : i32
            %dma_start3A_236 = arith.constant 0 : i32
            %dma_start3A_237 = tpu.memref_slice %arg2[%dma_start3A_235, %dma_start3A_236] : memref<10000x128xf32, #tpu.memory_space<hbm>> -> memref<10000x128xf32, #tpu.memory_space<hbm>>
            tpu.enqueue_indirect_dma source(%dma_start3A_237 : memref<10000x128xf32, #tpu.memory_space<hbm>>) target(%arg10 : memref<128x128xf32, #tpu.memory_space<vmem>>) offsets(%dma_start3A_234 : memref<128xi32, #tpu.memory_space<vmem>>) semaphore(%arg13 : memref<!tpu.dma_semaphore, #tpu.memory_space<semaphore_mem>>)
          } else {
          }
          %scan3A_194 = arith.constant 0 : i32
          scf.yield %scan3A_194 : i32
        }
        %scan3A_147 = arith.constant 8 : i32
      } else {
      }
      %jit3A_112 = arith.constant 2 : i32
      %eq3A_113 = arith.constant 0 : i32
      %eq3A_114 = arith.cmpi eq, %jit3A_112, %eq3A_113 : i32
      %jit3A_115 = arith.constant 1 : i32
      %select_n3A_116 = arith.select %eq3A_114, %jit3A_115, %jit3A_112 : i32
      %rem3A_117 = arith.remsi %scan3A_94, %select_n3A_116 : i32
      %ne3A_118 = arith.constant 0 : i32
      %ne3A_119 = arith.cmpi ne, %rem3A_117, %ne3A_118 : i32
      %lt3A_120 = arith.constant 0 : i32
      %lt3A_121 = arith.cmpi slt, %rem3A_117, %lt3A_120 : i32
      %lt3A_122 = arith.constant 0 : i32
      %lt3A_123 = arith.cmpi slt, %select_n3A_116, %lt3A_122 : i32
      %ne3A_124 = arith.xori %lt3A_121, %lt3A_123 : i1
      %and3A_125 = arith.andi %ne3A_124, %ne3A_119 : i1
      %add3A_126 = arith.addi %rem3A_117, %select_n3A_116 : i32
      %select_n3A_127 = arith.select %and3A_125, %add3A_126, %rem3A_117 : i32
      %eq3A_128 = arith.constant 1 : i32
      %eq3A_129 = arith.cmpi eq, %select_n3A_127, %eq3A_128 : i32
      %convert_element_type3A_130 = arith.extui %eq3A_129 : i1 to i32
      %cond3A_131 = arith.constant 0 : i32
      %cond3A_132 = arith.cmpi ne, %convert_element_type3A_130, %cond3A_131 : i32
      scf.if %cond3A_132 {
        %add3A_134 = arith.constant 1 : i32
        %add3A_135 = arith.addi %scan3A_94, %add3A_134 : i32
        %lt3A_136 = arith.constant 5 : i32
        %lt3A_137 = arith.cmpi slt, %add3A_135, %lt3A_136 : i32
        %convert_element_type3A_138 = arith.extui %lt3A_137 : i1 to i32
        %cond3A_139 = arith.constant 0 : i32
        %cond3A_140 = arith.cmpi ne, %convert_element_type3A_138, %cond3A_139 : i32
        scf.if %cond3A_140 {
          %add3A_148 = arith.constant 1 : i32
          %add3A_149 = arith.addi %scan3A_94, %add3A_148 : i32
          %mul3A_150 = arith.constant 16 : i32
          %mul3A_151 = arith.muli %add3A_149, %mul3A_150 : i32
          %add3A_152 = arith.addi %mul3A_2, %mul3A_151 : i32
          %dma_start3A_153 = arith.constant 0 : i32
          %dma_start3A_154 = arith.constant 0 : i32
          %dma_start3A_155 = tpu.memref_slice %arg3[%scan3A, %dma_start3A_153, %dma_start3A_154] : memref<2x2560x128xi32, #tpu.memory_space<hbm>> -> memref<1x2560x128xi32, #tpu.memory_space<hbm>>
          %dma_start3A_156 = tpu.memref_squeeze %dma_start3A_155 : memref<1x2560x128xi32, #tpu.memory_space<hbm>> -> memref<2560x128xi32, #tpu.memory_space<hbm>>
          %dma_start3A_157 = arith.constant 0 : i32
          %dma_start3A_158 = tpu.memref_slice %dma_start3A_156[%add3A_152, %dma_start3A_157] : memref<2560x128xi32, #tpu.memory_space<hbm>> -> memref<16x128xi32, #tpu.memory_space<hbm>>
          %dma_start3A_159 = arith.constant 0 : i32
          %dma_start3A_160 = arith.constant 0 : i32
          %dma_start3A_161 = tpu.memref_slice %arg3[%scan3A, %dma_start3A_159, %dma_start3A_160] : memref<2x2560x128xi32, #tpu.memory_space<hbm>> -> memref<1x2560x128xi32, #tpu.memory_space<hbm>>
          %dma_start3A_162 = tpu.memref_squeeze %dma_start3A_161 : memref<1x2560x128xi32, #tpu.memory_space<hbm>> -> memref<2560x128xi32, #tpu.memory_space<hbm>>
          %dma_start3A_163 = arith.constant 0 : i32
          %dma_start3A_164 = tpu.memref_slice %dma_start3A_162[%add3A_152, %dma_start3A_163] : memref<2560x128xi32, #tpu.memory_space<hbm>> -> memref<16x128xi32, #tpu.memory_space<hbm>>
          tpu.enqueue_dma source(%dma_start3A_164 : memref<16x128xi32, #tpu.memory_space<hbm>>) target(%arg5 : memref<16x128xi32, #tpu.memory_space<vmem>>) target_semaphore(%arg16 : memref<!tpu.dma_semaphore, #tpu.memory_space<semaphore_mem>>)
          %dma_start3A_165 = arith.constant 0 : i32
          %dma_start3A_166 = arith.constant 0 : i32
          %dma_start3A_167 = tpu.memref_slice %arg3[%scan3A_75, %dma_start3A_165, %dma_start3A_166] : memref<2x2560x128xi32, #tpu.memory_space<hbm>> -> memref<1x2560x128xi32, #tpu.memory_space<hbm>>
          %dma_start3A_168 = tpu.memref_squeeze %dma_start3A_167 : memref<1x2560x128xi32, #tpu.memory_space<hbm>> -> memref<2560x128xi32, #tpu.memory_space<hbm>>
          %dma_start3A_169 = arith.constant 0 : i32
          %dma_start3A_170 = tpu.memref_slice %dma_start3A_168[%add3A_152, %dma_start3A_169] : memref<2560x128xi32, #tpu.memory_space<hbm>> -> memref<16x128xi32, #tpu.memory_space<hbm>>
          %dma_start3A_171 = arith.constant 0 : i32
          %dma_start3A_172 = arith.constant 0 : i32
          %dma_start3A_173 = tpu.memref_slice %arg3[%scan3A_75, %dma_start3A_171, %dma_start3A_172] : memref<2x2560x128xi32, #tpu.memory_space<hbm>> -> memref<1x2560x128xi32, #tpu.memory_space<hbm>>
          %dma_start3A_174 = tpu.memref_squeeze %dma_start3A_173 : memref<1x2560x128xi32, #tpu.memory_space<hbm>> -> memref<2560x128xi32, #tpu.memory_space<hbm>>
          %dma_start3A_175 = arith.constant 0 : i32
          %dma_start3A_176 = tpu.memref_slice %dma_start3A_174[%add3A_152, %dma_start3A_175] : memref<2560x128xi32, #tpu.memory_space<hbm>> -> memref<16x128xi32, #tpu.memory_space<hbm>>
          tpu.enqueue_dma source(%dma_start3A_176 : memref<16x128xi32, #tpu.memory_space<hbm>>) target(%arg6 : memref<16x128xi32, #tpu.memory_space<vmem>>) target_semaphore(%arg16 : memref<!tpu.dma_semaphore, #tpu.memory_space<semaphore_mem>>)
        } else {
        }
        %scan3A_141 = arith.constant 0 : i32
        %scan3A_142 = arith.constant 0 : i32
        %scan3A_143 = arith.constant 8 : i32
        %scan3A_144 = arith.addi %scan3A_142, %scan3A_143 : i32
        %scan3A_145 = arith.constant 1 : i32
        %scan3A_146 = scf.for %scan3A_148 = %scan3A_142 to %scan3A_144 step %scan3A_145 iter_args(%scan3A_149 = %scan3A_141) -> (i32)  : i32 {
          %mul3A_150 = arith.constant 2 : i32
          %mul3A_151 = arith.muli %mul3A_150, %scan3A_148 : i32
          %dma_wait3A_152 = arith.constant 0 : i32
          %dma_wait3A_153 = tpu.memref_slice %arg7[%mul3A_151, %dma_wait3A_152] : memref<16x128xi32, #tpu.memory_space<vmem>> -> memref<1x128xi32, #tpu.memory_space<vmem>>
          %dma_wait3A_154 = tpu.memref_squeeze %dma_wait3A_153 : memref<1x128xi32, #tpu.memory_space<vmem>> -> memref<128xi32, #tpu.memory_space<vmem>>
          %dma_wait3A_155 = arith.constant 0 : i32
          %dma_wait3A_156 = arith.constant 0 : i32
          %dma_wait3A_157 = tpu.memref_slice %arg2[%dma_wait3A_155, %dma_wait3A_156] : memref<10000x128xf32, #tpu.memory_space<hbm>> -> memref<10000x128xf32, #tpu.memory_space<hbm>>
          tpu.wait_indirect_dma semaphore(%arg12 : memref<!tpu.dma_semaphore, #tpu.memory_space<semaphore_mem>>) src(%dma_wait3A_157 : memref<10000x128xf32, #tpu.memory_space<hbm>>) dst(%arg9 : memref<128x128xf32, #tpu.memory_space<vmem>>)
          %mul3A_158 = arith.constant 2 : i32
          %mul3A_159 = arith.muli %mul3A_158, %scan3A_148 : i32
          "tpu.region"() ({
            %run_scoped3A = tpu.sem_alloc : memref<!tpu.dma_semaphore, #tpu.memory_space<semaphore_mem>>
            %dma_start3A_195 = arith.constant 0 : i32
            %dma_start3A_196 = tpu.memref_slice %arg8[%mul3A_159, %dma_start3A_195] : memref<16x128xi32, #tpu.memory_space<vmem>> -> memref<1x128xi32, #tpu.memory_space<vmem>>
            %dma_start3A_197 = tpu.memref_squeeze %dma_start3A_196 : memref<1x128xi32, #tpu.memory_space<vmem>> -> memref<128xi32, #tpu.memory_space<vmem>>
            %dma_start3A_198 = arith.constant 0 : i32
            %dma_start3A_199 = arith.constant 0 : i32
            %dma_start3A_200 = tpu.memref_slice %arg11[%dma_start3A_198, %dma_start3A_199] : memref<10128x128xf32, #tpu.memory_space<vmem_shared>> -> memref<10128x128xf32, #tpu.memory_space<vmem_shared>>
            tpu.enqueue_indirect_dma source(%arg9 : memref<128x128xf32, #tpu.memory_space<vmem>>) target(%dma_start3A_200 : memref<10128x128xf32, #tpu.memory_space<vmem_shared>>) offsets(%dma_start3A_197 : memref<128xi32, #tpu.memory_space<vmem>>) semaphore(%run_scoped3A : memref<!tpu.dma_semaphore, #tpu.memory_space<semaphore_mem>>) {add = true}
            %dma_wait3A_201 = arith.constant 0 : i32
            %dma_wait3A_202 = tpu.memref_slice %arg8[%mul3A_159, %dma_wait3A_201] : memref<16x128xi32, #tpu.memory_space<vmem>> -> memref<1x128xi32, #tpu.memory_space<vmem>>
            %dma_wait3A_203 = tpu.memref_squeeze %dma_wait3A_202 : memref<1x128xi32, #tpu.memory_space<vmem>> -> memref<128xi32, #tpu.memory_space<vmem>>
            %dma_wait3A_204 = arith.constant 0 : i32
            %dma_wait3A_205 = arith.constant 0 : i32
            %dma_wait3A_206 = tpu.memref_slice %arg11[%dma_wait3A_204, %dma_wait3A_205] : memref<10128x128xf32, #tpu.memory_space<vmem_shared>> -> memref<10128x128xf32, #tpu.memory_space<vmem_shared>>
            tpu.wait_indirect_dma semaphore(%run_scoped3A : memref<!tpu.dma_semaphore, #tpu.memory_space<semaphore_mem>>) src(%arg9 : memref<128x128xf32, #tpu.memory_space<vmem>>) dst(%dma_wait3A_206 : memref<10128x128xf32, #tpu.memory_space<vmem_shared>>)
            tpu.yield
          }) : () -> ()
          %mul3A_160 = arith.constant 2 : i32
          %mul3A_161 = arith.muli %mul3A_160, %scan3A_148 : i32
          %add3A_162 = arith.constant 1 : i32
          %add3A_163 = arith.addi %mul3A_161, %add3A_162 : i32
          %dma_wait3A_164 = arith.constant 0 : i32
          %dma_wait3A_165 = tpu.memref_slice %arg7[%add3A_163, %dma_wait3A_164] : memref<16x128xi32, #tpu.memory_space<vmem>> -> memref<1x128xi32, #tpu.memory_space<vmem>>
          %dma_wait3A_166 = tpu.memref_squeeze %dma_wait3A_165 : memref<1x128xi32, #tpu.memory_space<vmem>> -> memref<128xi32, #tpu.memory_space<vmem>>
          %dma_wait3A_167 = arith.constant 0 : i32
          %dma_wait3A_168 = arith.constant 0 : i32
          %dma_wait3A_169 = tpu.memref_slice %arg2[%dma_wait3A_167, %dma_wait3A_168] : memref<10000x128xf32, #tpu.memory_space<hbm>> -> memref<10000x128xf32, #tpu.memory_space<hbm>>
          tpu.wait_indirect_dma semaphore(%arg13 : memref<!tpu.dma_semaphore, #tpu.memory_space<semaphore_mem>>) src(%dma_wait3A_169 : memref<10000x128xf32, #tpu.memory_space<hbm>>) dst(%arg10 : memref<128x128xf32, #tpu.memory_space<vmem>>)
          %lt3A_170 = arith.constant 7 : i32
          %lt3A_171 = arith.cmpi slt, %scan3A_148, %lt3A_170 : i32
          %convert_element_type3A_172 = arith.extui %lt3A_171 : i1 to i32
          %cond3A_173 = arith.constant 0 : i32
          %cond3A_174 = arith.cmpi ne, %convert_element_type3A_172, %cond3A_173 : i32
          scf.if %cond3A_174 {
            %mul3A_195 = arith.constant 2 : i32
            %mul3A_196 = arith.muli %mul3A_195, %scan3A_148 : i32
            %add3A_197 = arith.constant 2 : i32
            %add3A_198 = arith.addi %mul3A_196, %add3A_197 : i32
            %dma_start3A_199 = arith.constant 0 : i32
            %dma_start3A_200 = tpu.memref_slice %arg7[%add3A_198, %dma_start3A_199] : memref<16x128xi32, #tpu.memory_space<vmem>> -> memref<1x128xi32, #tpu.memory_space<vmem>>
            %dma_start3A_201 = tpu.memref_squeeze %dma_start3A_200 : memref<1x128xi32, #tpu.memory_space<vmem>> -> memref<128xi32, #tpu.memory_space<vmem>>
            %dma_start3A_202 = arith.constant 0 : i32
            %dma_start3A_203 = arith.constant 0 : i32
            %dma_start3A_204 = tpu.memref_slice %arg2[%dma_start3A_202, %dma_start3A_203] : memref<10000x128xf32, #tpu.memory_space<hbm>> -> memref<10000x128xf32, #tpu.memory_space<hbm>>
            tpu.enqueue_indirect_dma source(%dma_start3A_204 : memref<10000x128xf32, #tpu.memory_space<hbm>>) target(%arg9 : memref<128x128xf32, #tpu.memory_space<vmem>>) offsets(%dma_start3A_201 : memref<128xi32, #tpu.memory_space<vmem>>) semaphore(%arg12 : memref<!tpu.dma_semaphore, #tpu.memory_space<semaphore_mem>>)
          } else {
          }
          %mul3A_175 = arith.constant 2 : i32
          %mul3A_176 = arith.muli %mul3A_175, %scan3A_148 : i32
          %add3A_177 = arith.constant 1 : i32
          %add3A_178 = arith.addi %mul3A_176, %add3A_177 : i32
          "tpu.region"() ({
            %run_scoped3A = tpu.sem_alloc : memref<!tpu.dma_semaphore, #tpu.memory_space<semaphore_mem>>
            %dma_start3A_195 = arith.constant 0 : i32
            %dma_start3A_196 = tpu.memref_slice %arg8[%add3A_178, %dma_start3A_195] : memref<16x128xi32, #tpu.memory_space<vmem>> -> memref<1x128xi32, #tpu.memory_space<vmem>>
            %dma_start3A_197 = tpu.memref_squeeze %dma_start3A_196 : memref<1x128xi32, #tpu.memory_space<vmem>> -> memref<128xi32, #tpu.memory_space<vmem>>
            %dma_start3A_198 = arith.constant 0 : i32
            %dma_start3A_199 = arith.constant 0 : i32
            %dma_start3A_200 = tpu.memref_slice %arg11[%dma_start3A_198, %dma_start3A_199] : memref<10128x128xf32, #tpu.memory_space<vmem_shared>> -> memref<10128x128xf32, #tpu.memory_space<vmem_shared>>
            tpu.enqueue_indirect_dma source(%arg10 : memref<128x128xf32, #tpu.memory_space<vmem>>) target(%dma_start3A_200 : memref<10128x128xf32, #tpu.memory_space<vmem_shared>>) offsets(%dma_start3A_197 : memref<128xi32, #tpu.memory_space<vmem>>) semaphore(%run_scoped3A : memref<!tpu.dma_semaphore, #tpu.memory_space<semaphore_mem>>) {add = true}
            %dma_wait3A_201 = arith.constant 0 : i32
            %dma_wait3A_202 = tpu.memref_slice %arg8[%add3A_178, %dma_wait3A_201] : memref<16x128xi32, #tpu.memory_space<vmem>> -> memref<1x128xi32, #tpu.memory_space<vmem>>
            %dma_wait3A_203 = tpu.memref_squeeze %dma_wait3A_202 : memref<1x128xi32, #tpu.memory_space<vmem>> -> memref<128xi32, #tpu.memory_space<vmem>>
            %dma_wait3A_204 = arith.constant 0 : i32
            %dma_wait3A_205 = arith.constant 0 : i32
            %dma_wait3A_206 = tpu.memref_slice %arg11[%dma_wait3A_204, %dma_wait3A_205] : memref<10128x128xf32, #tpu.memory_space<vmem_shared>> -> memref<10128x128xf32, #tpu.memory_space<vmem_shared>>
            tpu.wait_indirect_dma semaphore(%run_scoped3A : memref<!tpu.dma_semaphore, #tpu.memory_space<semaphore_mem>>) src(%arg10 : memref<128x128xf32, #tpu.memory_space<vmem>>) dst(%dma_wait3A_206 : memref<10128x128xf32, #tpu.memory_space<vmem_shared>>)
            tpu.yield
          }) : () -> ()
          %lt3A_179 = arith.constant 7 : i32
          %lt3A_180 = arith.cmpi slt, %scan3A_148, %lt3A_179 : i32
          %convert_element_type3A_181 = arith.extui %lt3A_180 : i1 to i32
          %cond3A_182 = arith.constant 0 : i32
          %cond3A_183 = arith.cmpi ne, %convert_element_type3A_181, %cond3A_182 : i32
          scf.if %cond3A_183 {
            %mul3A_195 = arith.constant 2 : i32
            %mul3A_196 = arith.muli %mul3A_195, %scan3A_148 : i32
            %add3A_197 = arith.constant 3 : i32
            %add3A_198 = arith.addi %mul3A_196, %add3A_197 : i32
            %dma_start3A_199 = arith.constant 0 : i32
            %dma_start3A_200 = tpu.memref_slice %arg7[%add3A_198, %dma_start3A_199] : memref<16x128xi32, #tpu.memory_space<vmem>> -> memref<1x128xi32, #tpu.memory_space<vmem>>
            %dma_start3A_201 = tpu.memref_squeeze %dma_start3A_200 : memref<1x128xi32, #tpu.memory_space<vmem>> -> memref<128xi32, #tpu.memory_space<vmem>>
            %dma_start3A_202 = arith.constant 0 : i32
            %dma_start3A_203 = arith.constant 0 : i32
            %dma_start3A_204 = tpu.memref_slice %arg2[%dma_start3A_202, %dma_start3A_203] : memref<10000x128xf32, #tpu.memory_space<hbm>> -> memref<10000x128xf32, #tpu.memory_space<hbm>>
            tpu.enqueue_indirect_dma source(%dma_start3A_204 : memref<10000x128xf32, #tpu.memory_space<hbm>>) target(%arg10 : memref<128x128xf32, #tpu.memory_space<vmem>>) offsets(%dma_start3A_201 : memref<128xi32, #tpu.memory_space<vmem>>) semaphore(%arg13 : memref<!tpu.dma_semaphore, #tpu.memory_space<semaphore_mem>>)
          } else {
          }
          %eq3A_184 = arith.constant 7 : i32
          %eq3A_185 = arith.cmpi eq, %scan3A_148, %eq3A_184 : i32
          %add3A_186 = arith.constant 1 : i32
          %add3A_187 = arith.addi %scan3A_94, %add3A_186 : i32
          %lt3A_188 = arith.constant 5 : i32
          %lt3A_189 = arith.cmpi slt, %add3A_187, %lt3A_188 : i32
          %and3A_190 = arith.andi %eq3A_185, %lt3A_189 : i1
          %convert_element_type3A_191 = arith.extui %and3A_190 : i1 to i32
          %cond3A_192 = arith.constant 0 : i32
          %cond3A_193 = arith.cmpi ne, %convert_element_type3A_191, %cond3A_192 : i32
          scf.if %cond3A_193 {
            %add3A_195 = arith.constant 1 : i32
            %add3A_196 = arith.addi %scan3A_94, %add3A_195 : i32
            %mul3A_197 = arith.constant 16 : i32
            %mul3A_198 = arith.muli %add3A_196, %mul3A_197 : i32
            %add3A_199 = arith.addi %mul3A_2, %mul3A_198 : i32
            %dma_wait3A_200 = arith.constant 0 : i32
            %dma_wait3A_201 = arith.constant 0 : i32
            %dma_wait3A_202 = tpu.memref_slice %arg3[%scan3A, %dma_wait3A_200, %dma_wait3A_201] : memref<2x2560x128xi32, #tpu.memory_space<hbm>> -> memref<1x2560x128xi32, #tpu.memory_space<hbm>>
            %dma_wait3A_203 = tpu.memref_squeeze %dma_wait3A_202 : memref<1x2560x128xi32, #tpu.memory_space<hbm>> -> memref<2560x128xi32, #tpu.memory_space<hbm>>
            %dma_wait3A_204 = arith.constant 0 : i32
            %dma_wait3A_205 = tpu.memref_slice %dma_wait3A_203[%add3A_199, %dma_wait3A_204] : memref<2560x128xi32, #tpu.memory_space<hbm>> -> memref<16x128xi32, #tpu.memory_space<hbm>>
            %dma_wait3A_206 = arith.constant 0 : i32
            %dma_wait3A_207 = arith.constant 0 : i32
            %dma_wait3A_208 = tpu.memref_slice %arg3[%scan3A, %dma_wait3A_206, %dma_wait3A_207] : memref<2x2560x128xi32, #tpu.memory_space<hbm>> -> memref<1x2560x128xi32, #tpu.memory_space<hbm>>
            %dma_wait3A_209 = tpu.memref_squeeze %dma_wait3A_208 : memref<1x2560x128xi32, #tpu.memory_space<hbm>> -> memref<2560x128xi32, #tpu.memory_space<hbm>>
            %dma_wait3A_210 = arith.constant 0 : i32
            %dma_wait3A_211 = tpu.memref_slice %dma_wait3A_209[%add3A_199, %dma_wait3A_210] : memref<2560x128xi32, #tpu.memory_space<hbm>> -> memref<16x128xi32, #tpu.memory_space<hbm>>
            tpu.wait_dma2 semaphore(%arg16 : memref<!tpu.dma_semaphore, #tpu.memory_space<semaphore_mem>>) src(%dma_wait3A_211 : memref<16x128xi32, #tpu.memory_space<hbm>>) dst(%arg5 : memref<16x128xi32, #tpu.memory_space<vmem>>)
            %dma_wait3A_212 = arith.constant 0 : i32
            %dma_wait3A_213 = arith.constant 0 : i32
            %dma_wait3A_214 = tpu.memref_slice %arg3[%scan3A_75, %dma_wait3A_212, %dma_wait3A_213] : memref<2x2560x128xi32, #tpu.memory_space<hbm>> -> memref<1x2560x128xi32, #tpu.memory_space<hbm>>
            %dma_wait3A_215 = tpu.memref_squeeze %dma_wait3A_214 : memref<1x2560x128xi32, #tpu.memory_space<hbm>> -> memref<2560x128xi32, #tpu.memory_space<hbm>>
            %dma_wait3A_216 = arith.constant 0 : i32
            %dma_wait3A_217 = tpu.memref_slice %dma_wait3A_215[%add3A_199, %dma_wait3A_216] : memref<2560x128xi32, #tpu.memory_space<hbm>> -> memref<16x128xi32, #tpu.memory_space<hbm>>
            %dma_wait3A_218 = arith.constant 0 : i32
            %dma_wait3A_219 = arith.constant 0 : i32
            %dma_wait3A_220 = tpu.memref_slice %arg3[%scan3A_75, %dma_wait3A_218, %dma_wait3A_219] : memref<2x2560x128xi32, #tpu.memory_space<hbm>> -> memref<1x2560x128xi32, #tpu.memory_space<hbm>>
            %dma_wait3A_221 = tpu.memref_squeeze %dma_wait3A_220 : memref<1x2560x128xi32, #tpu.memory_space<hbm>> -> memref<2560x128xi32, #tpu.memory_space<hbm>>
            %dma_wait3A_222 = arith.constant 0 : i32
            %dma_wait3A_223 = tpu.memref_slice %dma_wait3A_221[%add3A_199, %dma_wait3A_222] : memref<2560x128xi32, #tpu.memory_space<hbm>> -> memref<16x128xi32, #tpu.memory_space<hbm>>
            tpu.wait_dma2 semaphore(%arg16 : memref<!tpu.dma_semaphore, #tpu.memory_space<semaphore_mem>>) src(%dma_wait3A_223 : memref<16x128xi32, #tpu.memory_space<hbm>>) dst(%arg6 : memref<16x128xi32, #tpu.memory_space<vmem>>)
            %dma_start3A_224 = arith.constant 0 : i32
            %dma_start3A_225 = arith.constant 0 : i32
            %dma_start3A_226 = tpu.memref_slice %arg5[%dma_start3A_224, %dma_start3A_225] : memref<16x128xi32, #tpu.memory_space<vmem>> -> memref<1x128xi32, #tpu.memory_space<vmem>>
            %dma_start3A_227 = tpu.memref_squeeze %dma_start3A_226 : memref<1x128xi32, #tpu.memory_space<vmem>> -> memref<128xi32, #tpu.memory_space<vmem>>
            %dma_start3A_228 = arith.constant 0 : i32
            %dma_start3A_229 = arith.constant 0 : i32
            %dma_start3A_230 = tpu.memref_slice %arg2[%dma_start3A_228, %dma_start3A_229] : memref<10000x128xf32, #tpu.memory_space<hbm>> -> memref<10000x128xf32, #tpu.memory_space<hbm>>
            tpu.enqueue_indirect_dma source(%dma_start3A_230 : memref<10000x128xf32, #tpu.memory_space<hbm>>) target(%arg9 : memref<128x128xf32, #tpu.memory_space<vmem>>) offsets(%dma_start3A_227 : memref<128xi32, #tpu.memory_space<vmem>>) semaphore(%arg12 : memref<!tpu.dma_semaphore, #tpu.memory_space<semaphore_mem>>)
            %dma_start3A_231 = arith.constant 1 : i32
            %dma_start3A_232 = arith.constant 0 : i32
            %dma_start3A_233 = tpu.memref_slice %arg5[%dma_start3A_231, %dma_start3A_232] : memref<16x128xi32, #tpu.memory_space<vmem>> -> memref<1x128xi32, #tpu.memory_space<vmem>>
            %dma_start3A_234 = tpu.memref_squeeze %dma_start3A_233 : memref<1x128xi32, #tpu.memory_space<vmem>> -> memref<128xi32, #tpu.memory_space<vmem>>
            %dma_start3A_235 = arith.constant 0 : i32
            %dma_start3A_236 = arith.constant 0 : i32
            %dma_start3A_237 = tpu.memref_slice %arg2[%dma_start3A_235, %dma_start3A_236] : memref<10000x128xf32, #tpu.memory_space<hbm>> -> memref<10000x128xf32, #tpu.memory_space<hbm>>
            tpu.enqueue_indirect_dma source(%dma_start3A_237 : memref<10000x128xf32, #tpu.memory_space<hbm>>) target(%arg10 : memref<128x128xf32, #tpu.memory_space<vmem>>) offsets(%dma_start3A_234 : memref<128xi32, #tpu.memory_space<vmem>>) semaphore(%arg13 : memref<!tpu.dma_semaphore, #tpu.memory_space<semaphore_mem>>)
          } else {
          }
          %scan3A_194 = arith.constant 0 : i32
          scf.yield %scan3A_194 : i32
        }
        %scan3A_147 = arith.constant 8 : i32
      } else {
      }
      %scan3A_133 = arith.constant 0 : i32
      scf.yield %scan3A_133 : i32
    }
    %scan3A_82 = arith.constant 5 : i32
    %barrier3A_83 = arith.constant 0 : index
    tpu.barrier barrier_id(%barrier3A_83)
    %lt3A_84 = arith.constant 15 : i32
    %lt3A_85 = arith.cmpi slt, %arg1, %lt3A_84 : i32
    %convert_element_type3A_86 = arith.extui %lt3A_85 : i1 to i32
    %cond3A_87 = arith.constant 0 : i32
    %cond3A_88 = arith.cmpi ne, %convert_element_type3A_86, %cond3A_87 : i32
    scf.if %cond3A_88 {
      "tpu.region"() ({
        %run_scoped3A = tpu.sem_alloc : memref<!tpu.dma_semaphore, #tpu.memory_space<semaphore_mem>>
        %dma_start3A_94 = arith.constant 0 : i32
        %dma_start3A_95 = tpu.memref_slice %arg4[%arg0, %mul3A_29, %dma_start3A_94] : memref<2x10000x128xf32, #tpu.memory_space<hbm>> -> memref<1x624x128xf32, #tpu.memory_space<hbm>>
        %dma_start3A_96 = tpu.memref_squeeze %dma_start3A_95 : memref<1x624x128xf32, #tpu.memory_space<hbm>> -> memref<624x128xf32, #tpu.memory_space<hbm>>
        %dma_start3A_97 = arith.constant 0 : i32
        %dma_start3A_98 = tpu.memref_slice %arg11[%mul3A_29, %dma_start3A_97] : memref<10128x128xf32, #tpu.memory_space<vmem_shared>> -> memref<624x128xf32, #tpu.memory_space<vmem_shared>>
        tpu.enqueue_dma source(%dma_start3A_98 : memref<624x128xf32, #tpu.memory_space<vmem_shared>>) target(%dma_start3A_96 : memref<624x128xf32, #tpu.memory_space<hbm>>) target_semaphore(%run_scoped3A : memref<!tpu.dma_semaphore, #tpu.memory_space<semaphore_mem>>)
        %dma_wait3A_99 = arith.constant 0 : i32
        %dma_wait3A_100 = tpu.memref_slice %arg4[%arg0, %mul3A_29, %dma_wait3A_99] : memref<2x10000x128xf32, #tpu.memory_space<hbm>> -> memref<1x624x128xf32, #tpu.memory_space<hbm>>
        %dma_wait3A_101 = tpu.memref_squeeze %dma_wait3A_100 : memref<1x624x128xf32, #tpu.memory_space<hbm>> -> memref<624x128xf32, #tpu.memory_space<hbm>>
        %dma_wait3A_102 = arith.constant 0 : i32
        %dma_wait3A_103 = tpu.memref_slice %arg11[%mul3A_29, %dma_wait3A_102] : memref<10128x128xf32, #tpu.memory_space<vmem_shared>> -> memref<624x128xf32, #tpu.memory_space<vmem_shared>>
        tpu.wait_dma2 semaphore(%run_scoped3A : memref<!tpu.dma_semaphore, #tpu.memory_space<semaphore_mem>>) src(%dma_wait3A_103 : memref<624x128xf32, #tpu.memory_space<vmem_shared>>) dst(%dma_wait3A_101 : memref<624x128xf32, #tpu.memory_space<hbm>>)
        tpu.yield
      }) : () -> ()
    } else {
    }
    %eq3A_89 = arith.constant 15 : i32
    %eq3A_90 = arith.cmpi eq, %arg1, %eq3A_89 : i32
    %convert_element_type3A_91 = arith.extui %eq3A_90 : i1 to i32
    %cond3A_92 = arith.constant 0 : i32
    %cond3A_93 = arith.cmpi ne, %convert_element_type3A_91, %cond3A_92 : i32
    scf.if %cond3A_93 {
      "tpu.region"() ({
        %run_scoped3A = tpu.sem_alloc : memref<!tpu.dma_semaphore, #tpu.memory_space<semaphore_mem>>
        %dma_start3A_94 = arith.constant 0 : i32
        %dma_start3A_95 = tpu.memref_slice %arg4[%arg0, %mul3A_29, %dma_start3A_94] : memref<2x10000x128xf32, #tpu.memory_space<hbm>> -> memref<1x640x128xf32, #tpu.memory_space<hbm>>
        %dma_start3A_96 = tpu.memref_squeeze %dma_start3A_95 : memref<1x640x128xf32, #tpu.memory_space<hbm>> -> memref<640x128xf32, #tpu.memory_space<hbm>>
        %dma_start3A_97 = arith.constant 0 : i32
        %dma_start3A_98 = tpu.memref_slice %arg11[%mul3A_29, %dma_start3A_97] : memref<10128x128xf32, #tpu.memory_space<vmem_shared>> -> memref<640x128xf32, #tpu.memory_space<vmem_shared>>
        tpu.enqueue_dma source(%dma_start3A_98 : memref<640x128xf32, #tpu.memory_space<vmem_shared>>) target(%dma_start3A_96 : memref<640x128xf32, #tpu.memory_space<hbm>>) target_semaphore(%run_scoped3A : memref<!tpu.dma_semaphore, #tpu.memory_space<semaphore_mem>>)
        %dma_wait3A_99 = arith.constant 0 : i32
        %dma_wait3A_100 = tpu.memref_slice %arg4[%arg0, %mul3A_29, %dma_wait3A_99] : memref<2x10000x128xf32, #tpu.memory_space<hbm>> -> memref<1x640x128xf32, #tpu.memory_space<hbm>>
        %dma_wait3A_101 = tpu.memref_squeeze %dma_wait3A_100 : memref<1x640x128xf32, #tpu.memory_space<hbm>> -> memref<640x128xf32, #tpu.memory_space<hbm>>
        %dma_wait3A_102 = arith.constant 0 : i32
        %dma_wait3A_103 = tpu.memref_slice %arg11[%mul3A_29, %dma_wait3A_102] : memref<10128x128xf32, #tpu.memory_space<vmem_shared>> -> memref<640x128xf32, #tpu.memory_space<vmem_shared>>
        tpu.wait_dma2 semaphore(%run_scoped3A : memref<!tpu.dma_semaphore, #tpu.memory_space<semaphore_mem>>) src(%dma_wait3A_103 : memref<640x128xf32, #tpu.memory_space<vmem_shared>>) dst(%dma_wait3A_101 : memref<640x128xf32, #tpu.memory_space<hbm>>)
        tpu.yield
      }) : () -> ()
    } else {
    }
    return
  }
}

#map = affine_map<(d0, d1) -> (0, 0, 0)>
#map1 = affine_map<(d0, d1) -> (0, 0)>
module attributes {stable_mosaic.version = 14 : i64} {
  func.func @deg_kernel(%arg0: i32, %arg1: i32, %arg2: memref<2x2560x128xi32, #tpu.memory_space<hbm>>, %arg3: memref<2x10240xf32, #tpu.memory_space<hbm>>, %arg4: memref<80x128xi32, #tpu.memory_space<vmem>>, %arg5: memref<128xf32, #tpu.memory_space<vmem>>, %arg6: memref<640xf32, #tpu.memory_space<vmem>>, %arg7: memref<10240xf32, #tpu.memory_space<vmem_shared>>, %arg8: memref<!tpu.dma_semaphore, #tpu.memory_space<semaphore_mem>>, %arg9: memref<!tpu.dma_semaphore, #tpu.memory_space<semaphore_mem>>) attributes {dimension_semantics = [#tpu.dimension_semantics<core_parallel>, #tpu.dimension_semantics<subcore_parallel>], iteration_bounds = array<i64: 2, 16>, scalar_prefetch = 0 : i64, scratch_operands = 6 : i64, tpu.core_type = #tpu.core_type<sc_vector_subcore>, window_params = [{transform_indices = #map}, {transform_indices = #map1}]} {
    %mul3A = arith.constant 16 : i32
    %mul3A_0 = arith.muli %arg0, %mul3A : i32
    %add3A = arith.addi %mul3A_0, %arg1 : i32
    %mul3A_1 = arith.constant 80 : i32
    %mul3A_2 = arith.muli %add3A, %mul3A_1 : i32
    %dma_start3A = arith.constant 1 : i32
    %dma_start3A_3 = arith.constant 0 : i32
    %dma_start3A_4 = arith.constant 0 : i32
    %dma_start3A_5 = tpu.memref_slice %arg2[%dma_start3A, %dma_start3A_3, %dma_start3A_4] : memref<2x2560x128xi32, #tpu.memory_space<hbm>> -> memref<1x2560x128xi32, #tpu.memory_space<hbm>>
    %dma_start3A_6 = tpu.memref_squeeze %dma_start3A_5 : memref<1x2560x128xi32, #tpu.memory_space<hbm>> -> memref<2560x128xi32, #tpu.memory_space<hbm>>
    %dma_start3A_7 = arith.constant 0 : i32
    %dma_start3A_8 = tpu.memref_slice %dma_start3A_6[%mul3A_2, %dma_start3A_7] : memref<2560x128xi32, #tpu.memory_space<hbm>> -> memref<80x128xi32, #tpu.memory_space<hbm>>
    %dma_start3A_9 = arith.constant 0 : i32
    %dma_start3A_10 = arith.constant 0 : i32
    %dma_start3A_11 = tpu.memref_slice %arg2[%dma_start3A, %dma_start3A_9, %dma_start3A_10] : memref<2x2560x128xi32, #tpu.memory_space<hbm>> -> memref<1x2560x128xi32, #tpu.memory_space<hbm>>
    %dma_start3A_12 = tpu.memref_squeeze %dma_start3A_11 : memref<1x2560x128xi32, #tpu.memory_space<hbm>> -> memref<2560x128xi32, #tpu.memory_space<hbm>>
    %dma_start3A_13 = arith.constant 0 : i32
    %dma_start3A_14 = tpu.memref_slice %dma_start3A_12[%mul3A_2, %dma_start3A_13] : memref<2560x128xi32, #tpu.memory_space<hbm>> -> memref<80x128xi32, #tpu.memory_space<hbm>>
    tpu.enqueue_dma source(%dma_start3A_14 : memref<80x128xi32, #tpu.memory_space<hbm>>) target(%arg4 : memref<80x128xi32, #tpu.memory_space<vmem>>) target_semaphore(%arg8 : memref<!tpu.dma_semaphore, #tpu.memory_space<semaphore_mem>>)
    %broadcast_in_dim3A = arith.constant 1.000000e+00 : f32
    %broadcast_in_dim3A_15 = vector.broadcast %broadcast_in_dim3A : f32 to vector<16xf32>
    %swap3A = arith.constant 0 : index
    %swap3A_16 = tpu.vector_load %arg5[%swap3A] {strides = array<i32>} : memref<128xf32, #tpu.memory_space<vmem>>, vector<16xf32>,
    %swap3A_17 = vector.shape_cast %swap3A_16 : vector<16xf32> to vector<16xf32>
    %swap3A_18 = vector.shape_cast %broadcast_in_dim3A_15 : vector<16xf32> to vector<16xf32>
    tpu.vector_store %arg5[%swap3A], %swap3A_18 {strides = array<i32>} : memref<128xf32, #tpu.memory_space<vmem>>, vector<16xf32>,
    %broadcast_in_dim3A_19 = arith.constant 1.000000e+00 : f32
    %broadcast_in_dim3A_20 = vector.broadcast %broadcast_in_dim3A_19 : f32 to vector<16xf32>
    %swap3A_21 = arith.constant 16 : index
    %swap3A_22 = tpu.vector_load %arg5[%swap3A_21] {strides = array<i32>} : memref<128xf32, #tpu.memory_space<vmem>>, vector<16xf32>,
    %swap3A_23 = vector.shape_cast %swap3A_22 : vector<16xf32> to vector<16xf32>
    %swap3A_24 = vector.shape_cast %broadcast_in_dim3A_20 : vector<16xf32> to vector<16xf32>
    tpu.vector_store %arg5[%swap3A_21], %swap3A_24 {strides = array<i32>} : memref<128xf32, #tpu.memory_space<vmem>>, vector<16xf32>,
    %broadcast_in_dim3A_25 = arith.constant 1.000000e+00 : f32
    %broadcast_in_dim3A_26 = vector.broadcast %broadcast_in_dim3A_25 : f32 to vector<16xf32>
    %swap3A_27 = arith.constant 32 : index
    %swap3A_28 = tpu.vector_load %arg5[%swap3A_27] {strides = array<i32>} : memref<128xf32, #tpu.memory_space<vmem>>, vector<16xf32>,
    %swap3A_29 = vector.shape_cast %swap3A_28 : vector<16xf32> to vector<16xf32>
    %swap3A_30 = vector.shape_cast %broadcast_in_dim3A_26 : vector<16xf32> to vector<16xf32>
    tpu.vector_store %arg5[%swap3A_27], %swap3A_30 {strides = array<i32>} : memref<128xf32, #tpu.memory_space<vmem>>, vector<16xf32>,
    %broadcast_in_dim3A_31 = arith.constant 1.000000e+00 : f32
    %broadcast_in_dim3A_32 = vector.broadcast %broadcast_in_dim3A_31 : f32 to vector<16xf32>
    %swap3A_33 = arith.constant 48 : index
    %swap3A_34 = tpu.vector_load %arg5[%swap3A_33] {strides = array<i32>} : memref<128xf32, #tpu.memory_space<vmem>>, vector<16xf32>,
    %swap3A_35 = vector.shape_cast %swap3A_34 : vector<16xf32> to vector<16xf32>
    %swap3A_36 = vector.shape_cast %broadcast_in_dim3A_32 : vector<16xf32> to vector<16xf32>
    tpu.vector_store %arg5[%swap3A_33], %swap3A_36 {strides = array<i32>} : memref<128xf32, #tpu.memory_space<vmem>>, vector<16xf32>,
    %broadcast_in_dim3A_37 = arith.constant 1.000000e+00 : f32
    %broadcast_in_dim3A_38 = vector.broadcast %broadcast_in_dim3A_37 : f32 to vector<16xf32>
    %swap3A_39 = arith.constant 64 : index
    %swap3A_40 = tpu.vector_load %arg5[%swap3A_39] {strides = array<i32>} : memref<128xf32, #tpu.memory_space<vmem>>, vector<16xf32>,
    %swap3A_41 = vector.shape_cast %swap3A_40 : vector<16xf32> to vector<16xf32>
    %swap3A_42 = vector.shape_cast %broadcast_in_dim3A_38 : vector<16xf32> to vector<16xf32>
    tpu.vector_store %arg5[%swap3A_39], %swap3A_42 {strides = array<i32>} : memref<128xf32, #tpu.memory_space<vmem>>, vector<16xf32>,
    %broadcast_in_dim3A_43 = arith.constant 1.000000e+00 : f32
    %broadcast_in_dim3A_44 = vector.broadcast %broadcast_in_dim3A_43 : f32 to vector<16xf32>
    %swap3A_45 = arith.constant 80 : index
    %swap3A_46 = tpu.vector_load %arg5[%swap3A_45] {strides = array<i32>} : memref<128xf32, #tpu.memory_space<vmem>>, vector<16xf32>,
    %swap3A_47 = vector.shape_cast %swap3A_46 : vector<16xf32> to vector<16xf32>
    %swap3A_48 = vector.shape_cast %broadcast_in_dim3A_44 : vector<16xf32> to vector<16xf32>
    tpu.vector_store %arg5[%swap3A_45], %swap3A_48 {strides = array<i32>} : memref<128xf32, #tpu.memory_space<vmem>>, vector<16xf32>,
    %broadcast_in_dim3A_49 = arith.constant 1.000000e+00 : f32
    %broadcast_in_dim3A_50 = vector.broadcast %broadcast_in_dim3A_49 : f32 to vector<16xf32>
    %swap3A_51 = arith.constant 96 : index
    %swap3A_52 = tpu.vector_load %arg5[%swap3A_51] {strides = array<i32>} : memref<128xf32, #tpu.memory_space<vmem>>, vector<16xf32>,
    %swap3A_53 = vector.shape_cast %swap3A_52 : vector<16xf32> to vector<16xf32>
    %swap3A_54 = vector.shape_cast %broadcast_in_dim3A_50 : vector<16xf32> to vector<16xf32>
    tpu.vector_store %arg5[%swap3A_51], %swap3A_54 {strides = array<i32>} : memref<128xf32, #tpu.memory_space<vmem>>, vector<16xf32>,
    %broadcast_in_dim3A_55 = arith.constant 1.000000e+00 : f32
    %broadcast_in_dim3A_56 = vector.broadcast %broadcast_in_dim3A_55 : f32 to vector<16xf32>
    %swap3A_57 = arith.constant 112 : index
    %swap3A_58 = tpu.vector_load %arg5[%swap3A_57] {strides = array<i32>} : memref<128xf32, #tpu.memory_space<vmem>>, vector<16xf32>,
    %swap3A_59 = vector.shape_cast %swap3A_58 : vector<16xf32> to vector<16xf32>
    %swap3A_60 = vector.shape_cast %broadcast_in_dim3A_56 : vector<16xf32> to vector<16xf32>
    tpu.vector_store %arg5[%swap3A_57], %swap3A_60 {strides = array<i32>} : memref<128xf32, #tpu.memory_space<vmem>>, vector<16xf32>,
    %scan3A = arith.constant 0 : i32
    %scan3A_61 = arith.constant 0 : i32
    %scan3A_62 = arith.constant 40 : i32
    %scan3A_63 = arith.addi %scan3A_61, %scan3A_62 : i32
    %scan3A_64 = arith.constant 1 : i32
    %scan3A_65 = scf.for %scan3A_102 = %scan3A_61 to %scan3A_63 step %scan3A_64 iter_args(%scan3A_103 = %scan3A) -> (i32)  : i32 {
      %broadcast_in_dim3A_104 = arith.constant 0.000000e+00 : f32
      %broadcast_in_dim3A_105 = vector.broadcast %broadcast_in_dim3A_104 : f32 to vector<16xf32>
      %mul3A_106 = arith.constant 16 : i32
      %mul3A_107 = arith.muli %scan3A_102, %mul3A_106 : i32
      %swap3A_108 = arith.index_cast %mul3A_107 : i32 to index
      %swap3A_109 = tpu.vector_load %arg6[%swap3A_108] {strides = array<i32>} : memref<640xf32, #tpu.memory_space<vmem>>, vector<16xf32>,
      %swap3A_110 = vector.shape_cast %swap3A_109 : vector<16xf32> to vector<16xf32>
      %swap3A_111 = vector.shape_cast %broadcast_in_dim3A_105 : vector<16xf32> to vector<16xf32>
      tpu.vector_store %arg6[%swap3A_108], %swap3A_111 {strides = array<i32>} : memref<640xf32, #tpu.memory_space<vmem>>, vector<16xf32>,
      %scan3A_112 = arith.constant 0 : i32
      scf.yield %scan3A_112 : i32
    }
    %scan3A_66 = arith.constant 40 : i32
    %mul3A_67 = arith.constant 624 : i32
    %mul3A_68 = arith.muli %arg1, %mul3A_67 : i32
    %lt3A = arith.constant 15 : i32
    %lt3A_69 = arith.cmpi slt, %arg1, %lt3A : i32
    %convert_element_type3A = arith.extui %lt3A_69 : i1 to i32
    %cond3A = arith.constant 0 : i32
    %cond3A_70 = arith.cmpi ne, %convert_element_type3A, %cond3A : i32
    scf.if %cond3A_70 {
      "tpu.region"() ({
        %run_scoped3A = tpu.sem_alloc : memref<!tpu.dma_semaphore, #tpu.memory_space<semaphore_mem>>
        %dma_start3A_102 = arith.constant 0 : i32
        %dma_start3A_103 = tpu.memref_slice %arg6[%dma_start3A_102] : memref<640xf32, #tpu.memory_space<vmem>> -> memref<624xf32, #tpu.memory_space<vmem>>
        %dma_start3A_104 = tpu.memref_slice %arg7[%mul3A_68] : memref<10240xf32, #tpu.memory_space<vmem_shared>> -> memref<624xf32, #tpu.memory_space<vmem_shared>>
        %dma_start3A_105 = tpu.memref_slice %arg7[%mul3A_68] : memref<10240xf32, #tpu.memory_space<vmem_shared>> -> memref<624xf32, #tpu.memory_space<vmem_shared>>
        %dma_start3A_106 = arith.constant 0 : i32
        %dma_start3A_107 = tpu.memref_slice %arg6[%dma_start3A_106] : memref<640xf32, #tpu.memory_space<vmem>> -> memref<624xf32, #tpu.memory_space<vmem>>
        tpu.enqueue_dma source(%dma_start3A_107 : memref<624xf32, #tpu.memory_space<vmem>>) target(%dma_start3A_105 : memref<624xf32, #tpu.memory_space<vmem_shared>>) target_semaphore(%run_scoped3A : memref<!tpu.dma_semaphore, #tpu.memory_space<semaphore_mem>>)
        %dma_wait3A_108 = arith.constant 0 : i32
        %dma_wait3A_109 = tpu.memref_slice %arg6[%dma_wait3A_108] : memref<640xf32, #tpu.memory_space<vmem>> -> memref<624xf32, #tpu.memory_space<vmem>>
        %dma_wait3A_110 = tpu.memref_slice %arg7[%mul3A_68] : memref<10240xf32, #tpu.memory_space<vmem_shared>> -> memref<624xf32, #tpu.memory_space<vmem_shared>>
        %dma_wait3A_111 = tpu.memref_slice %arg7[%mul3A_68] : memref<10240xf32, #tpu.memory_space<vmem_shared>> -> memref<624xf32, #tpu.memory_space<vmem_shared>>
        %dma_wait3A_112 = arith.constant 0 : i32
        %dma_wait3A_113 = tpu.memref_slice %arg6[%dma_wait3A_112] : memref<640xf32, #tpu.memory_space<vmem>> -> memref<624xf32, #tpu.memory_space<vmem>>
        tpu.wait_dma2 semaphore(%run_scoped3A : memref<!tpu.dma_semaphore, #tpu.memory_space<semaphore_mem>>) src(%dma_wait3A_113 : memref<624xf32, #tpu.memory_space<vmem>>) dst(%dma_wait3A_111 : memref<624xf32, #tpu.memory_space<vmem_shared>>)
        tpu.yield
      }) : () -> ()
    } else {
    }
    %eq3A = arith.constant 15 : i32
    %eq3A_71 = arith.cmpi eq, %arg1, %eq3A : i32
    %convert_element_type3A_72 = arith.extui %eq3A_71 : i1 to i32
    %cond3A_73 = arith.constant 0 : i32
    %cond3A_74 = arith.cmpi ne, %convert_element_type3A_72, %cond3A_73 : i32
    scf.if %cond3A_74 {
      "tpu.region"() ({
        %run_scoped3A = tpu.sem_alloc : memref<!tpu.dma_semaphore, #tpu.memory_space<semaphore_mem>>
        %dma_start3A_102 = tpu.memref_slice %arg7[%mul3A_68] : memref<10240xf32, #tpu.memory_space<vmem_shared>> -> memref<640xf32, #tpu.memory_space<vmem_shared>>
        %dma_start3A_103 = tpu.memref_slice %arg7[%mul3A_68] : memref<10240xf32, #tpu.memory_space<vmem_shared>> -> memref<640xf32, #tpu.memory_space<vmem_shared>>
        tpu.enqueue_dma source(%arg6 : memref<640xf32, #tpu.memory_space<vmem>>) target(%dma_start3A_103 : memref<640xf32, #tpu.memory_space<vmem_shared>>) target_semaphore(%run_scoped3A : memref<!tpu.dma_semaphore, #tpu.memory_space<semaphore_mem>>)
        %dma_wait3A_104 = tpu.memref_slice %arg7[%mul3A_68] : memref<10240xf32, #tpu.memory_space<vmem_shared>> -> memref<640xf32, #tpu.memory_space<vmem_shared>>
        %dma_wait3A_105 = tpu.memref_slice %arg7[%mul3A_68] : memref<10240xf32, #tpu.memory_space<vmem_shared>> -> memref<640xf32, #tpu.memory_space<vmem_shared>>
        tpu.wait_dma2 semaphore(%run_scoped3A : memref<!tpu.dma_semaphore, #tpu.memory_space<semaphore_mem>>) src(%arg6 : memref<640xf32, #tpu.memory_space<vmem>>) dst(%dma_wait3A_105 : memref<640xf32, #tpu.memory_space<vmem_shared>>)
        tpu.yield
      }) : () -> ()
    } else {
    }
    %mul3A_75 = arith.constant 80 : i32
    %mul3A_76 = arith.muli %add3A, %mul3A_75 : i32
    %dma_wait3A = arith.constant 1 : i32
    %dma_wait3A_77 = arith.constant 0 : i32
    %dma_wait3A_78 = arith.constant 0 : i32
    %dma_wait3A_79 = tpu.memref_slice %arg2[%dma_wait3A, %dma_wait3A_77, %dma_wait3A_78] : memref<2x2560x128xi32, #tpu.memory_space<hbm>> -> memref<1x2560x128xi32, #tpu.memory_space<hbm>>
    %dma_wait3A_80 = tpu.memref_squeeze %dma_wait3A_79 : memref<1x2560x128xi32, #tpu.memory_space<hbm>> -> memref<2560x128xi32, #tpu.memory_space<hbm>>
    %dma_wait3A_81 = arith.constant 0 : i32
    %dma_wait3A_82 = tpu.memref_slice %dma_wait3A_80[%mul3A_76, %dma_wait3A_81] : memref<2560x128xi32, #tpu.memory_space<hbm>> -> memref<80x128xi32, #tpu.memory_space<hbm>>
    %dma_wait3A_83 = arith.constant 0 : i32
    %dma_wait3A_84 = arith.constant 0 : i32
    %dma_wait3A_85 = tpu.memref_slice %arg2[%dma_wait3A, %dma_wait3A_83, %dma_wait3A_84] : memref<2x2560x128xi32, #tpu.memory_space<hbm>> -> memref<1x2560x128xi32, #tpu.memory_space<hbm>>
    %dma_wait3A_86 = tpu.memref_squeeze %dma_wait3A_85 : memref<1x2560x128xi32, #tpu.memory_space<hbm>> -> memref<2560x128xi32, #tpu.memory_space<hbm>>
    %dma_wait3A_87 = arith.constant 0 : i32
    %dma_wait3A_88 = tpu.memref_slice %dma_wait3A_86[%mul3A_76, %dma_wait3A_87] : memref<2560x128xi32, #tpu.memory_space<hbm>> -> memref<80x128xi32, #tpu.memory_space<hbm>>
    tpu.wait_dma2 semaphore(%arg8 : memref<!tpu.dma_semaphore, #tpu.memory_space<semaphore_mem>>) src(%dma_wait3A_88 : memref<80x128xi32, #tpu.memory_space<hbm>>) dst(%arg4 : memref<80x128xi32, #tpu.memory_space<vmem>>)
    %barrier3A = arith.constant 0 : index
    tpu.barrier barrier_id(%barrier3A)
    %scan3A_89 = arith.constant 0 : i32
    %scan3A_90 = arith.constant 0 : i32
    %scan3A_91 = arith.constant 10 : i32
    %scan3A_92 = arith.addi %scan3A_90, %scan3A_91 : i32
    %scan3A_93 = arith.constant 1 : i32
    %scan3A_94 = scf.for %scan3A_102 = %scan3A_90 to %scan3A_92 step %scan3A_93 iter_args(%scan3A_103 = %scan3A_89) -> (i32)  : i32 {
      %mul3A_104 = arith.constant 8 : i32
      %mul3A_105 = arith.muli %mul3A_104, %scan3A_102 : i32
      %add3A_106 = arith.constant 0 : i32
      %add3A_107 = arith.addi %mul3A_105, %add3A_106 : i32
      %dma_start3A_108 = arith.constant 0 : i32
      %dma_start3A_109 = tpu.memref_slice %arg4[%add3A_107, %dma_start3A_108] : memref<80x128xi32, #tpu.memory_space<vmem>> -> memref<1x128xi32, #tpu.memory_space<vmem>>
      %dma_start3A_110 = tpu.memref_squeeze %dma_start3A_109 : memref<1x128xi32, #tpu.memory_space<vmem>> -> memref<128xi32, #tpu.memory_space<vmem>>
      %dma_start3A_111 = arith.constant 0 : i32
      %dma_start3A_112 = tpu.memref_slice %arg7[%dma_start3A_111] : memref<10240xf32, #tpu.memory_space<vmem_shared>> -> memref<10240xf32, #tpu.memory_space<vmem_shared>>
      tpu.enqueue_indirect_dma source(%arg5 : memref<128xf32, #tpu.memory_space<vmem>>) target(%dma_start3A_112 : memref<10240xf32, #tpu.memory_space<vmem_shared>>) offsets(%dma_start3A_110 : memref<128xi32, #tpu.memory_space<vmem>>) semaphore(%arg9 : memref<!tpu.dma_semaphore, #tpu.memory_space<semaphore_mem>>) {add = true}
      %mul3A_113 = arith.constant 8 : i32
      %mul3A_114 = arith.muli %mul3A_113, %scan3A_102 : i32
      %add3A_115 = arith.constant 1 : i32
      %add3A_116 = arith.addi %mul3A_114, %add3A_115 : i32
      %dma_start3A_117 = arith.constant 0 : i32
      %dma_start3A_118 = tpu.memref_slice %arg4[%add3A_116, %dma_start3A_117] : memref<80x128xi32, #tpu.memory_space<vmem>> -> memref<1x128xi32, #tpu.memory_space<vmem>>
      %dma_start3A_119 = tpu.memref_squeeze %dma_start3A_118 : memref<1x128xi32, #tpu.memory_space<vmem>> -> memref<128xi32, #tpu.memory_space<vmem>>
      %dma_start3A_120 = arith.constant 0 : i32
      %dma_start3A_121 = tpu.memref_slice %arg7[%dma_start3A_120] : memref<10240xf32, #tpu.memory_space<vmem_shared>> -> memref<10240xf32, #tpu.memory_space<vmem_shared>>
      tpu.enqueue_indirect_dma source(%arg5 : memref<128xf32, #tpu.memory_space<vmem>>) target(%dma_start3A_121 : memref<10240xf32, #tpu.memory_space<vmem_shared>>) offsets(%dma_start3A_119 : memref<128xi32, #tpu.memory_space<vmem>>) semaphore(%arg9 : memref<!tpu.dma_semaphore, #tpu.memory_space<semaphore_mem>>) {add = true}
      %mul3A_122 = arith.constant 8 : i32
      %mul3A_123 = arith.muli %mul3A_122, %scan3A_102 : i32
      %add3A_124 = arith.constant 2 : i32
      %add3A_125 = arith.addi %mul3A_123, %add3A_124 : i32
      %dma_start3A_126 = arith.constant 0 : i32
      %dma_start3A_127 = tpu.memref_slice %arg4[%add3A_125, %dma_start3A_126] : memref<80x128xi32, #tpu.memory_space<vmem>> -> memref<1x128xi32, #tpu.memory_space<vmem>>
      %dma_start3A_128 = tpu.memref_squeeze %dma_start3A_127 : memref<1x128xi32, #tpu.memory_space<vmem>> -> memref<128xi32, #tpu.memory_space<vmem>>
      %dma_start3A_129 = arith.constant 0 : i32
      %dma_start3A_130 = tpu.memref_slice %arg7[%dma_start3A_129] : memref<10240xf32, #tpu.memory_space<vmem_shared>> -> memref<10240xf32, #tpu.memory_space<vmem_shared>>
      tpu.enqueue_indirect_dma source(%arg5 : memref<128xf32, #tpu.memory_space<vmem>>) target(%dma_start3A_130 : memref<10240xf32, #tpu.memory_space<vmem_shared>>) offsets(%dma_start3A_128 : memref<128xi32, #tpu.memory_space<vmem>>) semaphore(%arg9 : memref<!tpu.dma_semaphore, #tpu.memory_space<semaphore_mem>>) {add = true}
      %mul3A_131 = arith.constant 8 : i32
      %mul3A_132 = arith.muli %mul3A_131, %scan3A_102 : i32
      %add3A_133 = arith.constant 3 : i32
      %add3A_134 = arith.addi %mul3A_132, %add3A_133 : i32
      %dma_start3A_135 = arith.constant 0 : i32
      %dma_start3A_136 = tpu.memref_slice %arg4[%add3A_134, %dma_start3A_135] : memref<80x128xi32, #tpu.memory_space<vmem>> -> memref<1x128xi32, #tpu.memory_space<vmem>>
      %dma_start3A_137 = tpu.memref_squeeze %dma_start3A_136 : memref<1x128xi32, #tpu.memory_space<vmem>> -> memref<128xi32, #tpu.memory_space<vmem>>
      %dma_start3A_138 = arith.constant 0 : i32
      %dma_start3A_139 = tpu.memref_slice %arg7[%dma_start3A_138] : memref<10240xf32, #tpu.memory_space<vmem_shared>> -> memref<10240xf32, #tpu.memory_space<vmem_shared>>
      tpu.enqueue_indirect_dma source(%arg5 : memref<128xf32, #tpu.memory_space<vmem>>) target(%dma_start3A_139 : memref<10240xf32, #tpu.memory_space<vmem_shared>>) offsets(%dma_start3A_137 : memref<128xi32, #tpu.memory_space<vmem>>) semaphore(%arg9 : memref<!tpu.dma_semaphore, #tpu.memory_space<semaphore_mem>>) {add = true}
      %mul3A_140 = arith.constant 8 : i32
      %mul3A_141 = arith.muli %mul3A_140, %scan3A_102 : i32
      %add3A_142 = arith.constant 4 : i32
      %add3A_143 = arith.addi %mul3A_141, %add3A_142 : i32
      %dma_start3A_144 = arith.constant 0 : i32
      %dma_start3A_145 = tpu.memref_slice %arg4[%add3A_143, %dma_start3A_144] : memref<80x128xi32, #tpu.memory_space<vmem>> -> memref<1x128xi32, #tpu.memory_space<vmem>>
      %dma_start3A_146 = tpu.memref_squeeze %dma_start3A_145 : memref<1x128xi32, #tpu.memory_space<vmem>> -> memref<128xi32, #tpu.memory_space<vmem>>
      %dma_start3A_147 = arith.constant 0 : i32
      %dma_start3A_148 = tpu.memref_slice %arg7[%dma_start3A_147] : memref<10240xf32, #tpu.memory_space<vmem_shared>> -> memref<10240xf32, #tpu.memory_space<vmem_shared>>
      tpu.enqueue_indirect_dma source(%arg5 : memref<128xf32, #tpu.memory_space<vmem>>) target(%dma_start3A_148 : memref<10240xf32, #tpu.memory_space<vmem_shared>>) offsets(%dma_start3A_146 : memref<128xi32, #tpu.memory_space<vmem>>) semaphore(%arg9 : memref<!tpu.dma_semaphore, #tpu.memory_space<semaphore_mem>>) {add = true}
      %mul3A_149 = arith.constant 8 : i32
      %mul3A_150 = arith.muli %mul3A_149, %scan3A_102 : i32
      %add3A_151 = arith.constant 5 : i32
      %add3A_152 = arith.addi %mul3A_150, %add3A_151 : i32
      %dma_start3A_153 = arith.constant 0 : i32
      %dma_start3A_154 = tpu.memref_slice %arg4[%add3A_152, %dma_start3A_153] : memref<80x128xi32, #tpu.memory_space<vmem>> -> memref<1x128xi32, #tpu.memory_space<vmem>>
      %dma_start3A_155 = tpu.memref_squeeze %dma_start3A_154 : memref<1x128xi32, #tpu.memory_space<vmem>> -> memref<128xi32, #tpu.memory_space<vmem>>
      %dma_start3A_156 = arith.constant 0 : i32
      %dma_start3A_157 = tpu.memref_slice %arg7[%dma_start3A_156] : memref<10240xf32, #tpu.memory_space<vmem_shared>> -> memref<10240xf32, #tpu.memory_space<vmem_shared>>
      tpu.enqueue_indirect_dma source(%arg5 : memref<128xf32, #tpu.memory_space<vmem>>) target(%dma_start3A_157 : memref<10240xf32, #tpu.memory_space<vmem_shared>>) offsets(%dma_start3A_155 : memref<128xi32, #tpu.memory_space<vmem>>) semaphore(%arg9 : memref<!tpu.dma_semaphore, #tpu.memory_space<semaphore_mem>>) {add = true}
      %mul3A_158 = arith.constant 8 : i32
      %mul3A_159 = arith.muli %mul3A_158, %scan3A_102 : i32
      %add3A_160 = arith.constant 6 : i32
      %add3A_161 = arith.addi %mul3A_159, %add3A_160 : i32
      %dma_start3A_162 = arith.constant 0 : i32
      %dma_start3A_163 = tpu.memref_slice %arg4[%add3A_161, %dma_start3A_162] : memref<80x128xi32, #tpu.memory_space<vmem>> -> memref<1x128xi32, #tpu.memory_space<vmem>>
      %dma_start3A_164 = tpu.memref_squeeze %dma_start3A_163 : memref<1x128xi32, #tpu.memory_space<vmem>> -> memref<128xi32, #tpu.memory_space<vmem>>
      %dma_start3A_165 = arith.constant 0 : i32
      %dma_start3A_166 = tpu.memref_slice %arg7[%dma_start3A_165] : memref<10240xf32, #tpu.memory_space<vmem_shared>> -> memref<10240xf32, #tpu.memory_space<vmem_shared>>
      tpu.enqueue_indirect_dma source(%arg5 : memref<128xf32, #tpu.memory_space<vmem>>) target(%dma_start3A_166 : memref<10240xf32, #tpu.memory_space<vmem_shared>>) offsets(%dma_start3A_164 : memref<128xi32, #tpu.memory_space<vmem>>) semaphore(%arg9 : memref<!tpu.dma_semaphore, #tpu.memory_space<semaphore_mem>>) {add = true}
      %mul3A_167 = arith.constant 8 : i32
      %mul3A_168 = arith.muli %mul3A_167, %scan3A_102 : i32
      %add3A_169 = arith.constant 7 : i32
      %add3A_170 = arith.addi %mul3A_168, %add3A_169 : i32
      %dma_start3A_171 = arith.constant 0 : i32
      %dma_start3A_172 = tpu.memref_slice %arg4[%add3A_170, %dma_start3A_171] : memref<80x128xi32, #tpu.memory_space<vmem>> -> memref<1x128xi32, #tpu.memory_space<vmem>>
      %dma_start3A_173 = tpu.memref_squeeze %dma_start3A_172 : memref<1x128xi32, #tpu.memory_space<vmem>> -> memref<128xi32, #tpu.memory_space<vmem>>
      %dma_start3A_174 = arith.constant 0 : i32
      %dma_start3A_175 = tpu.memref_slice %arg7[%dma_start3A_174] : memref<10240xf32, #tpu.memory_space<vmem_shared>> -> memref<10240xf32, #tpu.memory_space<vmem_shared>>
      tpu.enqueue_indirect_dma source(%arg5 : memref<128xf32, #tpu.memory_space<vmem>>) target(%dma_start3A_175 : memref<10240xf32, #tpu.memory_space<vmem_shared>>) offsets(%dma_start3A_173 : memref<128xi32, #tpu.memory_space<vmem>>) semaphore(%arg9 : memref<!tpu.dma_semaphore, #tpu.memory_space<semaphore_mem>>) {add = true}
      %mul3A_176 = arith.constant 8 : i32
      %mul3A_177 = arith.muli %mul3A_176, %scan3A_102 : i32
      %add3A_178 = arith.constant 0 : i32
      %add3A_179 = arith.addi %mul3A_177, %add3A_178 : i32
      %dma_wait3A_180 = arith.constant 0 : i32
      %dma_wait3A_181 = tpu.memref_slice %arg4[%add3A_179, %dma_wait3A_180] : memref<80x128xi32, #tpu.memory_space<vmem>> -> memref<1x128xi32, #tpu.memory_space<vmem>>
      %dma_wait3A_182 = tpu.memref_squeeze %dma_wait3A_181 : memref<1x128xi32, #tpu.memory_space<vmem>> -> memref<128xi32, #tpu.memory_space<vmem>>
      %dma_wait3A_183 = arith.constant 0 : i32
      %dma_wait3A_184 = tpu.memref_slice %arg7[%dma_wait3A_183] : memref<10240xf32, #tpu.memory_space<vmem_shared>> -> memref<10240xf32, #tpu.memory_space<vmem_shared>>
      tpu.wait_indirect_dma semaphore(%arg9 : memref<!tpu.dma_semaphore, #tpu.memory_space<semaphore_mem>>) src(%arg5 : memref<128xf32, #tpu.memory_space<vmem>>) dst(%dma_wait3A_184 : memref<10240xf32, #tpu.memory_space<vmem_shared>>)
      %mul3A_185 = arith.constant 8 : i32
      %mul3A_186 = arith.muli %mul3A_185, %scan3A_102 : i32
      %add3A_187 = arith.constant 1 : i32
      %add3A_188 = arith.addi %mul3A_186, %add3A_187 : i32
      %dma_wait3A_189 = arith.constant 0 : i32
      %dma_wait3A_190 = tpu.memref_slice %arg4[%add3A_188, %dma_wait3A_189] : memref<80x128xi32, #tpu.memory_space<vmem>> -> memref<1x128xi32, #tpu.memory_space<vmem>>
      %dma_wait3A_191 = tpu.memref_squeeze %dma_wait3A_190 : memref<1x128xi32, #tpu.memory_space<vmem>> -> memref<128xi32, #tpu.memory_space<vmem>>
      %dma_wait3A_192 = arith.constant 0 : i32
      %dma_wait3A_193 = tpu.memref_slice %arg7[%dma_wait3A_192] : memref<10240xf32, #tpu.memory_space<vmem_shared>> -> memref<10240xf32, #tpu.memory_space<vmem_shared>>
      tpu.wait_indirect_dma semaphore(%arg9 : memref<!tpu.dma_semaphore, #tpu.memory_space<semaphore_mem>>) src(%arg5 : memref<128xf32, #tpu.memory_space<vmem>>) dst(%dma_wait3A_193 : memref<10240xf32, #tpu.memory_space<vmem_shared>>)
      %mul3A_194 = arith.constant 8 : i32
      %mul3A_195 = arith.muli %mul3A_194, %scan3A_102 : i32
      %add3A_196 = arith.constant 2 : i32
      %add3A_197 = arith.addi %mul3A_195, %add3A_196 : i32
      %dma_wait3A_198 = arith.constant 0 : i32
      %dma_wait3A_199 = tpu.memref_slice %arg4[%add3A_197, %dma_wait3A_198] : memref<80x128xi32, #tpu.memory_space<vmem>> -> memref<1x128xi32, #tpu.memory_space<vmem>>
      %dma_wait3A_200 = tpu.memref_squeeze %dma_wait3A_199 : memref<1x128xi32, #tpu.memory_space<vmem>> -> memref<128xi32, #tpu.memory_space<vmem>>
      %dma_wait3A_201 = arith.constant 0 : i32
      %dma_wait3A_202 = tpu.memref_slice %arg7[%dma_wait3A_201] : memref<10240xf32, #tpu.memory_space<vmem_shared>> -> memref<10240xf32, #tpu.memory_space<vmem_shared>>
      tpu.wait_indirect_dma semaphore(%arg9 : memref<!tpu.dma_semaphore, #tpu.memory_space<semaphore_mem>>) src(%arg5 : memref<128xf32, #tpu.memory_space<vmem>>) dst(%dma_wait3A_202 : memref<10240xf32, #tpu.memory_space<vmem_shared>>)
      %mul3A_203 = arith.constant 8 : i32
      %mul3A_204 = arith.muli %mul3A_203, %scan3A_102 : i32
      %add3A_205 = arith.constant 3 : i32
      %add3A_206 = arith.addi %mul3A_204, %add3A_205 : i32
      %dma_wait3A_207 = arith.constant 0 : i32
      %dma_wait3A_208 = tpu.memref_slice %arg4[%add3A_206, %dma_wait3A_207] : memref<80x128xi32, #tpu.memory_space<vmem>> -> memref<1x128xi32, #tpu.memory_space<vmem>>
      %dma_wait3A_209 = tpu.memref_squeeze %dma_wait3A_208 : memref<1x128xi32, #tpu.memory_space<vmem>> -> memref<128xi32, #tpu.memory_space<vmem>>
      %dma_wait3A_210 = arith.constant 0 : i32
      %dma_wait3A_211 = tpu.memref_slice %arg7[%dma_wait3A_210] : memref<10240xf32, #tpu.memory_space<vmem_shared>> -> memref<10240xf32, #tpu.memory_space<vmem_shared>>
      tpu.wait_indirect_dma semaphore(%arg9 : memref<!tpu.dma_semaphore, #tpu.memory_space<semaphore_mem>>) src(%arg5 : memref<128xf32, #tpu.memory_space<vmem>>) dst(%dma_wait3A_211 : memref<10240xf32, #tpu.memory_space<vmem_shared>>)
      %mul3A_212 = arith.constant 8 : i32
      %mul3A_213 = arith.muli %mul3A_212, %scan3A_102 : i32
      %add3A_214 = arith.constant 4 : i32
      %add3A_215 = arith.addi %mul3A_213, %add3A_214 : i32
      %dma_wait3A_216 = arith.constant 0 : i32
      %dma_wait3A_217 = tpu.memref_slice %arg4[%add3A_215, %dma_wait3A_216] : memref<80x128xi32, #tpu.memory_space<vmem>> -> memref<1x128xi32, #tpu.memory_space<vmem>>
      %dma_wait3A_218 = tpu.memref_squeeze %dma_wait3A_217 : memref<1x128xi32, #tpu.memory_space<vmem>> -> memref<128xi32, #tpu.memory_space<vmem>>
      %dma_wait3A_219 = arith.constant 0 : i32
      %dma_wait3A_220 = tpu.memref_slice %arg7[%dma_wait3A_219] : memref<10240xf32, #tpu.memory_space<vmem_shared>> -> memref<10240xf32, #tpu.memory_space<vmem_shared>>
      tpu.wait_indirect_dma semaphore(%arg9 : memref<!tpu.dma_semaphore, #tpu.memory_space<semaphore_mem>>) src(%arg5 : memref<128xf32, #tpu.memory_space<vmem>>) dst(%dma_wait3A_220 : memref<10240xf32, #tpu.memory_space<vmem_shared>>)
      %mul3A_221 = arith.constant 8 : i32
      %mul3A_222 = arith.muli %mul3A_221, %scan3A_102 : i32
      %add3A_223 = arith.constant 5 : i32
      %add3A_224 = arith.addi %mul3A_222, %add3A_223 : i32
      %dma_wait3A_225 = arith.constant 0 : i32
      %dma_wait3A_226 = tpu.memref_slice %arg4[%add3A_224, %dma_wait3A_225] : memref<80x128xi32, #tpu.memory_space<vmem>> -> memref<1x128xi32, #tpu.memory_space<vmem>>
      %dma_wait3A_227 = tpu.memref_squeeze %dma_wait3A_226 : memref<1x128xi32, #tpu.memory_space<vmem>> -> memref<128xi32, #tpu.memory_space<vmem>>
      %dma_wait3A_228 = arith.constant 0 : i32
      %dma_wait3A_229 = tpu.memref_slice %arg7[%dma_wait3A_228] : memref<10240xf32, #tpu.memory_space<vmem_shared>> -> memref<10240xf32, #tpu.memory_space<vmem_shared>>
      tpu.wait_indirect_dma semaphore(%arg9 : memref<!tpu.dma_semaphore, #tpu.memory_space<semaphore_mem>>) src(%arg5 : memref<128xf32, #tpu.memory_space<vmem>>) dst(%dma_wait3A_229 : memref<10240xf32, #tpu.memory_space<vmem_shared>>)
      %mul3A_230 = arith.constant 8 : i32
      %mul3A_231 = arith.muli %mul3A_230, %scan3A_102 : i32
      %add3A_232 = arith.constant 6 : i32
      %add3A_233 = arith.addi %mul3A_231, %add3A_232 : i32
      %dma_wait3A_234 = arith.constant 0 : i32
      %dma_wait3A_235 = tpu.memref_slice %arg4[%add3A_233, %dma_wait3A_234] : memref<80x128xi32, #tpu.memory_space<vmem>> -> memref<1x128xi32, #tpu.memory_space<vmem>>
      %dma_wait3A_236 = tpu.memref_squeeze %dma_wait3A_235 : memref<1x128xi32, #tpu.memory_space<vmem>> -> memref<128xi32, #tpu.memory_space<vmem>>
      %dma_wait3A_237 = arith.constant 0 : i32
      %dma_wait3A_238 = tpu.memref_slice %arg7[%dma_wait3A_237] : memref<10240xf32, #tpu.memory_space<vmem_shared>> -> memref<10240xf32, #tpu.memory_space<vmem_shared>>
      tpu.wait_indirect_dma semaphore(%arg9 : memref<!tpu.dma_semaphore, #tpu.memory_space<semaphore_mem>>) src(%arg5 : memref<128xf32, #tpu.memory_space<vmem>>) dst(%dma_wait3A_238 : memref<10240xf32, #tpu.memory_space<vmem_shared>>)
      %mul3A_239 = arith.constant 8 : i32
      %mul3A_240 = arith.muli %mul3A_239, %scan3A_102 : i32
      %add3A_241 = arith.constant 7 : i32
      %add3A_242 = arith.addi %mul3A_240, %add3A_241 : i32
      %dma_wait3A_243 = arith.constant 0 : i32
      %dma_wait3A_244 = tpu.memref_slice %arg4[%add3A_242, %dma_wait3A_243] : memref<80x128xi32, #tpu.memory_space<vmem>> -> memref<1x128xi32, #tpu.memory_space<vmem>>
      %dma_wait3A_245 = tpu.memref_squeeze %dma_wait3A_244 : memref<1x128xi32, #tpu.memory_space<vmem>> -> memref<128xi32, #tpu.memory_space<vmem>>
      %dma_wait3A_246 = arith.constant 0 : i32
      %dma_wait3A_247 = tpu.memref_slice %arg7[%dma_wait3A_246] : memref<10240xf32, #tpu.memory_space<vmem_shared>> -> memref<10240xf32, #tpu.memory_space<vmem_shared>>
      tpu.wait_indirect_dma semaphore(%arg9 : memref<!tpu.dma_semaphore, #tpu.memory_space<semaphore_mem>>) src(%arg5 : memref<128xf32, #tpu.memory_space<vmem>>) dst(%dma_wait3A_247 : memref<10240xf32, #tpu.memory_space<vmem_shared>>)
      %scan3A_248 = arith.constant 0 : i32
      scf.yield %scan3A_248 : i32
    }
    %scan3A_95 = arith.constant 10 : i32
    %barrier3A_96 = arith.constant 0 : index
    tpu.barrier barrier_id(%barrier3A_96)
    %eq3A_97 = arith.constant 0 : i32
    %eq3A_98 = arith.cmpi eq, %arg1, %eq3A_97 : i32
    %convert_element_type3A_99 = arith.extui %eq3A_98 : i1 to i32
    %cond3A_100 = arith.constant 0 : i32
    %cond3A_101 = arith.cmpi ne, %convert_element_type3A_99, %cond3A_100 : i32
    scf.if %cond3A_101 {
      "tpu.region"() ({
        %run_scoped3A = tpu.sem_alloc : memref<!tpu.dma_semaphore, #tpu.memory_space<semaphore_mem>>
        %dma_start3A_102 = arith.constant 0 : i32
        %dma_start3A_103 = tpu.memref_slice %arg3[%arg0, %dma_start3A_102] : memref<2x10240xf32, #tpu.memory_space<hbm>> -> memref<1x10240xf32, #tpu.memory_space<hbm>>
        %dma_start3A_104 = tpu.memref_squeeze %dma_start3A_103 : memref<1x10240xf32, #tpu.memory_space<hbm>> -> memref<10240xf32, #tpu.memory_space<hbm>>
        tpu.enqueue_dma source(%arg7 : memref<10240xf32, #tpu.memory_space<vmem_shared>>) target(%dma_start3A_104 : memref<10240xf32, #tpu.memory_space<hbm>>) target_semaphore(%run_scoped3A : memref<!tpu.dma_semaphore, #tpu.memory_space<semaphore_mem>>)
        %dma_wait3A_105 = arith.constant 0 : i32
        %dma_wait3A_106 = tpu.memref_slice %arg3[%arg0, %dma_wait3A_105] : memref<2x10240xf32, #tpu.memory_space<hbm>> -> memref<1x10240xf32, #tpu.memory_space<hbm>>
        %dma_wait3A_107 = tpu.memref_squeeze %dma_wait3A_106 : memref<1x10240xf32, #tpu.memory_space<hbm>> -> memref<10240xf32, #tpu.memory_space<hbm>>
        tpu.wait_dma2 semaphore(%run_scoped3A : memref<!tpu.dma_semaphore, #tpu.memory_space<semaphore_mem>>) src(%arg7 : memref<10240xf32, #tpu.memory_space<vmem_shared>>) dst(%dma_wait3A_107 : memref<10240xf32, #tpu.memory_space<hbm>>)
        tpu.yield
      }) : () -> ()
    } else {
    }
    return
  }
}

#map = affine_map<(d0, d1) -> (0, 0, 0)>
module attributes {stable_mosaic.version = 14 : i64} {
  func.func @prop_kernel(%arg0: i32, %arg1: i32, %arg2: memref<2x10000x128xf32, #tpu.memory_space<hbm>>, %arg3: memref<2x2560x128xi32, #tpu.memory_space<hbm>>, %arg4: memref<2x10000x128xf32, #tpu.memory_space<hbm>>, %arg5: memref<16x128xi32, #tpu.memory_space<vmem>>, %arg6: memref<16x128xi32, #tpu.memory_space<vmem>>, %arg7: memref<16x128xi32, #tpu.memory_space<vmem>>, %arg8: memref<16x128xi32, #tpu.memory_space<vmem>>, %arg9: memref<128x128xf32, #tpu.memory_space<vmem>>, %arg10: memref<128x128xf32, #tpu.memory_space<vmem>>, %arg11: memref<10128x128xf32, #tpu.memory_space<vmem_shared>>, %arg12: memref<!tpu.dma_semaphore, #tpu.memory_space<semaphore_mem>>, %arg13: memref<!tpu.dma_semaphore, #tpu.memory_space<semaphore_mem>>, %arg14: memref<!tpu.dma_semaphore, #tpu.memory_space<semaphore_mem>>, %arg15: memref<!tpu.dma_semaphore, #tpu.memory_space<semaphore_mem>>, %arg16: memref<!tpu.dma_semaphore, #tpu.memory_space<semaphore_mem>>, %arg17: memref<!tpu.dma_semaphore, #tpu.memory_space<semaphore_mem>>) attributes {dimension_semantics = [#tpu.dimension_semantics<core_parallel>, #tpu.dimension_semantics<subcore_parallel>], iteration_bounds = array<i64: 2, 16>, scalar_prefetch = 0 : i64, scratch_operands = 13 : i64, tpu.core_type = #tpu.core_type<sc_vector_subcore>, window_params = [{transform_indices = #map}, {transform_indices = #map}, {transform_indices = #map}]} {
    %mul3A = arith.constant 160 : i32
    %mul3A_0 = arith.muli %arg1, %mul3A : i32
    %dma_start3A = arith.constant 0 : i32
    %dma_start3A_1 = arith.constant 0 : i32
    %dma_start3A_2 = arith.constant 0 : i32
    %dma_start3A_3 = tpu.memref_slice %arg3[%dma_start3A, %dma_start3A_1, %dma_start3A_2] : memref<2x2560x128xi32, #tpu.memory_space<hbm>> -> memref<1x2560x128xi32, #tpu.memory_space<hbm>>
    %dma_start3A_4 = tpu.memref_squeeze %dma_start3A_3 : memref<1x2560x128xi32, #tpu.memory_space<hbm>> -> memref<2560x128xi32, #tpu.memory_space<hbm>>
    %dma_start3A_5 = arith.constant 0 : i32
    %dma_start3A_6 = tpu.memref_slice %dma_start3A_4[%mul3A_0, %dma_start3A_5] : memref<2560x128xi32, #tpu.memory_space<hbm>> -> memref<16x128xi32, #tpu.memory_space<hbm>>
    %dma_start3A_7 = arith.constant 0 : i32
    %dma_start3A_8 = arith.constant 0 : i32
    %dma_start3A_9 = tpu.memref_slice %arg3[%dma_start3A, %dma_start3A_7, %dma_start3A_8] : memref<2x2560x128xi32, #tpu.memory_space<hbm>> -> memref<1x2560x128xi32, #tpu.memory_space<hbm>>
    %dma_start3A_10 = tpu.memref_squeeze %dma_start3A_9 : memref<1x2560x128xi32, #tpu.memory_space<hbm>> -> memref<2560x128xi32, #tpu.memory_space<hbm>>
    %dma_start3A_11 = arith.constant 0 : i32
    %dma_start3A_12 = tpu.memref_slice %dma_start3A_10[%mul3A_0, %dma_start3A_11] : memref<2560x128xi32, #tpu.memory_space<hbm>> -> memref<16x128xi32, #tpu.memory_space<hbm>>
    tpu.enqueue_dma source(%dma_start3A_12 : memref<16x128xi32, #tpu.memory_space<hbm>>) target(%arg5 : memref<16x128xi32, #tpu.memory_space<vmem>>) target_semaphore(%arg16 : memref<!tpu.dma_semaphore, #tpu.memory_space<semaphore_mem>>)
    %dma_start3A_13 = arith.constant 1 : i32
    %dma_start3A_14 = arith.constant 0 : i32
    %dma_start3A_15 = arith.constant 0 : i32
    %dma_start3A_16 = tpu.memref_slice %arg3[%dma_start3A_13, %dma_start3A_14, %dma_start3A_15] : memref<2x2560x128xi32, #tpu.memory_space<hbm>> -> memref<1x2560x128xi32, #tpu.memory_space<hbm>>
    %dma_start3A_17 = tpu.memref_squeeze %dma_start3A_16 : memref<1x2560x128xi32, #tpu.memory_space<hbm>> -> memref<2560x128xi32, #tpu.memory_space<hbm>>
    %dma_start3A_18 = arith.constant 0 : i32
    %dma_start3A_19 = tpu.memref_slice %dma_start3A_17[%mul3A_0, %dma_start3A_18] : memref<2560x128xi32, #tpu.memory_space<hbm>> -> memref<16x128xi32, #tpu.memory_space<hbm>>
    %dma_start3A_20 = arith.constant 0 : i32
    %dma_start3A_21 = arith.constant 0 : i32
    %dma_start3A_22 = tpu.memref_slice %arg3[%dma_start3A_13, %dma_start3A_20, %dma_start3A_21] : memref<2x2560x128xi32, #tpu.memory_space<hbm>> -> memref<1x2560x128xi32, #tpu.memory_space<hbm>>
    %dma_start3A_23 = tpu.memref_squeeze %dma_start3A_22 : memref<1x2560x128xi32, #tpu.memory_space<hbm>> -> memref<2560x128xi32, #tpu.memory_space<hbm>>
    %dma_start3A_24 = arith.constant 0 : i32
    %dma_start3A_25 = tpu.memref_slice %dma_start3A_23[%mul3A_0, %dma_start3A_24] : memref<2560x128xi32, #tpu.memory_space<hbm>> -> memref<16x128xi32, #tpu.memory_space<hbm>>
    tpu.enqueue_dma source(%dma_start3A_25 : memref<16x128xi32, #tpu.memory_space<hbm>>) target(%arg6 : memref<16x128xi32, #tpu.memory_space<vmem>>) target_semaphore(%arg16 : memref<!tpu.dma_semaphore, #tpu.memory_space<semaphore_mem>>)
    %mul3A_26 = arith.constant 624 : i32
    %mul3A_27 = arith.muli %arg1, %mul3A_26 : i32
    %lt3A = arith.constant 15 : i32
    %lt3A_28 = arith.cmpi slt, %arg1, %lt3A : i32
    %convert_element_type3A = arith.extui %lt3A_28 : i1 to i32
    %cond3A = arith.constant 0 : i32
    %cond3A_29 = arith.cmpi ne, %convert_element_type3A, %cond3A : i32
    scf.if %cond3A_29 {
      "tpu.region"() ({
        %run_scoped3A = tpu.sem_alloc : memref<!tpu.dma_semaphore, #tpu.memory_space<semaphore_mem>>
        %dma_start3A_100 = arith.constant 0 : i32
        %dma_start3A_101 = tpu.memref_slice %arg11[%mul3A_27, %dma_start3A_100] : memref<10128x128xf32, #tpu.memory_space<vmem_shared>> -> memref<624x128xf32, #tpu.memory_space<vmem_shared>>
        %dma_start3A_102 = arith.constant 0 : i32
        %dma_start3A_103 = arith.constant 0 : i32
        %dma_start3A_104 = tpu.memref_slice %arg2[%arg0, %dma_start3A_102, %dma_start3A_103] : memref<2x10000x128xf32, #tpu.memory_space<hbm>> -> memref<1x10000x128xf32, #tpu.memory_space<hbm>>
        %dma_start3A_105 = tpu.memref_squeeze %dma_start3A_104 : memref<1x10000x128xf32, #tpu.memory_space<hbm>> -> memref<10000x128xf32, #tpu.memory_space<hbm>>
        %dma_start3A_106 = arith.constant 0 : i32
        %dma_start3A_107 = tpu.memref_slice %dma_start3A_105[%mul3A_27, %dma_start3A_106] : memref<10000x128xf32, #tpu.memory_space<hbm>> -> memref<624x128xf32, #tpu.memory_space<hbm>>
        tpu.enqueue_dma source(%dma_start3A_107 : memref<624x128xf32, #tpu.memory_space<hbm>>) target(%dma_start3A_101 : memref<624x128xf32, #tpu.memory_space<vmem_shared>>) target_semaphore(%run_scoped3A : memref<!tpu.dma_semaphore, #tpu.memory_space<semaphore_mem>>)
        %dma_wait3A_108 = arith.constant 0 : i32
        %dma_wait3A_109 = tpu.memref_slice %arg11[%mul3A_27, %dma_wait3A_108] : memref<10128x128xf32, #tpu.memory_space<vmem_shared>> -> memref<624x128xf32, #tpu.memory_space<vmem_shared>>
        %dma_wait3A_110 = arith.constant 0 : i32
        %dma_wait3A_111 = arith.constant 0 : i32
        %dma_wait3A_112 = tpu.memref_slice %arg2[%arg0, %dma_wait3A_110, %dma_wait3A_111] : memref<2x10000x128xf32, #tpu.memory_space<hbm>> -> memref<1x10000x128xf32, #tpu.memory_space<hbm>>
        %dma_wait3A_113 = tpu.memref_squeeze %dma_wait3A_112 : memref<1x10000x128xf32, #tpu.memory_space<hbm>> -> memref<10000x128xf32, #tpu.memory_space<hbm>>
        %dma_wait3A_114 = arith.constant 0 : i32
        %dma_wait3A_115 = tpu.memref_slice %dma_wait3A_113[%mul3A_27, %dma_wait3A_114] : memref<10000x128xf32, #tpu.memory_space<hbm>> -> memref<624x128xf32, #tpu.memory_space<hbm>>
        tpu.wait_dma2 semaphore(%run_scoped3A : memref<!tpu.dma_semaphore, #tpu.memory_space<semaphore_mem>>) src(%dma_wait3A_115 : memref<624x128xf32, #tpu.memory_space<hbm>>) dst(%dma_wait3A_109 : memref<624x128xf32, #tpu.memory_space<vmem_shared>>)
        tpu.yield
      }) : () -> ()
    } else {
    }
    %eq3A = arith.constant 15 : i32
    %eq3A_30 = arith.cmpi eq, %arg1, %eq3A : i32
    %convert_element_type3A_31 = arith.extui %eq3A_30 : i1 to i32
    %cond3A_32 = arith.constant 0 : i32
    %cond3A_33 = arith.cmpi ne, %convert_element_type3A_31, %cond3A_32 : i32
    scf.if %cond3A_33 {
      "tpu.region"() ({
        %run_scoped3A = tpu.sem_alloc : memref<!tpu.dma_semaphore, #tpu.memory_space<semaphore_mem>>
        %dma_start3A_100 = arith.constant 0 : i32
        %dma_start3A_101 = tpu.memref_slice %arg11[%mul3A_27, %dma_start3A_100] : memref<10128x128xf32, #tpu.memory_space<vmem_shared>> -> memref<640x128xf32, #tpu.memory_space<vmem_shared>>
        %dma_start3A_102 = arith.constant 0 : i32
        %dma_start3A_103 = arith.constant 0 : i32
        %dma_start3A_104 = tpu.memref_slice %arg2[%arg0, %dma_start3A_102, %dma_start3A_103] : memref<2x10000x128xf32, #tpu.memory_space<hbm>> -> memref<1x10000x128xf32, #tpu.memory_space<hbm>>
        %dma_start3A_105 = tpu.memref_squeeze %dma_start3A_104 : memref<1x10000x128xf32, #tpu.memory_space<hbm>> -> memref<10000x128xf32, #tpu.memory_space<hbm>>
        %dma_start3A_106 = arith.constant 0 : i32
        %dma_start3A_107 = tpu.memref_slice %dma_start3A_105[%mul3A_27, %dma_start3A_106] : memref<10000x128xf32, #tpu.memory_space<hbm>> -> memref<640x128xf32, #tpu.memory_space<hbm>>
        tpu.enqueue_dma source(%dma_start3A_107 : memref<640x128xf32, #tpu.memory_space<hbm>>) target(%dma_start3A_101 : memref<640x128xf32, #tpu.memory_space<vmem_shared>>) target_semaphore(%run_scoped3A : memref<!tpu.dma_semaphore, #tpu.memory_space<semaphore_mem>>)
        %dma_wait3A_108 = arith.constant 0 : i32
        %dma_wait3A_109 = tpu.memref_slice %arg11[%mul3A_27, %dma_wait3A_108] : memref<10128x128xf32, #tpu.memory_space<vmem_shared>> -> memref<640x128xf32, #tpu.memory_space<vmem_shared>>
        %dma_wait3A_110 = arith.constant 0 : i32
        %dma_wait3A_111 = arith.constant 0 : i32
        %dma_wait3A_112 = tpu.memref_slice %arg2[%arg0, %dma_wait3A_110, %dma_wait3A_111] : memref<2x10000x128xf32, #tpu.memory_space<hbm>> -> memref<1x10000x128xf32, #tpu.memory_space<hbm>>
        %dma_wait3A_113 = tpu.memref_squeeze %dma_wait3A_112 : memref<1x10000x128xf32, #tpu.memory_space<hbm>> -> memref<10000x128xf32, #tpu.memory_space<hbm>>
        %dma_wait3A_114 = arith.constant 0 : i32
        %dma_wait3A_115 = tpu.memref_slice %dma_wait3A_113[%mul3A_27, %dma_wait3A_114] : memref<10000x128xf32, #tpu.memory_space<hbm>> -> memref<640x128xf32, #tpu.memory_space<hbm>>
        tpu.wait_dma2 semaphore(%run_scoped3A : memref<!tpu.dma_semaphore, #tpu.memory_space<semaphore_mem>>) src(%dma_wait3A_115 : memref<640x128xf32, #tpu.memory_space<hbm>>) dst(%dma_wait3A_109 : memref<640x128xf32, #tpu.memory_space<vmem_shared>>)
        tpu.yield
      }) : () -> ()
    } else {
    }
    %dma_wait3A = arith.constant 0 : i32
    %dma_wait3A_34 = arith.constant 0 : i32
    %dma_wait3A_35 = arith.constant 0 : i32
    %dma_wait3A_36 = tpu.memref_slice %arg3[%dma_wait3A, %dma_wait3A_34, %dma_wait3A_35] : memref<2x2560x128xi32, #tpu.memory_space<hbm>> -> memref<1x2560x128xi32, #tpu.memory_space<hbm>>
    %dma_wait3A_37 = tpu.memref_squeeze %dma_wait3A_36 : memref<1x2560x128xi32, #tpu.memory_space<hbm>> -> memref<2560x128xi32, #tpu.memory_space<hbm>>
    %dma_wait3A_38 = arith.constant 0 : i32
    %dma_wait3A_39 = tpu.memref_slice %dma_wait3A_37[%mul3A_0, %dma_wait3A_38] : memref<2560x128xi32, #tpu.memory_space<hbm>> -> memref<16x128xi32, #tpu.memory_space<hbm>>
    %dma_wait3A_40 = arith.constant 0 : i32
    %dma_wait3A_41 = arith.constant 0 : i32
    %dma_wait3A_42 = tpu.memref_slice %arg3[%dma_wait3A, %dma_wait3A_40, %dma_wait3A_41] : memref<2x2560x128xi32, #tpu.memory_space<hbm>> -> memref<1x2560x128xi32, #tpu.memory_space<hbm>>
    %dma_wait3A_43 = tpu.memref_squeeze %dma_wait3A_42 : memref<1x2560x128xi32, #tpu.memory_space<hbm>> -> memref<2560x128xi32, #tpu.memory_space<hbm>>
    %dma_wait3A_44 = arith.constant 0 : i32
    %dma_wait3A_45 = tpu.memref_slice %dma_wait3A_43[%mul3A_0, %dma_wait3A_44] : memref<2560x128xi32, #tpu.memory_space<hbm>> -> memref<16x128xi32, #tpu.memory_space<hbm>>
    tpu.wait_dma2 semaphore(%arg16 : memref<!tpu.dma_semaphore, #tpu.memory_space<semaphore_mem>>) src(%dma_wait3A_45 : memref<16x128xi32, #tpu.memory_space<hbm>>) dst(%arg5 : memref<16x128xi32, #tpu.memory_space<vmem>>)
    %dma_wait3A_46 = arith.constant 1 : i32
    %dma_wait3A_47 = arith.constant 0 : i32
    %dma_wait3A_48 = arith.constant 0 : i32
    %dma_wait3A_49 = tpu.memref_slice %arg3[%dma_wait3A_46, %dma_wait3A_47, %dma_wait3A_48] : memref<2x2560x128xi32, #tpu.memory_space<hbm>> -> memref<1x2560x128xi32, #tpu.memory_space<hbm>>
    %dma_wait3A_50 = tpu.memref_squeeze %dma_wait3A_49 : memref<1x2560x128xi32, #tpu.memory_space<hbm>> -> memref<2560x128xi32, #tpu.memory_space<hbm>>
    %dma_wait3A_51 = arith.constant 0 : i32
    %dma_wait3A_52 = tpu.memref_slice %dma_wait3A_50[%mul3A_0, %dma_wait3A_51] : memref<2560x128xi32, #tpu.memory_space<hbm>> -> memref<16x128xi32, #tpu.memory_space<hbm>>
    %dma_wait3A_53 = arith.constant 0 : i32
    %dma_wait3A_54 = arith.constant 0 : i32
    %dma_wait3A_55 = tpu.memref_slice %arg3[%dma_wait3A_46, %dma_wait3A_53, %dma_wait3A_54] : memref<2x2560x128xi32, #tpu.memory_space<hbm>> -> memref<1x2560x128xi32, #tpu.memory_space<hbm>>
    %dma_wait3A_56 = tpu.memref_squeeze %dma_wait3A_55 : memref<1x2560x128xi32, #tpu.memory_space<hbm>> -> memref<2560x128xi32, #tpu.memory_space<hbm>>
    %dma_wait3A_57 = arith.constant 0 : i32
    %dma_wait3A_58 = tpu.memref_slice %dma_wait3A_56[%mul3A_0, %dma_wait3A_57] : memref<2560x128xi32, #tpu.memory_space<hbm>> -> memref<16x128xi32, #tpu.memory_space<hbm>>
    tpu.wait_dma2 semaphore(%arg16 : memref<!tpu.dma_semaphore, #tpu.memory_space<semaphore_mem>>) src(%dma_wait3A_58 : memref<16x128xi32, #tpu.memory_space<hbm>>) dst(%arg6 : memref<16x128xi32, #tpu.memory_space<vmem>>)
    %dma_start3A_59 = arith.constant 0 : i32
    %dma_start3A_60 = arith.constant 0 : i32
    %dma_start3A_61 = tpu.memref_slice %arg5[%dma_start3A_59, %dma_start3A_60] : memref<16x128xi32, #tpu.memory_space<vmem>> -> memref<1x128xi32, #tpu.memory_space<vmem>>
    %dma_start3A_62 = tpu.memref_squeeze %dma_start3A_61 : memref<1x128xi32, #tpu.memory_space<vmem>> -> memref<128xi32, #tpu.memory_space<vmem>>
    %dma_start3A_63 = arith.constant 0 : i32
    %dma_start3A_64 = arith.constant 0 : i32
    %dma_start3A_65 = tpu.memref_slice %arg2[%arg0, %dma_start3A_63, %dma_start3A_64] : memref<2x10000x128xf32, #tpu.memory_space<hbm>> -> memref<1x10000x128xf32, #tpu.memory_space<hbm>>
    %dma_start3A_66 = tpu.memref_squeeze %dma_start3A_65 : memref<1x10000x128xf32, #tpu.memory_space<hbm>> -> memref<10000x128xf32, #tpu.memory_space<hbm>>
    %dma_start3A_67 = arith.constant 0 : i32
    %dma_start3A_68 = arith.constant 0 : i32
    %dma_start3A_69 = tpu.memref_slice %dma_start3A_66[%dma_start3A_67, %dma_start3A_68] : memref<10000x128xf32, #tpu.memory_space<hbm>> -> memref<10000x128xf32, #tpu.memory_space<hbm>>
    tpu.enqueue_indirect_dma source(%dma_start3A_69 : memref<10000x128xf32, #tpu.memory_space<hbm>>) target(%arg9 : memref<128x128xf32, #tpu.memory_space<vmem>>) offsets(%dma_start3A_62 : memref<128xi32, #tpu.memory_space<vmem>>) semaphore(%arg12 : memref<!tpu.dma_semaphore, #tpu.memory_space<semaphore_mem>>)
    %dma_start3A_70 = arith.constant 1 : i32
    %dma_start3A_71 = arith.constant 0 : i32
    %dma_start3A_72 = tpu.memref_slice %arg5[%dma_start3A_70, %dma_start3A_71] : memref<16x128xi32, #tpu.memory_space<vmem>> -> memref<1x128xi32, #tpu.memory_space<vmem>>
    %dma_start3A_73 = tpu.memref_squeeze %dma_start3A_72 : memref<1x128xi32, #tpu.memory_space<vmem>> -> memref<128xi32, #tpu.memory_space<vmem>>
    %dma_start3A_74 = arith.constant 0 : i32
    %dma_start3A_75 = arith.constant 0 : i32
    %dma_start3A_76 = tpu.memref_slice %arg2[%arg0, %dma_start3A_74, %dma_start3A_75] : memref<2x10000x128xf32, #tpu.memory_space<hbm>> -> memref<1x10000x128xf32, #tpu.memory_space<hbm>>
    %dma_start3A_77 = tpu.memref_squeeze %dma_start3A_76 : memref<1x10000x128xf32, #tpu.memory_space<hbm>> -> memref<10000x128xf32, #tpu.memory_space<hbm>>
    %dma_start3A_78 = arith.constant 0 : i32
    %dma_start3A_79 = arith.constant 0 : i32
    %dma_start3A_80 = tpu.memref_slice %dma_start3A_77[%dma_start3A_78, %dma_start3A_79] : memref<10000x128xf32, #tpu.memory_space<hbm>> -> memref<10000x128xf32, #tpu.memory_space<hbm>>
    tpu.enqueue_indirect_dma source(%dma_start3A_80 : memref<10000x128xf32, #tpu.memory_space<hbm>>) target(%arg10 : memref<128x128xf32, #tpu.memory_space<vmem>>) offsets(%dma_start3A_73 : memref<128xi32, #tpu.memory_space<vmem>>) semaphore(%arg13 : memref<!tpu.dma_semaphore, #tpu.memory_space<semaphore_mem>>)
    %barrier3A = arith.constant 0 : index
    tpu.barrier barrier_id(%barrier3A)
    %scan3A = arith.constant 0 : i32
    %scan3A_81 = arith.constant 1 : i32
    %scan3A_82 = arith.constant 0 : i32
    %scan3A_83 = arith.constant 0 : i32
    %scan3A_84 = arith.constant 10 : i32
    %scan3A_85 = arith.addi %scan3A_83, %scan3A_84 : i32
    %scan3A_86 = arith.constant 1 : i32
    %scan3A_87 = scf.for %scan3A_100 = %scan3A_83 to %scan3A_85 step %scan3A_86 iter_args(%scan3A_101 = %scan3A_82) -> (i32)  : i32 {
      %jit3A = arith.constant 2 : i32
      %eq3A_102 = arith.constant 0 : i32
      %eq3A_103 = arith.cmpi eq, %jit3A, %eq3A_102 : i32
      %jit3A_104 = arith.constant 1 : i32
      %select_n3A = arith.select %eq3A_103, %jit3A_104, %jit3A : i32
      %rem3A = arith.remsi %scan3A_100, %select_n3A : i32
      %ne3A = arith.constant 0 : i32
      %ne3A_105 = arith.cmpi ne, %rem3A, %ne3A : i32
      %lt3A_106 = arith.constant 0 : i32
      %lt3A_107 = arith.cmpi slt, %rem3A, %lt3A_106 : i32
      %lt3A_108 = arith.constant 0 : i32
      %lt3A_109 = arith.cmpi slt, %select_n3A, %lt3A_108 : i32
      %ne3A_110 = arith.xori %lt3A_107, %lt3A_109 : i1
      %and3A = arith.andi %ne3A_110, %ne3A_105 : i1
      %add3A = arith.addi %rem3A, %select_n3A : i32
      %select_n3A_111 = arith.select %and3A, %add3A, %rem3A : i32
      %eq3A_112 = arith.constant 0 : i32
      %eq3A_113 = arith.cmpi eq, %select_n3A_111, %eq3A_112 : i32
      %convert_element_type3A_114 = arith.extui %eq3A_113 : i1 to i32
      %cond3A_115 = arith.constant 0 : i32
      %cond3A_116 = arith.cmpi ne, %convert_element_type3A_114, %cond3A_115 : i32
      scf.if %cond3A_116 {
        %add3A_139 = arith.constant 1 : i32
        %add3A_140 = arith.addi %scan3A_100, %add3A_139 : i32
        %lt3A_141 = arith.constant 10 : i32
        %lt3A_142 = arith.cmpi slt, %add3A_140, %lt3A_141 : i32
        %convert_element_type3A_143 = arith.extui %lt3A_142 : i1 to i32
        %cond3A_144 = arith.constant 0 : i32
        %cond3A_145 = arith.cmpi ne, %convert_element_type3A_143, %cond3A_144 : i32
        scf.if %cond3A_145 {
          %add3A_153 = arith.constant 1 : i32
          %add3A_154 = arith.addi %scan3A_100, %add3A_153 : i32
          %mul3A_155 = arith.constant 16 : i32
          %mul3A_156 = arith.muli %add3A_154, %mul3A_155 : i32
          %add3A_157 = arith.addi %mul3A_0, %mul3A_156 : i32
          %dma_start3A_158 = arith.constant 0 : i32
          %dma_start3A_159 = arith.constant 0 : i32
          %dma_start3A_160 = tpu.memref_slice %arg3[%scan3A, %dma_start3A_158, %dma_start3A_159] : memref<2x2560x128xi32, #tpu.memory_space<hbm>> -> memref<1x2560x128xi32, #tpu.memory_space<hbm>>
          %dma_start3A_161 = tpu.memref_squeeze %dma_start3A_160 : memref<1x2560x128xi32, #tpu.memory_space<hbm>> -> memref<2560x128xi32, #tpu.memory_space<hbm>>
          %dma_start3A_162 = arith.constant 0 : i32
          %dma_start3A_163 = tpu.memref_slice %dma_start3A_161[%add3A_157, %dma_start3A_162] : memref<2560x128xi32, #tpu.memory_space<hbm>> -> memref<16x128xi32, #tpu.memory_space<hbm>>
          %dma_start3A_164 = arith.constant 0 : i32
          %dma_start3A_165 = arith.constant 0 : i32
          %dma_start3A_166 = tpu.memref_slice %arg3[%scan3A, %dma_start3A_164, %dma_start3A_165] : memref<2x2560x128xi32, #tpu.memory_space<hbm>> -> memref<1x2560x128xi32, #tpu.memory_space<hbm>>
          %dma_start3A_167 = tpu.memref_squeeze %dma_start3A_166 : memref<1x2560x128xi32, #tpu.memory_space<hbm>> -> memref<2560x128xi32, #tpu.memory_space<hbm>>
          %dma_start3A_168 = arith.constant 0 : i32
          %dma_start3A_169 = tpu.memref_slice %dma_start3A_167[%add3A_157, %dma_start3A_168] : memref<2560x128xi32, #tpu.memory_space<hbm>> -> memref<16x128xi32, #tpu.memory_space<hbm>>
          tpu.enqueue_dma source(%dma_start3A_169 : memref<16x128xi32, #tpu.memory_space<hbm>>) target(%arg7 : memref<16x128xi32, #tpu.memory_space<vmem>>) target_semaphore(%arg17 : memref<!tpu.dma_semaphore, #tpu.memory_space<semaphore_mem>>)
          %dma_start3A_170 = arith.constant 0 : i32
          %dma_start3A_171 = arith.constant 0 : i32
          %dma_start3A_172 = tpu.memref_slice %arg3[%scan3A_81, %dma_start3A_170, %dma_start3A_171] : memref<2x2560x128xi32, #tpu.memory_space<hbm>> -> memref<1x2560x128xi32, #tpu.memory_space<hbm>>
          %dma_start3A_173 = tpu.memref_squeeze %dma_start3A_172 : memref<1x2560x128xi32, #tpu.memory_space<hbm>> -> memref<2560x128xi32, #tpu.memory_space<hbm>>
          %dma_start3A_174 = arith.constant 0 : i32
          %dma_start3A_175 = tpu.memref_slice %dma_start3A_173[%add3A_157, %dma_start3A_174] : memref<2560x128xi32, #tpu.memory_space<hbm>> -> memref<16x128xi32, #tpu.memory_space<hbm>>
          %dma_start3A_176 = arith.constant 0 : i32
          %dma_start3A_177 = arith.constant 0 : i32
          %dma_start3A_178 = tpu.memref_slice %arg3[%scan3A_81, %dma_start3A_176, %dma_start3A_177] : memref<2x2560x128xi32, #tpu.memory_space<hbm>> -> memref<1x2560x128xi32, #tpu.memory_space<hbm>>
          %dma_start3A_179 = tpu.memref_squeeze %dma_start3A_178 : memref<1x2560x128xi32, #tpu.memory_space<hbm>> -> memref<2560x128xi32, #tpu.memory_space<hbm>>
          %dma_start3A_180 = arith.constant 0 : i32
          %dma_start3A_181 = tpu.memref_slice %dma_start3A_179[%add3A_157, %dma_start3A_180] : memref<2560x128xi32, #tpu.memory_space<hbm>> -> memref<16x128xi32, #tpu.memory_space<hbm>>
          tpu.enqueue_dma source(%dma_start3A_181 : memref<16x128xi32, #tpu.memory_space<hbm>>) target(%arg8 : memref<16x128xi32, #tpu.memory_space<vmem>>) target_semaphore(%arg17 : memref<!tpu.dma_semaphore, #tpu.memory_space<semaphore_mem>>)
        } else {
        }
        %scan3A_146 = arith.constant 0 : i32
        %scan3A_147 = arith.constant 0 : i32
        %scan3A_148 = arith.constant 8 : i32
        %scan3A_149 = arith.addi %scan3A_147, %scan3A_148 : i32
        %scan3A_150 = arith.constant 1 : i32
        %scan3A_151 = scf.for %scan3A_153 = %scan3A_147 to %scan3A_149 step %scan3A_150 iter_args(%scan3A_154 = %scan3A_146) -> (i32)  : i32 {
          %mul3A_155 = arith.constant 2 : i32
          %mul3A_156 = arith.muli %mul3A_155, %scan3A_153 : i32
          %dma_wait3A_157 = arith.constant 0 : i32
          %dma_wait3A_158 = tpu.memref_slice %arg5[%mul3A_156, %dma_wait3A_157] : memref<16x128xi32, #tpu.memory_space<vmem>> -> memref<1x128xi32, #tpu.memory_space<vmem>>
          %dma_wait3A_159 = tpu.memref_squeeze %dma_wait3A_158 : memref<1x128xi32, #tpu.memory_space<vmem>> -> memref<128xi32, #tpu.memory_space<vmem>>
          %dma_wait3A_160 = arith.constant 0 : i32
          %dma_wait3A_161 = arith.constant 0 : i32
          %dma_wait3A_162 = tpu.memref_slice %arg2[%arg0, %dma_wait3A_160, %dma_wait3A_161] : memref<2x10000x128xf32, #tpu.memory_space<hbm>> -> memref<1x10000x128xf32, #tpu.memory_space<hbm>>
          %dma_wait3A_163 = tpu.memref_squeeze %dma_wait3A_162 : memref<1x10000x128xf32, #tpu.memory_space<hbm>> -> memref<10000x128xf32, #tpu.memory_space<hbm>>
          %dma_wait3A_164 = arith.constant 0 : i32
          %dma_wait3A_165 = arith.constant 0 : i32
          %dma_wait3A_166 = tpu.memref_slice %dma_wait3A_163[%dma_wait3A_164, %dma_wait3A_165] : memref<10000x128xf32, #tpu.memory_space<hbm>> -> memref<10000x128xf32, #tpu.memory_space<hbm>>
          tpu.wait_indirect_dma semaphore(%arg12 : memref<!tpu.dma_semaphore, #tpu.memory_space<semaphore_mem>>) src(%dma_wait3A_166 : memref<10000x128xf32, #tpu.memory_space<hbm>>) dst(%arg9 : memref<128x128xf32, #tpu.memory_space<vmem>>)
          %mul3A_167 = arith.constant 2 : i32
          %mul3A_168 = arith.muli %mul3A_167, %scan3A_153 : i32
          "tpu.region"() ({
            %run_scoped3A = tpu.sem_alloc : memref<!tpu.dma_semaphore, #tpu.memory_space<semaphore_mem>>
            %dma_start3A_208 = arith.constant 0 : i32
            %dma_start3A_209 = tpu.memref_slice %arg6[%mul3A_168, %dma_start3A_208] : memref<16x128xi32, #tpu.memory_space<vmem>> -> memref<1x128xi32, #tpu.memory_space<vmem>>
            %dma_start3A_210 = tpu.memref_squeeze %dma_start3A_209 : memref<1x128xi32, #tpu.memory_space<vmem>> -> memref<128xi32, #tpu.memory_space<vmem>>
            %dma_start3A_211 = arith.constant 0 : i32
            %dma_start3A_212 = arith.constant 0 : i32
            %dma_start3A_213 = tpu.memref_slice %arg11[%dma_start3A_211, %dma_start3A_212] : memref<10128x128xf32, #tpu.memory_space<vmem_shared>> -> memref<10128x128xf32, #tpu.memory_space<vmem_shared>>
            tpu.enqueue_indirect_dma source(%arg9 : memref<128x128xf32, #tpu.memory_space<vmem>>) target(%dma_start3A_213 : memref<10128x128xf32, #tpu.memory_space<vmem_shared>>) offsets(%dma_start3A_210 : memref<128xi32, #tpu.memory_space<vmem>>) semaphore(%run_scoped3A : memref<!tpu.dma_semaphore, #tpu.memory_space<semaphore_mem>>) {add = true}
            %dma_wait3A_214 = arith.constant 0 : i32
            %dma_wait3A_215 = tpu.memref_slice %arg6[%mul3A_168, %dma_wait3A_214] : memref<16x128xi32, #tpu.memory_space<vmem>> -> memref<1x128xi32, #tpu.memory_space<vmem>>
            %dma_wait3A_216 = tpu.memref_squeeze %dma_wait3A_215 : memref<1x128xi32, #tpu.memory_space<vmem>> -> memref<128xi32, #tpu.memory_space<vmem>>
            %dma_wait3A_217 = arith.constant 0 : i32
            %dma_wait3A_218 = arith.constant 0 : i32
            %dma_wait3A_219 = tpu.memref_slice %arg11[%dma_wait3A_217, %dma_wait3A_218] : memref<10128x128xf32, #tpu.memory_space<vmem_shared>> -> memref<10128x128xf32, #tpu.memory_space<vmem_shared>>
            tpu.wait_indirect_dma semaphore(%run_scoped3A : memref<!tpu.dma_semaphore, #tpu.memory_space<semaphore_mem>>) src(%arg9 : memref<128x128xf32, #tpu.memory_space<vmem>>) dst(%dma_wait3A_219 : memref<10128x128xf32, #tpu.memory_space<vmem_shared>>)
            tpu.yield
          }) : () -> ()
          %mul3A_169 = arith.constant 2 : i32
          %mul3A_170 = arith.muli %mul3A_169, %scan3A_153 : i32
          %add3A_171 = arith.constant 1 : i32
          %add3A_172 = arith.addi %mul3A_170, %add3A_171 : i32
          %dma_wait3A_173 = arith.constant 0 : i32
          %dma_wait3A_174 = tpu.memref_slice %arg5[%add3A_172, %dma_wait3A_173] : memref<16x128xi32, #tpu.memory_space<vmem>> -> memref<1x128xi32, #tpu.memory_space<vmem>>
          %dma_wait3A_175 = tpu.memref_squeeze %dma_wait3A_174 : memref<1x128xi32, #tpu.memory_space<vmem>> -> memref<128xi32, #tpu.memory_space<vmem>>
          %dma_wait3A_176 = arith.constant 0 : i32
          %dma_wait3A_177 = arith.constant 0 : i32
          %dma_wait3A_178 = tpu.memref_slice %arg2[%arg0, %dma_wait3A_176, %dma_wait3A_177] : memref<2x10000x128xf32, #tpu.memory_space<hbm>> -> memref<1x10000x128xf32, #tpu.memory_space<hbm>>
          %dma_wait3A_179 = tpu.memref_squeeze %dma_wait3A_178 : memref<1x10000x128xf32, #tpu.memory_space<hbm>> -> memref<10000x128xf32, #tpu.memory_space<hbm>>
          %dma_wait3A_180 = arith.constant 0 : i32
          %dma_wait3A_181 = arith.constant 0 : i32
          %dma_wait3A_182 = tpu.memref_slice %dma_wait3A_179[%dma_wait3A_180, %dma_wait3A_181] : memref<10000x128xf32, #tpu.memory_space<hbm>> -> memref<10000x128xf32, #tpu.memory_space<hbm>>
          tpu.wait_indirect_dma semaphore(%arg13 : memref<!tpu.dma_semaphore, #tpu.memory_space<semaphore_mem>>) src(%dma_wait3A_182 : memref<10000x128xf32, #tpu.memory_space<hbm>>) dst(%arg10 : memref<128x128xf32, #tpu.memory_space<vmem>>)
          %lt3A_183 = arith.constant 7 : i32
          %lt3A_184 = arith.cmpi slt, %scan3A_153, %lt3A_183 : i32
          %convert_element_type3A_185 = arith.extui %lt3A_184 : i1 to i32
          %cond3A_186 = arith.constant 0 : i32
          %cond3A_187 = arith.cmpi ne, %convert_element_type3A_185, %cond3A_186 : i32
          scf.if %cond3A_187 {
            %mul3A_208 = arith.constant 2 : i32
            %mul3A_209 = arith.muli %mul3A_208, %scan3A_153 : i32
            %add3A_210 = arith.constant 2 : i32
            %add3A_211 = arith.addi %mul3A_209, %add3A_210 : i32
            %dma_start3A_212 = arith.constant 0 : i32
            %dma_start3A_213 = tpu.memref_slice %arg5[%add3A_211, %dma_start3A_212] : memref<16x128xi32, #tpu.memory_space<vmem>> -> memref<1x128xi32, #tpu.memory_space<vmem>>
            %dma_start3A_214 = tpu.memref_squeeze %dma_start3A_213 : memref<1x128xi32, #tpu.memory_space<vmem>> -> memref<128xi32, #tpu.memory_space<vmem>>
            %dma_start3A_215 = arith.constant 0 : i32
            %dma_start3A_216 = arith.constant 0 : i32
            %dma_start3A_217 = tpu.memref_slice %arg2[%arg0, %dma_start3A_215, %dma_start3A_216] : memref<2x10000x128xf32, #tpu.memory_space<hbm>> -> memref<1x10000x128xf32, #tpu.memory_space<hbm>>
            %dma_start3A_218 = tpu.memref_squeeze %dma_start3A_217 : memref<1x10000x128xf32, #tpu.memory_space<hbm>> -> memref<10000x128xf32, #tpu.memory_space<hbm>>
            %dma_start3A_219 = arith.constant 0 : i32
            %dma_start3A_220 = arith.constant 0 : i32
            %dma_start3A_221 = tpu.memref_slice %dma_start3A_218[%dma_start3A_219, %dma_start3A_220] : memref<10000x128xf32, #tpu.memory_space<hbm>> -> memref<10000x128xf32, #tpu.memory_space<hbm>>
            tpu.enqueue_indirect_dma source(%dma_start3A_221 : memref<10000x128xf32, #tpu.memory_space<hbm>>) target(%arg9 : memref<128x128xf32, #tpu.memory_space<vmem>>) offsets(%dma_start3A_214 : memref<128xi32, #tpu.memory_space<vmem>>) semaphore(%arg12 : memref<!tpu.dma_semaphore, #tpu.memory_space<semaphore_mem>>)
          } else {
          }
          %mul3A_188 = arith.constant 2 : i32
          %mul3A_189 = arith.muli %mul3A_188, %scan3A_153 : i32
          %add3A_190 = arith.constant 1 : i32
          %add3A_191 = arith.addi %mul3A_189, %add3A_190 : i32
          "tpu.region"() ({
            %run_scoped3A = tpu.sem_alloc : memref<!tpu.dma_semaphore, #tpu.memory_space<semaphore_mem>>
            %dma_start3A_208 = arith.constant 0 : i32
            %dma_start3A_209 = tpu.memref_slice %arg6[%add3A_191, %dma_start3A_208] : memref<16x128xi32, #tpu.memory_space<vmem>> -> memref<1x128xi32, #tpu.memory_space<vmem>>
            %dma_start3A_210 = tpu.memref_squeeze %dma_start3A_209 : memref<1x128xi32, #tpu.memory_space<vmem>> -> memref<128xi32, #tpu.memory_space<vmem>>
            %dma_start3A_211 = arith.constant 0 : i32
            %dma_start3A_212 = arith.constant 0 : i32
            %dma_start3A_213 = tpu.memref_slice %arg11[%dma_start3A_211, %dma_start3A_212] : memref<10128x128xf32, #tpu.memory_space<vmem_shared>> -> memref<10128x128xf32, #tpu.memory_space<vmem_shared>>
            tpu.enqueue_indirect_dma source(%arg10 : memref<128x128xf32, #tpu.memory_space<vmem>>) target(%dma_start3A_213 : memref<10128x128xf32, #tpu.memory_space<vmem_shared>>) offsets(%dma_start3A_210 : memref<128xi32, #tpu.memory_space<vmem>>) semaphore(%run_scoped3A : memref<!tpu.dma_semaphore, #tpu.memory_space<semaphore_mem>>) {add = true}
            %dma_wait3A_214 = arith.constant 0 : i32
            %dma_wait3A_215 = tpu.memref_slice %arg6[%add3A_191, %dma_wait3A_214] : memref<16x128xi32, #tpu.memory_space<vmem>> -> memref<1x128xi32, #tpu.memory_space<vmem>>
            %dma_wait3A_216 = tpu.memref_squeeze %dma_wait3A_215 : memref<1x128xi32, #tpu.memory_space<vmem>> -> memref<128xi32, #tpu.memory_space<vmem>>
            %dma_wait3A_217 = arith.constant 0 : i32
            %dma_wait3A_218 = arith.constant 0 : i32
            %dma_wait3A_219 = tpu.memref_slice %arg11[%dma_wait3A_217, %dma_wait3A_218] : memref<10128x128xf32, #tpu.memory_space<vmem_shared>> -> memref<10128x128xf32, #tpu.memory_space<vmem_shared>>
            tpu.wait_indirect_dma semaphore(%run_scoped3A : memref<!tpu.dma_semaphore, #tpu.memory_space<semaphore_mem>>) src(%arg10 : memref<128x128xf32, #tpu.memory_space<vmem>>) dst(%dma_wait3A_219 : memref<10128x128xf32, #tpu.memory_space<vmem_shared>>)
            tpu.yield
          }) : () -> ()
          %lt3A_192 = arith.constant 7 : i32
          %lt3A_193 = arith.cmpi slt, %scan3A_153, %lt3A_192 : i32
          %convert_element_type3A_194 = arith.extui %lt3A_193 : i1 to i32
          %cond3A_195 = arith.constant 0 : i32
          %cond3A_196 = arith.cmpi ne, %convert_element_type3A_194, %cond3A_195 : i32
          scf.if %cond3A_196 {
            %mul3A_208 = arith.constant 2 : i32
            %mul3A_209 = arith.muli %mul3A_208, %scan3A_153 : i32
            %add3A_210 = arith.constant 3 : i32
            %add3A_211 = arith.addi %mul3A_209, %add3A_210 : i32
            %dma_start3A_212 = arith.constant 0 : i32
            %dma_start3A_213 = tpu.memref_slice %arg5[%add3A_211, %dma_start3A_212] : memref<16x128xi32, #tpu.memory_space<vmem>> -> memref<1x128xi32, #tpu.memory_space<vmem>>
            %dma_start3A_214 = tpu.memref_squeeze %dma_start3A_213 : memref<1x128xi32, #tpu.memory_space<vmem>> -> memref<128xi32, #tpu.memory_space<vmem>>
            %dma_start3A_215 = arith.constant 0 : i32
            %dma_start3A_216 = arith.constant 0 : i32
            %dma_start3A_217 = tpu.memref_slice %arg2[%arg0, %dma_start3A_215, %dma_start3A_216] : memref<2x10000x128xf32, #tpu.memory_space<hbm>> -> memref<1x10000x128xf32, #tpu.memory_space<hbm>>
            %dma_start3A_218 = tpu.memref_squeeze %dma_start3A_217 : memref<1x10000x128xf32, #tpu.memory_space<hbm>> -> memref<10000x128xf32, #tpu.memory_space<hbm>>
            %dma_start3A_219 = arith.constant 0 : i32
            %dma_start3A_220 = arith.constant 0 : i32
            %dma_start3A_221 = tpu.memref_slice %dma_start3A_218[%dma_start3A_219, %dma_start3A_220] : memref<10000x128xf32, #tpu.memory_space<hbm>> -> memref<10000x128xf32, #tpu.memory_space<hbm>>
            tpu.enqueue_indirect_dma source(%dma_start3A_221 : memref<10000x128xf32, #tpu.memory_space<hbm>>) target(%arg10 : memref<128x128xf32, #tpu.memory_space<vmem>>) offsets(%dma_start3A_214 : memref<128xi32, #tpu.memory_space<vmem>>) semaphore(%arg13 : memref<!tpu.dma_semaphore, #tpu.memory_space<semaphore_mem>>)
          } else {
          }
          %eq3A_197 = arith.constant 7 : i32
          %eq3A_198 = arith.cmpi eq, %scan3A_153, %eq3A_197 : i32
          %add3A_199 = arith.constant 1 : i32
          %add3A_200 = arith.addi %scan3A_100, %add3A_199 : i32
          %lt3A_201 = arith.constant 10 : i32
          %lt3A_202 = arith.cmpi slt, %add3A_200, %lt3A_201 : i32
          %and3A_203 = arith.andi %eq3A_198, %lt3A_202 : i1
          %convert_element_type3A_204 = arith.extui %and3A_203 : i1 to i32
          %cond3A_205 = arith.constant 0 : i32
          %cond3A_206 = arith.cmpi ne, %convert_element_type3A_204, %cond3A_205 : i32
          scf.if %cond3A_206 {
            %add3A_208 = arith.constant 1 : i32
            %add3A_209 = arith.addi %scan3A_100, %add3A_208 : i32
            %mul3A_210 = arith.constant 16 : i32
            %mul3A_211 = arith.muli %add3A_209, %mul3A_210 : i32
            %add3A_212 = arith.addi %mul3A_0, %mul3A_211 : i32
            %dma_wait3A_213 = arith.constant 0 : i32
            %dma_wait3A_214 = arith.constant 0 : i32
            %dma_wait3A_215 = tpu.memref_slice %arg3[%scan3A, %dma_wait3A_213, %dma_wait3A_214] : memref<2x2560x128xi32, #tpu.memory_space<hbm>> -> memref<1x2560x128xi32, #tpu.memory_space<hbm>>
            %dma_wait3A_216 = tpu.memref_squeeze %dma_wait3A_215 : memref<1x2560x128xi32, #tpu.memory_space<hbm>> -> memref<2560x128xi32, #tpu.memory_space<hbm>>
            %dma_wait3A_217 = arith.constant 0 : i32
            %dma_wait3A_218 = tpu.memref_slice %dma_wait3A_216[%add3A_212, %dma_wait3A_217] : memref<2560x128xi32, #tpu.memory_space<hbm>> -> memref<16x128xi32, #tpu.memory_space<hbm>>
            %dma_wait3A_219 = arith.constant 0 : i32
            %dma_wait3A_220 = arith.constant 0 : i32
            %dma_wait3A_221 = tpu.memref_slice %arg3[%scan3A, %dma_wait3A_219, %dma_wait3A_220] : memref<2x2560x128xi32, #tpu.memory_space<hbm>> -> memref<1x2560x128xi32, #tpu.memory_space<hbm>>
            %dma_wait3A_222 = tpu.memref_squeeze %dma_wait3A_221 : memref<1x2560x128xi32, #tpu.memory_space<hbm>> -> memref<2560x128xi32, #tpu.memory_space<hbm>>
            %dma_wait3A_223 = arith.constant 0 : i32
            %dma_wait3A_224 = tpu.memref_slice %dma_wait3A_222[%add3A_212, %dma_wait3A_223] : memref<2560x128xi32, #tpu.memory_space<hbm>> -> memref<16x128xi32, #tpu.memory_space<hbm>>
            tpu.wait_dma2 semaphore(%arg17 : memref<!tpu.dma_semaphore, #tpu.memory_space<semaphore_mem>>) src(%dma_wait3A_224 : memref<16x128xi32, #tpu.memory_space<hbm>>) dst(%arg7 : memref<16x128xi32, #tpu.memory_space<vmem>>)
            %dma_wait3A_225 = arith.constant 0 : i32
            %dma_wait3A_226 = arith.constant 0 : i32
            %dma_wait3A_227 = tpu.memref_slice %arg3[%scan3A_81, %dma_wait3A_225, %dma_wait3A_226] : memref<2x2560x128xi32, #tpu.memory_space<hbm>> -> memref<1x2560x128xi32, #tpu.memory_space<hbm>>
            %dma_wait3A_228 = tpu.memref_squeeze %dma_wait3A_227 : memref<1x2560x128xi32, #tpu.memory_space<hbm>> -> memref<2560x128xi32, #tpu.memory_space<hbm>>
            %dma_wait3A_229 = arith.constant 0 : i32
            %dma_wait3A_230 = tpu.memref_slice %dma_wait3A_228[%add3A_212, %dma_wait3A_229] : memref<2560x128xi32, #tpu.memory_space<hbm>> -> memref<16x128xi32, #tpu.memory_space<hbm>>
            %dma_wait3A_231 = arith.constant 0 : i32
            %dma_wait3A_232 = arith.constant 0 : i32
            %dma_wait3A_233 = tpu.memref_slice %arg3[%scan3A_81, %dma_wait3A_231, %dma_wait3A_232] : memref<2x2560x128xi32, #tpu.memory_space<hbm>> -> memref<1x2560x128xi32, #tpu.memory_space<hbm>>
            %dma_wait3A_234 = tpu.memref_squeeze %dma_wait3A_233 : memref<1x2560x128xi32, #tpu.memory_space<hbm>> -> memref<2560x128xi32, #tpu.memory_space<hbm>>
            %dma_wait3A_235 = arith.constant 0 : i32
            %dma_wait3A_236 = tpu.memref_slice %dma_wait3A_234[%add3A_212, %dma_wait3A_235] : memref<2560x128xi32, #tpu.memory_space<hbm>> -> memref<16x128xi32, #tpu.memory_space<hbm>>
            tpu.wait_dma2 semaphore(%arg17 : memref<!tpu.dma_semaphore, #tpu.memory_space<semaphore_mem>>) src(%dma_wait3A_236 : memref<16x128xi32, #tpu.memory_space<hbm>>) dst(%arg8 : memref<16x128xi32, #tpu.memory_space<vmem>>)
            %dma_start3A_237 = arith.constant 0 : i32
            %dma_start3A_238 = arith.constant 0 : i32
            %dma_start3A_239 = tpu.memref_slice %arg7[%dma_start3A_237, %dma_start3A_238] : memref<16x128xi32, #tpu.memory_space<vmem>> -> memref<1x128xi32, #tpu.memory_space<vmem>>
            %dma_start3A_240 = tpu.memref_squeeze %dma_start3A_239 : memref<1x128xi32, #tpu.memory_space<vmem>> -> memref<128xi32, #tpu.memory_space<vmem>>
            %dma_start3A_241 = arith.constant 0 : i32
            %dma_start3A_242 = arith.constant 0 : i32
            %dma_start3A_243 = tpu.memref_slice %arg2[%arg0, %dma_start3A_241, %dma_start3A_242] : memref<2x10000x128xf32, #tpu.memory_space<hbm>> -> memref<1x10000x128xf32, #tpu.memory_space<hbm>>
            %dma_start3A_244 = tpu.memref_squeeze %dma_start3A_243 : memref<1x10000x128xf32, #tpu.memory_space<hbm>> -> memref<10000x128xf32, #tpu.memory_space<hbm>>
            %dma_start3A_245 = arith.constant 0 : i32
            %dma_start3A_246 = arith.constant 0 : i32
            %dma_start3A_247 = tpu.memref_slice %dma_start3A_244[%dma_start3A_245, %dma_start3A_246] : memref<10000x128xf32, #tpu.memory_space<hbm>> -> memref<10000x128xf32, #tpu.memory_space<hbm>>
            tpu.enqueue_indirect_dma source(%dma_start3A_247 : memref<10000x128xf32, #tpu.memory_space<hbm>>) target(%arg9 : memref<128x128xf32, #tpu.memory_space<vmem>>) offsets(%dma_start3A_240 : memref<128xi32, #tpu.memory_space<vmem>>) semaphore(%arg12 : memref<!tpu.dma_semaphore, #tpu.memory_space<semaphore_mem>>)
            %dma_start3A_248 = arith.constant 1 : i32
            %dma_start3A_249 = arith.constant 0 : i32
            %dma_start3A_250 = tpu.memref_slice %arg7[%dma_start3A_248, %dma_start3A_249] : memref<16x128xi32, #tpu.memory_space<vmem>> -> memref<1x128xi32, #tpu.memory_space<vmem>>
            %dma_start3A_251 = tpu.memref_squeeze %dma_start3A_250 : memref<1x128xi32, #tpu.memory_space<vmem>> -> memref<128xi32, #tpu.memory_space<vmem>>
            %dma_start3A_252 = arith.constant 0 : i32
            %dma_start3A_253 = arith.constant 0 : i32
            %dma_start3A_254 = tpu.memref_slice %arg2[%arg0, %dma_start3A_252, %dma_start3A_253] : memref<2x10000x128xf32, #tpu.memory_space<hbm>> -> memref<1x10000x128xf32, #tpu.memory_space<hbm>>
            %dma_start3A_255 = tpu.memref_squeeze %dma_start3A_254 : memref<1x10000x128xf32, #tpu.memory_space<hbm>> -> memref<10000x128xf32, #tpu.memory_space<hbm>>
            %dma_start3A_256 = arith.constant 0 : i32
            %dma_start3A_257 = arith.constant 0 : i32
            %dma_start3A_258 = tpu.memref_slice %dma_start3A_255[%dma_start3A_256, %dma_start3A_257] : memref<10000x128xf32, #tpu.memory_space<hbm>> -> memref<10000x128xf32, #tpu.memory_space<hbm>>
            tpu.enqueue_indirect_dma source(%dma_start3A_258 : memref<10000x128xf32, #tpu.memory_space<hbm>>) target(%arg10 : memref<128x128xf32, #tpu.memory_space<vmem>>) offsets(%dma_start3A_251 : memref<128xi32, #tpu.memory_space<vmem>>) semaphore(%arg13 : memref<!tpu.dma_semaphore, #tpu.memory_space<semaphore_mem>>)
          } else {
          }
          %scan3A_207 = arith.constant 0 : i32
          scf.yield %scan3A_207 : i32
        }
        %scan3A_152 = arith.constant 8 : i32
      } else {
      }
      %jit3A_117 = arith.constant 2 : i32
      %eq3A_118 = arith.constant 0 : i32
      %eq3A_119 = arith.cmpi eq, %jit3A_117, %eq3A_118 : i32
      %jit3A_120 = arith.constant 1 : i32
      %select_n3A_121 = arith.select %eq3A_119, %jit3A_120, %jit3A_117 : i32
      %rem3A_122 = arith.remsi %scan3A_100, %select_n3A_121 : i32
      %ne3A_123 = arith.constant 0 : i32
      %ne3A_124 = arith.cmpi ne, %rem3A_122, %ne3A_123 : i32
      %lt3A_125 = arith.constant 0 : i32
      %lt3A_126 = arith.cmpi slt, %rem3A_122, %lt3A_125 : i32
      %lt3A_127 = arith.constant 0 : i32
      %lt3A_128 = arith.cmpi slt, %select_n3A_121, %lt3A_127 : i32
      %ne3A_129 = arith.xori %lt3A_126, %lt3A_128 : i1
      %and3A_130 = arith.andi %ne3A_129, %ne3A_124 : i1
      %add3A_131 = arith.addi %rem3A_122, %select_n3A_121 : i32
      %select_n3A_132 = arith.select %and3A_130, %add3A_131, %rem3A_122 : i32
      %eq3A_133 = arith.constant 1 : i32
      %eq3A_134 = arith.cmpi eq, %select_n3A_132, %eq3A_133 : i32
      %convert_element_type3A_135 = arith.extui %eq3A_134 : i1 to i32
      %cond3A_136 = arith.constant 0 : i32
      %cond3A_137 = arith.cmpi ne, %convert_element_type3A_135, %cond3A_136 : i32
      scf.if %cond3A_137 {
        %add3A_139 = arith.constant 1 : i32
        %add3A_140 = arith.addi %scan3A_100, %add3A_139 : i32
        %lt3A_141 = arith.constant 10 : i32
        %lt3A_142 = arith.cmpi slt, %add3A_140, %lt3A_141 : i32
        %convert_element_type3A_143 = arith.extui %lt3A_142 : i1 to i32
        %cond3A_144 = arith.constant 0 : i32
        %cond3A_145 = arith.cmpi ne, %convert_element_type3A_143, %cond3A_144 : i32
        scf.if %cond3A_145 {
          %add3A_153 = arith.constant 1 : i32
          %add3A_154 = arith.addi %scan3A_100, %add3A_153 : i32
          %mul3A_155 = arith.constant 16 : i32
          %mul3A_156 = arith.muli %add3A_154, %mul3A_155 : i32
          %add3A_157 = arith.addi %mul3A_0, %mul3A_156 : i32
          %dma_start3A_158 = arith.constant 0 : i32
          %dma_start3A_159 = arith.constant 0 : i32
          %dma_start3A_160 = tpu.memref_slice %arg3[%scan3A, %dma_start3A_158, %dma_start3A_159] : memref<2x2560x128xi32, #tpu.memory_space<hbm>> -> memref<1x2560x128xi32, #tpu.memory_space<hbm>>
          %dma_start3A_161 = tpu.memref_squeeze %dma_start3A_160 : memref<1x2560x128xi32, #tpu.memory_space<hbm>> -> memref<2560x128xi32, #tpu.memory_space<hbm>>
          %dma_start3A_162 = arith.constant 0 : i32
          %dma_start3A_163 = tpu.memref_slice %dma_start3A_161[%add3A_157, %dma_start3A_162] : memref<2560x128xi32, #tpu.memory_space<hbm>> -> memref<16x128xi32, #tpu.memory_space<hbm>>
          %dma_start3A_164 = arith.constant 0 : i32
          %dma_start3A_165 = arith.constant 0 : i32
          %dma_start3A_166 = tpu.memref_slice %arg3[%scan3A, %dma_start3A_164, %dma_start3A_165] : memref<2x2560x128xi32, #tpu.memory_space<hbm>> -> memref<1x2560x128xi32, #tpu.memory_space<hbm>>
          %dma_start3A_167 = tpu.memref_squeeze %dma_start3A_166 : memref<1x2560x128xi32, #tpu.memory_space<hbm>> -> memref<2560x128xi32, #tpu.memory_space<hbm>>
          %dma_start3A_168 = arith.constant 0 : i32
          %dma_start3A_169 = tpu.memref_slice %dma_start3A_167[%add3A_157, %dma_start3A_168] : memref<2560x128xi32, #tpu.memory_space<hbm>> -> memref<16x128xi32, #tpu.memory_space<hbm>>
          tpu.enqueue_dma source(%dma_start3A_169 : memref<16x128xi32, #tpu.memory_space<hbm>>) target(%arg5 : memref<16x128xi32, #tpu.memory_space<vmem>>) target_semaphore(%arg16 : memref<!tpu.dma_semaphore, #tpu.memory_space<semaphore_mem>>)
          %dma_start3A_170 = arith.constant 0 : i32
          %dma_start3A_171 = arith.constant 0 : i32
          %dma_start3A_172 = tpu.memref_slice %arg3[%scan3A_81, %dma_start3A_170, %dma_start3A_171] : memref<2x2560x128xi32, #tpu.memory_space<hbm>> -> memref<1x2560x128xi32, #tpu.memory_space<hbm>>
          %dma_start3A_173 = tpu.memref_squeeze %dma_start3A_172 : memref<1x2560x128xi32, #tpu.memory_space<hbm>> -> memref<2560x128xi32, #tpu.memory_space<hbm>>
          %dma_start3A_174 = arith.constant 0 : i32
          %dma_start3A_175 = tpu.memref_slice %dma_start3A_173[%add3A_157, %dma_start3A_174] : memref<2560x128xi32, #tpu.memory_space<hbm>> -> memref<16x128xi32, #tpu.memory_space<hbm>>
          %dma_start3A_176 = arith.constant 0 : i32
          %dma_start3A_177 = arith.constant 0 : i32
          %dma_start3A_178 = tpu.memref_slice %arg3[%scan3A_81, %dma_start3A_176, %dma_start3A_177] : memref<2x2560x128xi32, #tpu.memory_space<hbm>> -> memref<1x2560x128xi32, #tpu.memory_space<hbm>>
          %dma_start3A_179 = tpu.memref_squeeze %dma_start3A_178 : memref<1x2560x128xi32, #tpu.memory_space<hbm>> -> memref<2560x128xi32, #tpu.memory_space<hbm>>
          %dma_start3A_180 = arith.constant 0 : i32
          %dma_start3A_181 = tpu.memref_slice %dma_start3A_179[%add3A_157, %dma_start3A_180] : memref<2560x128xi32, #tpu.memory_space<hbm>> -> memref<16x128xi32, #tpu.memory_space<hbm>>
          tpu.enqueue_dma source(%dma_start3A_181 : memref<16x128xi32, #tpu.memory_space<hbm>>) target(%arg6 : memref<16x128xi32, #tpu.memory_space<vmem>>) target_semaphore(%arg16 : memref<!tpu.dma_semaphore, #tpu.memory_space<semaphore_mem>>)
        } else {
        }
        %scan3A_146 = arith.constant 0 : i32
        %scan3A_147 = arith.constant 0 : i32
        %scan3A_148 = arith.constant 8 : i32
        %scan3A_149 = arith.addi %scan3A_147, %scan3A_148 : i32
        %scan3A_150 = arith.constant 1 : i32
        %scan3A_151 = scf.for %scan3A_153 = %scan3A_147 to %scan3A_149 step %scan3A_150 iter_args(%scan3A_154 = %scan3A_146) -> (i32)  : i32 {
          %mul3A_155 = arith.constant 2 : i32
          %mul3A_156 = arith.muli %mul3A_155, %scan3A_153 : i32
          %dma_wait3A_157 = arith.constant 0 : i32
          %dma_wait3A_158 = tpu.memref_slice %arg7[%mul3A_156, %dma_wait3A_157] : memref<16x128xi32, #tpu.memory_space<vmem>> -> memref<1x128xi32, #tpu.memory_space<vmem>>
          %dma_wait3A_159 = tpu.memref_squeeze %dma_wait3A_158 : memref<1x128xi32, #tpu.memory_space<vmem>> -> memref<128xi32, #tpu.memory_space<vmem>>
          %dma_wait3A_160 = arith.constant 0 : i32
          %dma_wait3A_161 = arith.constant 0 : i32
          %dma_wait3A_162 = tpu.memref_slice %arg2[%arg0, %dma_wait3A_160, %dma_wait3A_161] : memref<2x10000x128xf32, #tpu.memory_space<hbm>> -> memref<1x10000x128xf32, #tpu.memory_space<hbm>>
          %dma_wait3A_163 = tpu.memref_squeeze %dma_wait3A_162 : memref<1x10000x128xf32, #tpu.memory_space<hbm>> -> memref<10000x128xf32, #tpu.memory_space<hbm>>
          %dma_wait3A_164 = arith.constant 0 : i32
          %dma_wait3A_165 = arith.constant 0 : i32
          %dma_wait3A_166 = tpu.memref_slice %dma_wait3A_163[%dma_wait3A_164, %dma_wait3A_165] : memref<10000x128xf32, #tpu.memory_space<hbm>> -> memref<10000x128xf32, #tpu.memory_space<hbm>>
          tpu.wait_indirect_dma semaphore(%arg12 : memref<!tpu.dma_semaphore, #tpu.memory_space<semaphore_mem>>) src(%dma_wait3A_166 : memref<10000x128xf32, #tpu.memory_space<hbm>>) dst(%arg9 : memref<128x128xf32, #tpu.memory_space<vmem>>)
          %mul3A_167 = arith.constant 2 : i32
          %mul3A_168 = arith.muli %mul3A_167, %scan3A_153 : i32
          "tpu.region"() ({
            %run_scoped3A = tpu.sem_alloc : memref<!tpu.dma_semaphore, #tpu.memory_space<semaphore_mem>>
            %dma_start3A_208 = arith.constant 0 : i32
            %dma_start3A_209 = tpu.memref_slice %arg8[%mul3A_168, %dma_start3A_208] : memref<16x128xi32, #tpu.memory_space<vmem>> -> memref<1x128xi32, #tpu.memory_space<vmem>>
            %dma_start3A_210 = tpu.memref_squeeze %dma_start3A_209 : memref<1x128xi32, #tpu.memory_space<vmem>> -> memref<128xi32, #tpu.memory_space<vmem>>
            %dma_start3A_211 = arith.constant 0 : i32
            %dma_start3A_212 = arith.constant 0 : i32
            %dma_start3A_213 = tpu.memref_slice %arg11[%dma_start3A_211, %dma_start3A_212] : memref<10128x128xf32, #tpu.memory_space<vmem_shared>> -> memref<10128x128xf32, #tpu.memory_space<vmem_shared>>
            tpu.enqueue_indirect_dma source(%arg9 : memref<128x128xf32, #tpu.memory_space<vmem>>) target(%dma_start3A_213 : memref<10128x128xf32, #tpu.memory_space<vmem_shared>>) offsets(%dma_start3A_210 : memref<128xi32, #tpu.memory_space<vmem>>) semaphore(%run_scoped3A : memref<!tpu.dma_semaphore, #tpu.memory_space<semaphore_mem>>) {add = true}
            %dma_wait3A_214 = arith.constant 0 : i32
            %dma_wait3A_215 = tpu.memref_slice %arg8[%mul3A_168, %dma_wait3A_214] : memref<16x128xi32, #tpu.memory_space<vmem>> -> memref<1x128xi32, #tpu.memory_space<vmem>>
            %dma_wait3A_216 = tpu.memref_squeeze %dma_wait3A_215 : memref<1x128xi32, #tpu.memory_space<vmem>> -> memref<128xi32, #tpu.memory_space<vmem>>
            %dma_wait3A_217 = arith.constant 0 : i32
            %dma_wait3A_218 = arith.constant 0 : i32
            %dma_wait3A_219 = tpu.memref_slice %arg11[%dma_wait3A_217, %dma_wait3A_218] : memref<10128x128xf32, #tpu.memory_space<vmem_shared>> -> memref<10128x128xf32, #tpu.memory_space<vmem_shared>>
            tpu.wait_indirect_dma semaphore(%run_scoped3A : memref<!tpu.dma_semaphore, #tpu.memory_space<semaphore_mem>>) src(%arg9 : memref<128x128xf32, #tpu.memory_space<vmem>>) dst(%dma_wait3A_219 : memref<10128x128xf32, #tpu.memory_space<vmem_shared>>)
            tpu.yield
          }) : () -> ()
          %mul3A_169 = arith.constant 2 : i32
          %mul3A_170 = arith.muli %mul3A_169, %scan3A_153 : i32
          %add3A_171 = arith.constant 1 : i32
          %add3A_172 = arith.addi %mul3A_170, %add3A_171 : i32
          %dma_wait3A_173 = arith.constant 0 : i32
          %dma_wait3A_174 = tpu.memref_slice %arg7[%add3A_172, %dma_wait3A_173] : memref<16x128xi32, #tpu.memory_space<vmem>> -> memref<1x128xi32, #tpu.memory_space<vmem>>
          %dma_wait3A_175 = tpu.memref_squeeze %dma_wait3A_174 : memref<1x128xi32, #tpu.memory_space<vmem>> -> memref<128xi32, #tpu.memory_space<vmem>>
          %dma_wait3A_176 = arith.constant 0 : i32
          %dma_wait3A_177 = arith.constant 0 : i32
          %dma_wait3A_178 = tpu.memref_slice %arg2[%arg0, %dma_wait3A_176, %dma_wait3A_177] : memref<2x10000x128xf32, #tpu.memory_space<hbm>> -> memref<1x10000x128xf32, #tpu.memory_space<hbm>>
          %dma_wait3A_179 = tpu.memref_squeeze %dma_wait3A_178 : memref<1x10000x128xf32, #tpu.memory_space<hbm>> -> memref<10000x128xf32, #tpu.memory_space<hbm>>
          %dma_wait3A_180 = arith.constant 0 : i32
          %dma_wait3A_181 = arith.constant 0 : i32
          %dma_wait3A_182 = tpu.memref_slice %dma_wait3A_179[%dma_wait3A_180, %dma_wait3A_181] : memref<10000x128xf32, #tpu.memory_space<hbm>> -> memref<10000x128xf32, #tpu.memory_space<hbm>>
          tpu.wait_indirect_dma semaphore(%arg13 : memref<!tpu.dma_semaphore, #tpu.memory_space<semaphore_mem>>) src(%dma_wait3A_182 : memref<10000x128xf32, #tpu.memory_space<hbm>>) dst(%arg10 : memref<128x128xf32, #tpu.memory_space<vmem>>)
          %lt3A_183 = arith.constant 7 : i32
          %lt3A_184 = arith.cmpi slt, %scan3A_153, %lt3A_183 : i32
          %convert_element_type3A_185 = arith.extui %lt3A_184 : i1 to i32
          %cond3A_186 = arith.constant 0 : i32
          %cond3A_187 = arith.cmpi ne, %convert_element_type3A_185, %cond3A_186 : i32
          scf.if %cond3A_187 {
            %mul3A_208 = arith.constant 2 : i32
            %mul3A_209 = arith.muli %mul3A_208, %scan3A_153 : i32
            %add3A_210 = arith.constant 2 : i32
            %add3A_211 = arith.addi %mul3A_209, %add3A_210 : i32
            %dma_start3A_212 = arith.constant 0 : i32
            %dma_start3A_213 = tpu.memref_slice %arg7[%add3A_211, %dma_start3A_212] : memref<16x128xi32, #tpu.memory_space<vmem>> -> memref<1x128xi32, #tpu.memory_space<vmem>>
            %dma_start3A_214 = tpu.memref_squeeze %dma_start3A_213 : memref<1x128xi32, #tpu.memory_space<vmem>> -> memref<128xi32, #tpu.memory_space<vmem>>
            %dma_start3A_215 = arith.constant 0 : i32
            %dma_start3A_216 = arith.constant 0 : i32
            %dma_start3A_217 = tpu.memref_slice %arg2[%arg0, %dma_start3A_215, %dma_start3A_216] : memref<2x10000x128xf32, #tpu.memory_space<hbm>> -> memref<1x10000x128xf32, #tpu.memory_space<hbm>>
            %dma_start3A_218 = tpu.memref_squeeze %dma_start3A_217 : memref<1x10000x128xf32, #tpu.memory_space<hbm>> -> memref<10000x128xf32, #tpu.memory_space<hbm>>
            %dma_start3A_219 = arith.constant 0 : i32
            %dma_start3A_220 = arith.constant 0 : i32
            %dma_start3A_221 = tpu.memref_slice %dma_start3A_218[%dma_start3A_219, %dma_start3A_220] : memref<10000x128xf32, #tpu.memory_space<hbm>> -> memref<10000x128xf32, #tpu.memory_space<hbm>>
            tpu.enqueue_indirect_dma source(%dma_start3A_221 : memref<10000x128xf32, #tpu.memory_space<hbm>>) target(%arg9 : memref<128x128xf32, #tpu.memory_space<vmem>>) offsets(%dma_start3A_214 : memref<128xi32, #tpu.memory_space<vmem>>) semaphore(%arg12 : memref<!tpu.dma_semaphore, #tpu.memory_space<semaphore_mem>>)
          } else {
          }
          %mul3A_188 = arith.constant 2 : i32
          %mul3A_189 = arith.muli %mul3A_188, %scan3A_153 : i32
          %add3A_190 = arith.constant 1 : i32
          %add3A_191 = arith.addi %mul3A_189, %add3A_190 : i32
          "tpu.region"() ({
            %run_scoped3A = tpu.sem_alloc : memref<!tpu.dma_semaphore, #tpu.memory_space<semaphore_mem>>
            %dma_start3A_208 = arith.constant 0 : i32
            %dma_start3A_209 = tpu.memref_slice %arg8[%add3A_191, %dma_start3A_208] : memref<16x128xi32, #tpu.memory_space<vmem>> -> memref<1x128xi32, #tpu.memory_space<vmem>>
            %dma_start3A_210 = tpu.memref_squeeze %dma_start3A_209 : memref<1x128xi32, #tpu.memory_space<vmem>> -> memref<128xi32, #tpu.memory_space<vmem>>
            %dma_start3A_211 = arith.constant 0 : i32
            %dma_start3A_212 = arith.constant 0 : i32
            %dma_start3A_213 = tpu.memref_slice %arg11[%dma_start3A_211, %dma_start3A_212] : memref<10128x128xf32, #tpu.memory_space<vmem_shared>> -> memref<10128x128xf32, #tpu.memory_space<vmem_shared>>
            tpu.enqueue_indirect_dma source(%arg10 : memref<128x128xf32, #tpu.memory_space<vmem>>) target(%dma_start3A_213 : memref<10128x128xf32, #tpu.memory_space<vmem_shared>>) offsets(%dma_start3A_210 : memref<128xi32, #tpu.memory_space<vmem>>) semaphore(%run_scoped3A : memref<!tpu.dma_semaphore, #tpu.memory_space<semaphore_mem>>) {add = true}
            %dma_wait3A_214 = arith.constant 0 : i32
            %dma_wait3A_215 = tpu.memref_slice %arg8[%add3A_191, %dma_wait3A_214] : memref<16x128xi32, #tpu.memory_space<vmem>> -> memref<1x128xi32, #tpu.memory_space<vmem>>
            %dma_wait3A_216 = tpu.memref_squeeze %dma_wait3A_215 : memref<1x128xi32, #tpu.memory_space<vmem>> -> memref<128xi32, #tpu.memory_space<vmem>>
            %dma_wait3A_217 = arith.constant 0 : i32
            %dma_wait3A_218 = arith.constant 0 : i32
            %dma_wait3A_219 = tpu.memref_slice %arg11[%dma_wait3A_217, %dma_wait3A_218] : memref<10128x128xf32, #tpu.memory_space<vmem_shared>> -> memref<10128x128xf32, #tpu.memory_space<vmem_shared>>
            tpu.wait_indirect_dma semaphore(%run_scoped3A : memref<!tpu.dma_semaphore, #tpu.memory_space<semaphore_mem>>) src(%arg10 : memref<128x128xf32, #tpu.memory_space<vmem>>) dst(%dma_wait3A_219 : memref<10128x128xf32, #tpu.memory_space<vmem_shared>>)
            tpu.yield
          }) : () -> ()
          %lt3A_192 = arith.constant 7 : i32
          %lt3A_193 = arith.cmpi slt, %scan3A_153, %lt3A_192 : i32
          %convert_element_type3A_194 = arith.extui %lt3A_193 : i1 to i32
          %cond3A_195 = arith.constant 0 : i32
          %cond3A_196 = arith.cmpi ne, %convert_element_type3A_194, %cond3A_195 : i32
          scf.if %cond3A_196 {
            %mul3A_208 = arith.constant 2 : i32
            %mul3A_209 = arith.muli %mul3A_208, %scan3A_153 : i32
            %add3A_210 = arith.constant 3 : i32
            %add3A_211 = arith.addi %mul3A_209, %add3A_210 : i32
            %dma_start3A_212 = arith.constant 0 : i32
            %dma_start3A_213 = tpu.memref_slice %arg7[%add3A_211, %dma_start3A_212] : memref<16x128xi32, #tpu.memory_space<vmem>> -> memref<1x128xi32, #tpu.memory_space<vmem>>
            %dma_start3A_214 = tpu.memref_squeeze %dma_start3A_213 : memref<1x128xi32, #tpu.memory_space<vmem>> -> memref<128xi32, #tpu.memory_space<vmem>>
            %dma_start3A_215 = arith.constant 0 : i32
            %dma_start3A_216 = arith.constant 0 : i32
            %dma_start3A_217 = tpu.memref_slice %arg2[%arg0, %dma_start3A_215, %dma_start3A_216] : memref<2x10000x128xf32, #tpu.memory_space<hbm>> -> memref<1x10000x128xf32, #tpu.memory_space<hbm>>
            %dma_start3A_218 = tpu.memref_squeeze %dma_start3A_217 : memref<1x10000x128xf32, #tpu.memory_space<hbm>> -> memref<10000x128xf32, #tpu.memory_space<hbm>>
            %dma_start3A_219 = arith.constant 0 : i32
            %dma_start3A_220 = arith.constant 0 : i32
            %dma_start3A_221 = tpu.memref_slice %dma_start3A_218[%dma_start3A_219, %dma_start3A_220] : memref<10000x128xf32, #tpu.memory_space<hbm>> -> memref<10000x128xf32, #tpu.memory_space<hbm>>
            tpu.enqueue_indirect_dma source(%dma_start3A_221 : memref<10000x128xf32, #tpu.memory_space<hbm>>) target(%arg10 : memref<128x128xf32, #tpu.memory_space<vmem>>) offsets(%dma_start3A_214 : memref<128xi32, #tpu.memory_space<vmem>>) semaphore(%arg13 : memref<!tpu.dma_semaphore, #tpu.memory_space<semaphore_mem>>)
          } else {
          }
          %eq3A_197 = arith.constant 7 : i32
          %eq3A_198 = arith.cmpi eq, %scan3A_153, %eq3A_197 : i32
          %add3A_199 = arith.constant 1 : i32
          %add3A_200 = arith.addi %scan3A_100, %add3A_199 : i32
          %lt3A_201 = arith.constant 10 : i32
          %lt3A_202 = arith.cmpi slt, %add3A_200, %lt3A_201 : i32
          %and3A_203 = arith.andi %eq3A_198, %lt3A_202 : i1
          %convert_element_type3A_204 = arith.extui %and3A_203 : i1 to i32
          %cond3A_205 = arith.constant 0 : i32
          %cond3A_206 = arith.cmpi ne, %convert_element_type3A_204, %cond3A_205 : i32
          scf.if %cond3A_206 {
            %add3A_208 = arith.constant 1 : i32
            %add3A_209 = arith.addi %scan3A_100, %add3A_208 : i32
            %mul3A_210 = arith.constant 16 : i32
            %mul3A_211 = arith.muli %add3A_209, %mul3A_210 : i32
            %add3A_212 = arith.addi %mul3A_0, %mul3A_211 : i32
            %dma_wait3A_213 = arith.constant 0 : i32
            %dma_wait3A_214 = arith.constant 0 : i32
            %dma_wait3A_215 = tpu.memref_slice %arg3[%scan3A, %dma_wait3A_213, %dma_wait3A_214] : memref<2x2560x128xi32, #tpu.memory_space<hbm>> -> memref<1x2560x128xi32, #tpu.memory_space<hbm>>
            %dma_wait3A_216 = tpu.memref_squeeze %dma_wait3A_215 : memref<1x2560x128xi32, #tpu.memory_space<hbm>> -> memref<2560x128xi32, #tpu.memory_space<hbm>>
            %dma_wait3A_217 = arith.constant 0 : i32
            %dma_wait3A_218 = tpu.memref_slice %dma_wait3A_216[%add3A_212, %dma_wait3A_217] : memref<2560x128xi32, #tpu.memory_space<hbm>> -> memref<16x128xi32, #tpu.memory_space<hbm>>
            %dma_wait3A_219 = arith.constant 0 : i32
            %dma_wait3A_220 = arith.constant 0 : i32
            %dma_wait3A_221 = tpu.memref_slice %arg3[%scan3A, %dma_wait3A_219, %dma_wait3A_220] : memref<2x2560x128xi32, #tpu.memory_space<hbm>> -> memref<1x2560x128xi32, #tpu.memory_space<hbm>>
            %dma_wait3A_222 = tpu.memref_squeeze %dma_wait3A_221 : memref<1x2560x128xi32, #tpu.memory_space<hbm>> -> memref<2560x128xi32, #tpu.memory_space<hbm>>
            %dma_wait3A_223 = arith.constant 0 : i32
            %dma_wait3A_224 = tpu.memref_slice %dma_wait3A_222[%add3A_212, %dma_wait3A_223] : memref<2560x128xi32, #tpu.memory_space<hbm>> -> memref<16x128xi32, #tpu.memory_space<hbm>>
            tpu.wait_dma2 semaphore(%arg16 : memref<!tpu.dma_semaphore, #tpu.memory_space<semaphore_mem>>) src(%dma_wait3A_224 : memref<16x128xi32, #tpu.memory_space<hbm>>) dst(%arg5 : memref<16x128xi32, #tpu.memory_space<vmem>>)
            %dma_wait3A_225 = arith.constant 0 : i32
            %dma_wait3A_226 = arith.constant 0 : i32
            %dma_wait3A_227 = tpu.memref_slice %arg3[%scan3A_81, %dma_wait3A_225, %dma_wait3A_226] : memref<2x2560x128xi32, #tpu.memory_space<hbm>> -> memref<1x2560x128xi32, #tpu.memory_space<hbm>>
            %dma_wait3A_228 = tpu.memref_squeeze %dma_wait3A_227 : memref<1x2560x128xi32, #tpu.memory_space<hbm>> -> memref<2560x128xi32, #tpu.memory_space<hbm>>
            %dma_wait3A_229 = arith.constant 0 : i32
            %dma_wait3A_230 = tpu.memref_slice %dma_wait3A_228[%add3A_212, %dma_wait3A_229] : memref<2560x128xi32, #tpu.memory_space<hbm>> -> memref<16x128xi32, #tpu.memory_space<hbm>>
            %dma_wait3A_231 = arith.constant 0 : i32
            %dma_wait3A_232 = arith.constant 0 : i32
            %dma_wait3A_233 = tpu.memref_slice %arg3[%scan3A_81, %dma_wait3A_231, %dma_wait3A_232] : memref<2x2560x128xi32, #tpu.memory_space<hbm>> -> memref<1x2560x128xi32, #tpu.memory_space<hbm>>
            %dma_wait3A_234 = tpu.memref_squeeze %dma_wait3A_233 : memref<1x2560x128xi32, #tpu.memory_space<hbm>> -> memref<2560x128xi32, #tpu.memory_space<hbm>>
            %dma_wait3A_235 = arith.constant 0 : i32
            %dma_wait3A_236 = tpu.memref_slice %dma_wait3A_234[%add3A_212, %dma_wait3A_235] : memref<2560x128xi32, #tpu.memory_space<hbm>> -> memref<16x128xi32, #tpu.memory_space<hbm>>
            tpu.wait_dma2 semaphore(%arg16 : memref<!tpu.dma_semaphore, #tpu.memory_space<semaphore_mem>>) src(%dma_wait3A_236 : memref<16x128xi32, #tpu.memory_space<hbm>>) dst(%arg6 : memref<16x128xi32, #tpu.memory_space<vmem>>)
            %dma_start3A_237 = arith.constant 0 : i32
            %dma_start3A_238 = arith.constant 0 : i32
            %dma_start3A_239 = tpu.memref_slice %arg5[%dma_start3A_237, %dma_start3A_238] : memref<16x128xi32, #tpu.memory_space<vmem>> -> memref<1x128xi32, #tpu.memory_space<vmem>>
            %dma_start3A_240 = tpu.memref_squeeze %dma_start3A_239 : memref<1x128xi32, #tpu.memory_space<vmem>> -> memref<128xi32, #tpu.memory_space<vmem>>
            %dma_start3A_241 = arith.constant 0 : i32
            %dma_start3A_242 = arith.constant 0 : i32
            %dma_start3A_243 = tpu.memref_slice %arg2[%arg0, %dma_start3A_241, %dma_start3A_242] : memref<2x10000x128xf32, #tpu.memory_space<hbm>> -> memref<1x10000x128xf32, #tpu.memory_space<hbm>>
            %dma_start3A_244 = tpu.memref_squeeze %dma_start3A_243 : memref<1x10000x128xf32, #tpu.memory_space<hbm>> -> memref<10000x128xf32, #tpu.memory_space<hbm>>
            %dma_start3A_245 = arith.constant 0 : i32
            %dma_start3A_246 = arith.constant 0 : i32
            %dma_start3A_247 = tpu.memref_slice %dma_start3A_244[%dma_start3A_245, %dma_start3A_246] : memref<10000x128xf32, #tpu.memory_space<hbm>> -> memref<10000x128xf32, #tpu.memory_space<hbm>>
            tpu.enqueue_indirect_dma source(%dma_start3A_247 : memref<10000x128xf32, #tpu.memory_space<hbm>>) target(%arg9 : memref<128x128xf32, #tpu.memory_space<vmem>>) offsets(%dma_start3A_240 : memref<128xi32, #tpu.memory_space<vmem>>) semaphore(%arg12 : memref<!tpu.dma_semaphore, #tpu.memory_space<semaphore_mem>>)
            %dma_start3A_248 = arith.constant 1 : i32
            %dma_start3A_249 = arith.constant 0 : i32
            %dma_start3A_250 = tpu.memref_slice %arg5[%dma_start3A_248, %dma_start3A_249] : memref<16x128xi32, #tpu.memory_space<vmem>> -> memref<1x128xi32, #tpu.memory_space<vmem>>
            %dma_start3A_251 = tpu.memref_squeeze %dma_start3A_250 : memref<1x128xi32, #tpu.memory_space<vmem>> -> memref<128xi32, #tpu.memory_space<vmem>>
            %dma_start3A_252 = arith.constant 0 : i32
            %dma_start3A_253 = arith.constant 0 : i32
            %dma_start3A_254 = tpu.memref_slice %arg2[%arg0, %dma_start3A_252, %dma_start3A_253] : memref<2x10000x128xf32, #tpu.memory_space<hbm>> -> memref<1x10000x128xf32, #tpu.memory_space<hbm>>
            %dma_start3A_255 = tpu.memref_squeeze %dma_start3A_254 : memref<1x10000x128xf32, #tpu.memory_space<hbm>> -> memref<10000x128xf32, #tpu.memory_space<hbm>>
            %dma_start3A_256 = arith.constant 0 : i32
            %dma_start3A_257 = arith.constant 0 : i32
            %dma_start3A_258 = tpu.memref_slice %dma_start3A_255[%dma_start3A_256, %dma_start3A_257] : memref<10000x128xf32, #tpu.memory_space<hbm>> -> memref<10000x128xf32, #tpu.memory_space<hbm>>
            tpu.enqueue_indirect_dma source(%dma_start3A_258 : memref<10000x128xf32, #tpu.memory_space<hbm>>) target(%arg10 : memref<128x128xf32, #tpu.memory_space<vmem>>) offsets(%dma_start3A_251 : memref<128xi32, #tpu.memory_space<vmem>>) semaphore(%arg13 : memref<!tpu.dma_semaphore, #tpu.memory_space<semaphore_mem>>)
          } else {
          }
          %scan3A_207 = arith.constant 0 : i32
          scf.yield %scan3A_207 : i32
        }
        %scan3A_152 = arith.constant 8 : i32
      } else {
      }
      %scan3A_138 = arith.constant 0 : i32
      scf.yield %scan3A_138 : i32
    }
    %scan3A_88 = arith.constant 10 : i32
    %barrier3A_89 = arith.constant 0 : index
    tpu.barrier barrier_id(%barrier3A_89)
    %lt3A_90 = arith.constant 15 : i32
    %lt3A_91 = arith.cmpi slt, %arg1, %lt3A_90 : i32
    %convert_element_type3A_92 = arith.extui %lt3A_91 : i1 to i32
    %cond3A_93 = arith.constant 0 : i32
    %cond3A_94 = arith.cmpi ne, %convert_element_type3A_92, %cond3A_93 : i32
    scf.if %cond3A_94 {
      "tpu.region"() ({
        %run_scoped3A = tpu.sem_alloc : memref<!tpu.dma_semaphore, #tpu.memory_space<semaphore_mem>>
        %dma_start3A_100 = arith.constant 0 : i32
        %dma_start3A_101 = tpu.memref_slice %arg4[%arg0, %mul3A_27, %dma_start3A_100] : memref<2x10000x128xf32, #tpu.memory_space<hbm>> -> memref<1x624x128xf32, #tpu.memory_space<hbm>>
        %dma_start3A_102 = tpu.memref_squeeze %dma_start3A_101 : memref<1x624x128xf32, #tpu.memory_space<hbm>> -> memref<624x128xf32, #tpu.memory_space<hbm>>
        %dma_start3A_103 = arith.constant 0 : i32
        %dma_start3A_104 = tpu.memref_slice %arg11[%mul3A_27, %dma_start3A_103] : memref<10128x128xf32, #tpu.memory_space<vmem_shared>> -> memref<624x128xf32, #tpu.memory_space<vmem_shared>>
        tpu.enqueue_dma source(%dma_start3A_104 : memref<624x128xf32, #tpu.memory_space<vmem_shared>>) target(%dma_start3A_102 : memref<624x128xf32, #tpu.memory_space<hbm>>) target_semaphore(%run_scoped3A : memref<!tpu.dma_semaphore, #tpu.memory_space<semaphore_mem>>)
        %dma_wait3A_105 = arith.constant 0 : i32
        %dma_wait3A_106 = tpu.memref_slice %arg4[%arg0, %mul3A_27, %dma_wait3A_105] : memref<2x10000x128xf32, #tpu.memory_space<hbm>> -> memref<1x624x128xf32, #tpu.memory_space<hbm>>
        %dma_wait3A_107 = tpu.memref_squeeze %dma_wait3A_106 : memref<1x624x128xf32, #tpu.memory_space<hbm>> -> memref<624x128xf32, #tpu.memory_space<hbm>>
        %dma_wait3A_108 = arith.constant 0 : i32
        %dma_wait3A_109 = tpu.memref_slice %arg11[%mul3A_27, %dma_wait3A_108] : memref<10128x128xf32, #tpu.memory_space<vmem_shared>> -> memref<624x128xf32, #tpu.memory_space<vmem_shared>>
        tpu.wait_dma2 semaphore(%run_scoped3A : memref<!tpu.dma_semaphore, #tpu.memory_space<semaphore_mem>>) src(%dma_wait3A_109 : memref<624x128xf32, #tpu.memory_space<vmem_shared>>) dst(%dma_wait3A_107 : memref<624x128xf32, #tpu.memory_space<hbm>>)
        tpu.yield
      }) : () -> ()
    } else {
    }
    %eq3A_95 = arith.constant 15 : i32
    %eq3A_96 = arith.cmpi eq, %arg1, %eq3A_95 : i32
    %convert_element_type3A_97 = arith.extui %eq3A_96 : i1 to i32
    %cond3A_98 = arith.constant 0 : i32
    %cond3A_99 = arith.cmpi ne, %convert_element_type3A_97, %cond3A_98 : i32
    scf.if %cond3A_99 {
      "tpu.region"() ({
        %run_scoped3A = tpu.sem_alloc : memref<!tpu.dma_semaphore, #tpu.memory_space<semaphore_mem>>
        %dma_start3A_100 = arith.constant 0 : i32
        %dma_start3A_101 = tpu.memref_slice %arg4[%arg0, %mul3A_27, %dma_start3A_100] : memref<2x10000x128xf32, #tpu.memory_space<hbm>> -> memref<1x640x128xf32, #tpu.memory_space<hbm>>
        %dma_start3A_102 = tpu.memref_squeeze %dma_start3A_101 : memref<1x640x128xf32, #tpu.memory_space<hbm>> -> memref<640x128xf32, #tpu.memory_space<hbm>>
        %dma_start3A_103 = arith.constant 0 : i32
        %dma_start3A_104 = tpu.memref_slice %arg11[%mul3A_27, %dma_start3A_103] : memref<10128x128xf32, #tpu.memory_space<vmem_shared>> -> memref<640x128xf32, #tpu.memory_space<vmem_shared>>
        tpu.enqueue_dma source(%dma_start3A_104 : memref<640x128xf32, #tpu.memory_space<vmem_shared>>) target(%dma_start3A_102 : memref<640x128xf32, #tpu.memory_space<hbm>>) target_semaphore(%run_scoped3A : memref<!tpu.dma_semaphore, #tpu.memory_space<semaphore_mem>>)
        %dma_wait3A_105 = arith.constant 0 : i32
        %dma_wait3A_106 = tpu.memref_slice %arg4[%arg0, %mul3A_27, %dma_wait3A_105] : memref<2x10000x128xf32, #tpu.memory_space<hbm>> -> memref<1x640x128xf32, #tpu.memory_space<hbm>>
        %dma_wait3A_107 = tpu.memref_squeeze %dma_wait3A_106 : memref<1x640x128xf32, #tpu.memory_space<hbm>> -> memref<640x128xf32, #tpu.memory_space<hbm>>
        %dma_wait3A_108 = arith.constant 0 : i32
        %dma_wait3A_109 = tpu.memref_slice %arg11[%mul3A_27, %dma_wait3A_108] : memref<10128x128xf32, #tpu.memory_space<vmem_shared>> -> memref<640x128xf32, #tpu.memory_space<vmem_shared>>
        tpu.wait_dma2 semaphore(%run_scoped3A : memref<!tpu.dma_semaphore, #tpu.memory_space<semaphore_mem>>) src(%dma_wait3A_109 : memref<640x128xf32, #tpu.memory_space<vmem_shared>>) dst(%dma_wait3A_107 : memref<640x128xf32, #tpu.memory_space<hbm>>)
        tpu.yield
      }) : () -> ()
    } else {
    }
    return
  }
}

module attributes {stable_mosaic.version = 14 : i64} {
  func.func @_mm1_body(%arg0: i32, %arg1: memref<2x10112xf32, #tpu.memory_space<vmem>>, %arg2: memref<10000x128xf32, #tpu.memory_space<vmem>>, %arg3: memref<128x256xf32, #tpu.memory_space<vmem>>, %arg4: memref<2x10000x128xf32, #tpu.memory_space<vmem>>) attributes {dimension_semantics = [#tpu.dimension_semantics<arbitrary>], iteration_bounds = array<i64: 1>, scalar_prefetch = 0 : i64, scratch_operands = 0 : i64, tpu.core_type = #tpu.core_type<tc>, window_params = [{transform_indices = @transform_0, window_bounds = array<i64: 2, 10112>}, {pipeline_mode = #tpu.pipeline_mode<synchronous>, transform_indices = @transform_1, window_bounds = array<i64: 10000, 128>}, {pipeline_mode = #tpu.pipeline_mode<synchronous>, transform_indices = @transform_2, window_bounds = array<i64: 128, 256>}, {pipeline_mode = #tpu.pipeline_mode<synchronous>, transform_indices = @transform_3, window_bounds = array<i64: 2, 10000, 128>}]} {
    %get3A = arith.constant 0 : index
    %get3A_0 = arith.constant 0 : index
    %get3A_1 = vector.load %arg1[%get3A, %get3A_0] : memref<2x10112xf32, #tpu.memory_space<vmem>>, vector<1x10000xf32>
    %get3A_2 = arith.constant 1 : index
    %get3A_3 = arith.constant 0 : index
    %get3A_4 = vector.load %arg1[%get3A_2, %get3A_3] : memref<2x10112xf32, #tpu.memory_space<vmem>>, vector<1x10000xf32>
    %add3A = arith.addf %get3A_1, %get3A_4 : vector<1x10000xf32>
    %add3A_5 = arith.constant 1.000000e+00 : f32
    %add3A_6 = vector.broadcast %add3A_5 : f32 to vector<1x10000xf32>
    %add3A_7 = arith.addf %add3A, %add3A_6 : vector<1x10000xf32>
    %reshape3A = vector.shape_cast %add3A_7 : vector<1x10000xf32> to vector<10000x1xf32>
    %rsqrt3A = math.rsqrt %reshape3A : vector<10000x1xf32>
    %get3A_8 = arith.constant 0 : index
    %get3A_9 = arith.constant 0 : index
    %get3A_10 = vector.load %arg2[%get3A_8, %get3A_9] : memref<10000x128xf32, #tpu.memory_space<vmem>>, vector<10000x128xf32>
    %get3A_11 = arith.constant 0 : index
    %get3A_12 = arith.constant 0 : index
    %get3A_13 = vector.load %arg3[%get3A_11, %get3A_12] : memref<128x256xf32, #tpu.memory_space<vmem>>, vector<128x256xf32>
    %dot_general3A = arith.constant dense<0.000000e+00> : vector<10000x256xf32>
    %dot_general3A_14 = tpu.matmul %get3A_10, %get3A_13, %dot_general3A {dimension_numbers = #tpu.dot_dimension_numbers<[1], [0], [0], [1], [0, 0, 1, 1], [], []>, transpose_lhs_hint = false} : vector<10000x128xf32>, vector<128x256xf32>, vector<10000x256xf32> -> vector<10000x256xf32>
    %mul3A = vector.broadcast %rsqrt3A : vector<10000x1xf32> to vector<10000x256xf32>
    %mul3A_15 = arith.mulf %dot_general3A_14, %mul3A : vector<10000x256xf32>
    %slice3A = vector.extract_strided_slice %mul3A_15 {offsets = [0, 0], sizes = [10000, 128], strides = [1, 1]} : vector<10000x256xf32> to vector<10000x128xf32>
    %swap3A = arith.constant 0 : index
    %swap3A_16 = arith.constant 0 : index
    %swap3A_17 = arith.constant 0 : index
    %swap3A_18 = vector.load %arg4[%swap3A, %swap3A_16, %swap3A_17] : memref<2x10000x128xf32, #tpu.memory_space<vmem>>, vector<1x10000x128xf32>
    %swap3A_19 = vector.shape_cast %swap3A_18 : vector<1x10000x128xf32> to vector<10000x128xf32>
    %swap3A_20 = vector.shape_cast %slice3A : vector<10000x128xf32> to vector<1x10000x128xf32>
    tpu.vector_store %arg4[%swap3A, %swap3A_16, %swap3A_17], %swap3A_20 {strides = array<i32>} : memref<2x10000x128xf32, #tpu.memory_space<vmem>>, vector<1x10000x128xf32>,
    %slice3A_21 = vector.extract_strided_slice %mul3A_15 {offsets = [0, 128], sizes = [10000, 128], strides = [1, 1]} : vector<10000x256xf32> to vector<10000x128xf32>
    %swap3A_22 = arith.constant 1 : index
    %swap3A_23 = arith.constant 0 : index
    %swap3A_24 = arith.constant 0 : index
    %swap3A_25 = vector.load %arg4[%swap3A_22, %swap3A_23, %swap3A_24] : memref<2x10000x128xf32, #tpu.memory_space<vmem>>, vector<1x10000x128xf32>
    %swap3A_26 = vector.shape_cast %swap3A_25 : vector<1x10000x128xf32> to vector<10000x128xf32>
    %swap3A_27 = vector.shape_cast %slice3A_21 : vector<10000x128xf32> to vector<1x10000x128xf32>
    tpu.vector_store %arg4[%swap3A_22, %swap3A_23, %swap3A_24], %swap3A_27 {strides = array<i32>} : memref<2x10000x128xf32, #tpu.memory_space<vmem>>, vector<1x10000x128xf32>,
    return
  }
  func.func @transform_0(%arg0: i32) -> (i32, i32) {
    %c0_i32 = arith.constant 0 : i32
    %c0_i32_0 = arith.constant 0 : i32
    %c0_i32_1 = arith.constant 0 : i32
    return %c0_i32, %c0_i32_0 : i32, i32
  }
  func.func @transform_1(%arg0: i32) -> (i32, i32) {
    %c0_i32 = arith.constant 0 : i32
    %c0_i32_0 = arith.constant 0 : i32
    %c0_i32_1 = arith.constant 0 : i32
    return %c0_i32, %c0_i32_0 : i32, i32
  }
  func.func @transform_2(%arg0: i32) -> (i32, i32) {
    %c0_i32 = arith.constant 0 : i32
    %c0_i32_0 = arith.constant 0 : i32
    %c0_i32_1 = arith.constant 0 : i32
    return %c0_i32, %c0_i32_0 : i32, i32
  }
  func.func @transform_3(%arg0: i32) -> (i32, i32, i32) {
    %c0_i32 = arith.constant 0 : i32
    %c0_i32_0 = arith.constant 0 : i32
    %c0_i32_1 = arith.constant 0 : i32
    %c0_i32_2 = arith.constant 0 : i32
    return %c0_i32, %c0_i32_0, %c0_i32_1 : i32, i32, i32
  }
}

module attributes {stable_mosaic.version = 14 : i64} {
  func.func @_mm2_body(%arg0: i32, %arg1: memref<2x10112xf32, #tpu.memory_space<vmem>>, %arg2: memref<2x10000x128xf32, #tpu.memory_space<vmem>>, %arg3: memref<1x256xf32, #tpu.memory_space<vmem>>, %arg4: memref<256x128xf32, #tpu.memory_space<vmem>>, %arg5: memref<10000x128xf32, #tpu.memory_space<vmem>>) attributes {dimension_semantics = [#tpu.dimension_semantics<arbitrary>], iteration_bounds = array<i64: 1>, scalar_prefetch = 0 : i64, scratch_operands = 0 : i64, tpu.core_type = #tpu.core_type<tc>, window_params = [{transform_indices = @transform_0, window_bounds = array<i64: 2, 10112>}, {pipeline_mode = #tpu.pipeline_mode<synchronous>, transform_indices = @transform_1, window_bounds = array<i64: 2, 10000, 128>}, {pipeline_mode = #tpu.pipeline_mode<synchronous>, transform_indices = @transform_2, window_bounds = array<i64: 1, 256>}, {pipeline_mode = #tpu.pipeline_mode<synchronous>, transform_indices = @transform_3, window_bounds = array<i64: 256, 128>}, {pipeline_mode = #tpu.pipeline_mode<synchronous>, transform_indices = @transform_4, window_bounds = array<i64: 10000, 128>}]} {
    %get3A = arith.constant 0 : index
    %get3A_0 = arith.constant 0 : index
    %get3A_1 = vector.load %arg1[%get3A, %get3A_0] : memref<2x10112xf32, #tpu.memory_space<vmem>>, vector<1x10000xf32>
    %get3A_2 = arith.constant 1 : index
    %get3A_3 = arith.constant 0 : index
    %get3A_4 = vector.load %arg1[%get3A_2, %get3A_3] : memref<2x10112xf32, #tpu.memory_space<vmem>>, vector<1x10000xf32>
    %add3A = arith.addf %get3A_1, %get3A_4 : vector<1x10000xf32>
    %add3A_5 = arith.constant 1.000000e+00 : f32
    %add3A_6 = vector.broadcast %add3A_5 : f32 to vector<1x10000xf32>
    %add3A_7 = arith.addf %add3A, %add3A_6 : vector<1x10000xf32>
    %reshape3A = vector.shape_cast %add3A_7 : vector<1x10000xf32> to vector<10000x1xf32>
    %rsqrt3A = math.rsqrt %reshape3A : vector<10000x1xf32>
    %get3A_8 = arith.constant 0 : index
    %get3A_9 = arith.constant 0 : index
    %get3A_10 = arith.constant 0 : index
    %get3A_11 = vector.load %arg2[%get3A_8, %get3A_9, %get3A_10] : memref<2x10000x128xf32, #tpu.memory_space<vmem>>, vector<1x10000x128xf32>
    %get3A_12 = vector.shape_cast %get3A_11 : vector<1x10000x128xf32> to vector<10000x128xf32>
    %get3A_13 = arith.constant 1 : index
    %get3A_14 = arith.constant 0 : index
    %get3A_15 = arith.constant 0 : index
    %get3A_16 = vector.load %arg2[%get3A_13, %get3A_14, %get3A_15] : memref<2x10000x128xf32, #tpu.memory_space<vmem>>, vector<1x10000x128xf32>
    %get3A_17 = vector.shape_cast %get3A_16 : vector<1x10000x128xf32> to vector<10000x128xf32>
    %concatenate3A = tpu.concatenate %get3A_12, %get3A_17 in 1 : vector<10000x128xf32>, vector<10000x128xf32> -> vector<10000x256xf32>
    %mul3A = vector.broadcast %rsqrt3A : vector<10000x1xf32> to vector<10000x256xf32>
    %mul3A_18 = arith.mulf %concatenate3A, %mul3A : vector<10000x256xf32>
    %get3A_19 = arith.constant 0 : index
    %get3A_20 = arith.constant 0 : index
    %get3A_21 = vector.load %arg3[%get3A_19, %get3A_20] : memref<1x256xf32, #tpu.memory_space<vmem>>, vector<1x256xf32>
    %add3A_22 = vector.broadcast %get3A_21 : vector<1x256xf32> to vector<10000x256xf32>
    %add3A_23 = arith.addf %mul3A_18, %add3A_22 : vector<10000x256xf32>
    %max3A = arith.constant 0.000000e+00 : f32
    %max3A_24 = vector.broadcast %max3A : f32 to vector<10000x256xf32>
    %max3A_25 = arith.maximumf %add3A_23, %max3A_24 : vector<10000x256xf32>
    %get3A_26 = arith.constant 0 : index
    %get3A_27 = arith.constant 0 : index
    %get3A_28 = vector.load %arg4[%get3A_26, %get3A_27] : memref<256x128xf32, #tpu.memory_space<vmem>>, vector<256x128xf32>
    %dot_general3A = arith.constant dense<0.000000e+00> : vector<10000x128xf32>
    %dot_general3A_29 = tpu.matmul %max3A_25, %get3A_28, %dot_general3A {dimension_numbers = #tpu.dot_dimension_numbers<[1], [0], [0], [1], [0, 0, 1, 1], [], []>, transpose_lhs_hint = false} : vector<10000x256xf32>, vector<256x128xf32>, vector<10000x128xf32> -> vector<10000x128xf32>
    %mul3A_30 = vector.broadcast %rsqrt3A : vector<10000x1xf32> to vector<10000x128xf32>
    %mul3A_31 = arith.mulf %dot_general3A_29, %mul3A_30 : vector<10000x128xf32>
    %swap3A = arith.constant 0 : index
    %swap3A_32 = arith.constant 0 : index
    %swap3A_33 = vector.load %arg5[%swap3A, %swap3A_32] : memref<10000x128xf32, #tpu.memory_space<vmem>>, vector<10000x128xf32>
    tpu.vector_store %arg5[%swap3A, %swap3A_32], %mul3A_31 {strides = array<i32>} : memref<10000x128xf32, #tpu.memory_space<vmem>>, vector<10000x128xf32>,
    return
  }
  func.func @transform_0(%arg0: i32) -> (i32, i32) {
    %c0_i32 = arith.constant 0 : i32
    %c0_i32_0 = arith.constant 0 : i32
    %c0_i32_1 = arith.constant 0 : i32
    return %c0_i32, %c0_i32_0 : i32, i32
  }
  func.func @transform_1(%arg0: i32) -> (i32, i32, i32) {
    %c0_i32 = arith.constant 0 : i32
    %c0_i32_0 = arith.constant 0 : i32
    %c0_i32_1 = arith.constant 0 : i32
    %c0_i32_2 = arith.constant 0 : i32
    return %c0_i32, %c0_i32_0, %c0_i32_1 : i32, i32, i32
  }
  func.func @transform_2(%arg0: i32) -> (i32, i32) {
    %c0_i32 = arith.constant 0 : i32
    %c0_i32_0 = arith.constant 0 : i32
    %c0_i32_1 = arith.constant 0 : i32
    return %c0_i32, %c0_i32_0 : i32, i32
  }
  func.func @transform_3(%arg0: i32) -> (i32, i32) {
    %c0_i32 = arith.constant 0 : i32
    %c0_i32_0 = arith.constant 0 : i32
    %c0_i32_1 = arith.constant 0 : i32
    return %c0_i32, %c0_i32_0 : i32, i32
  }
  func.func @transform_4(%arg0: i32) -> (i32, i32) {
    %c0_i32 = arith.constant 0 : i32
    %c0_i32_0 = arith.constant 0 : i32
    %c0_i32_1 = arith.constant 0 : i32
    return %c0_i32, %c0_i32_0 : i32, i32
  }
}

module attributes {stable_mosaic.version = 14 : i64} {
  func.func @_fin_body(%arg0: i32, %arg1: memref<2x10112xf32, #tpu.memory_space<vmem>>, %arg2: memref<2x10000x128xf32, #tpu.memory_space<vmem>>, %arg3: memref<10000x128xf32, #tpu.memory_space<vmem>>, %arg4: memref<1x128xf32, #tpu.memory_space<vmem>>, %arg5: memref<10000x128xf32, #tpu.memory_space<vmem>>) attributes {dimension_semantics = [#tpu.dimension_semantics<arbitrary>], iteration_bounds = array<i64: 1>, scalar_prefetch = 0 : i64, scratch_operands = 0 : i64, tpu.core_type = #tpu.core_type<tc>, window_params = [{transform_indices = @transform_0, window_bounds = array<i64: 2, 10112>}, {pipeline_mode = #tpu.pipeline_mode<synchronous>, transform_indices = @transform_1, window_bounds = array<i64: 2, 10000, 128>}, {pipeline_mode = #tpu.pipeline_mode<synchronous>, transform_indices = @transform_2, window_bounds = array<i64: 10000, 128>}, {pipeline_mode = #tpu.pipeline_mode<synchronous>, transform_indices = @transform_3, window_bounds = array<i64: 1, 128>}, {pipeline_mode = #tpu.pipeline_mode<synchronous>, transform_indices = @transform_4, window_bounds = array<i64: 10000, 128>}]} {
    %get3A = arith.constant 0 : index
    %get3A_0 = arith.constant 0 : index
    %get3A_1 = vector.load %arg1[%get3A, %get3A_0] : memref<2x10112xf32, #tpu.memory_space<vmem>>, vector<1x10000xf32>
    %get3A_2 = arith.constant 1 : index
    %get3A_3 = arith.constant 0 : index
    %get3A_4 = vector.load %arg1[%get3A_2, %get3A_3] : memref<2x10112xf32, #tpu.memory_space<vmem>>, vector<1x10000xf32>
    %add3A = arith.addf %get3A_1, %get3A_4 : vector<1x10000xf32>
    %add3A_5 = arith.constant 1.000000e+00 : f32
    %add3A_6 = vector.broadcast %add3A_5 : f32 to vector<1x10000xf32>
    %add3A_7 = arith.addf %add3A, %add3A_6 : vector<1x10000xf32>
    %reshape3A = vector.shape_cast %add3A_7 : vector<1x10000xf32> to vector<10000x1xf32>
    %rsqrt3A = math.rsqrt %reshape3A : vector<10000x1xf32>
    %get3A_8 = arith.constant 0 : index
    %get3A_9 = arith.constant 0 : index
    %get3A_10 = arith.constant 0 : index
    %get3A_11 = vector.load %arg2[%get3A_8, %get3A_9, %get3A_10] : memref<2x10000x128xf32, #tpu.memory_space<vmem>>, vector<1x10000x128xf32>
    %get3A_12 = vector.shape_cast %get3A_11 : vector<1x10000x128xf32> to vector<10000x128xf32>
    %get3A_13 = arith.constant 1 : index
    %get3A_14 = arith.constant 0 : index
    %get3A_15 = arith.constant 0 : index
    %get3A_16 = vector.load %arg2[%get3A_13, %get3A_14, %get3A_15] : memref<2x10000x128xf32, #tpu.memory_space<vmem>>, vector<1x10000x128xf32>
    %get3A_17 = vector.shape_cast %get3A_16 : vector<1x10000x128xf32> to vector<10000x128xf32>
    %add3A_18 = arith.addf %get3A_12, %get3A_17 : vector<10000x128xf32>
    %get3A_19 = arith.constant 0 : index
    %get3A_20 = arith.constant 0 : index
    %get3A_21 = vector.load %arg3[%get3A_19, %get3A_20] : memref<10000x128xf32, #tpu.memory_space<vmem>>, vector<10000x128xf32>
    %sub3A = arith.subf %add3A_18, %get3A_21 : vector<10000x128xf32>
    %mul3A = vector.broadcast %rsqrt3A : vector<10000x1xf32> to vector<10000x128xf32>
    %mul3A_22 = arith.mulf %sub3A, %mul3A : vector<10000x128xf32>
    %get3A_23 = arith.constant 0 : index
    %get3A_24 = arith.constant 0 : index
    %get3A_25 = vector.load %arg4[%get3A_23, %get3A_24] : memref<1x128xf32, #tpu.memory_space<vmem>>, vector<1x128xf32>
    %add3A_26 = vector.broadcast %get3A_25 : vector<1x128xf32> to vector<10000x128xf32>
    %add3A_27 = arith.addf %mul3A_22, %add3A_26 : vector<10000x128xf32>
    %reduce_max3A = arith.constant dense<0xFF800000> : vector<10000xf32>
    %reduce_max3A_28 = vector.multi_reduction <maximumf>, %add3A_27, %reduce_max3A [1] : vector<10000x128xf32> to vector<10000xf32>
    %broadcast_in_dim3A = vector.shape_cast %reduce_max3A_28 : vector<10000xf32> to vector<10000x1xf32>
    %sub3A_29 = vector.broadcast %broadcast_in_dim3A : vector<10000x1xf32> to vector<10000x128xf32>
    %sub3A_30 = arith.subf %add3A_27, %sub3A_29 : vector<10000x128xf32>
    %exp3A = math.exp %sub3A_30 : vector<10000x128xf32>
    %reduce_sum3A = arith.constant dense<0.000000e+00> : vector<10000xf32>
    %reduce_sum3A_31 = vector.multi_reduction <add>, %exp3A, %reduce_sum3A [1] : vector<10000x128xf32> to vector<10000xf32>
    %broadcast_in_dim3A_32 = vector.shape_cast %reduce_sum3A_31 : vector<10000xf32> to vector<10000x1xf32>
    %sub3A_33 = vector.broadcast %broadcast_in_dim3A : vector<10000x1xf32> to vector<10000x128xf32>
    %sub3A_34 = arith.subf %add3A_27, %sub3A_33 : vector<10000x128xf32>
    %log3A = math.log %broadcast_in_dim3A_32 : vector<10000x1xf32>
    %sub3A_35 = vector.broadcast %log3A : vector<10000x1xf32> to vector<10000x128xf32>
    %sub3A_36 = arith.subf %sub3A_34, %sub3A_35 : vector<10000x128xf32>
    %swap3A = arith.constant 0 : index
    %swap3A_37 = arith.constant 0 : index
    %swap3A_38 = vector.load %arg5[%swap3A, %swap3A_37] : memref<10000x128xf32, #tpu.memory_space<vmem>>, vector<10000x128xf32>
    tpu.vector_store %arg5[%swap3A, %swap3A_37], %sub3A_36 {strides = array<i32>} : memref<10000x128xf32, #tpu.memory_space<vmem>>, vector<10000x128xf32>,
    return
  }
  func.func @transform_0(%arg0: i32) -> (i32, i32) {
    %c0_i32 = arith.constant 0 : i32
    %c0_i32_0 = arith.constant 0 : i32
    %c0_i32_1 = arith.constant 0 : i32
    return %c0_i32, %c0_i32_0 : i32, i32
  }
  func.func @transform_1(%arg0: i32) -> (i32, i32, i32) {
    %c0_i32 = arith.constant 0 : i32
    %c0_i32_0 = arith.constant 0 : i32
    %c0_i32_1 = arith.constant 0 : i32
    %c0_i32_2 = arith.constant 0 : i32
    return %c0_i32, %c0_i32_0, %c0_i32_1 : i32, i32, i32
  }
  func.func @transform_2(%arg0: i32) -> (i32, i32) {
    %c0_i32 = arith.constant 0 : i32
    %c0_i32_0 = arith.constant 0 : i32
    %c0_i32_1 = arith.constant 0 : i32
    return %c0_i32, %c0_i32_0 : i32, i32
  }
  func.func @transform_3(%arg0: i32) -> (i32, i32) {
    %c0_i32 = arith.constant 0 : i32
    %c0_i32_0 = arith.constant 0 : i32
    %c0_i32_1 = arith.constant 0 : i32
    return %c0_i32, %c0_i32_0 : i32, i32
  }
  func.func @transform_4(%arg0: i32) -> (i32, i32) {
    %c0_i32 = arith.constant 0 : i32
    %c0_i32_0 = arith.constant 0 : i32
    %c0_i32_1 = arith.constant 0 : i32
    return %c0_i32, %c0_i32_0 : i32, i32
  }
}

</mosaic_0001>

<sc_bundles>
// kernel: kernel.11.cloned.1.call-start
scs
__scs_entry_jumppad:
0x0: {  	(pc) =	sbr.rel $0x88, $3  }
0x1: {  	(tag) =	ssettag $0x0;
	lr =	simm.s32 $0x1  }
0x2: {  	[smem:$0x3F9B] =	sst lr;
	_ =	strace $0xD0000000  }
0x3: {  	_ = 	snop  }
0x4: {  	_ = 	snop  }
0x5: {  	_ = 	snop  }
0x6: {  	_ = 	snop  }
0x7: {  	_ = 	snop  }
__scs_overlays_trampoline_lowered:
0x8: {  	[smem:$0x3FAA] =	sst s0  }
0x9: {  	[smem:$0x3FAB] =	sst s1  }
0xa: {  	[smem:$0x3FAC] =	sst s2  }
0xb: {  	[smem:$0x3FAD] =	sst s3  }
0xc: {  	[smem:$0x3FAE] =	sst s4  }
0xd: {  	[smem:$0x3FAF] =	sst s5  }
0xe: {  	[smem:$0x3FB0] =	sst s6  }
0xf: {  	[smem:$0x3FB1] =	sst s7  }
0x10: {  	[smem:$0x3FB2] =	sst s8  }
0x11: {  	[smem:$0x3FB3] =	sst s9;
	s0 =	simm.s32 @!p0 $0x0  }
0x12: {  	s1 =	sld [smem:$0x3F99];
	s0 =	simm.s32 @p0 $0x1  }
0x13: {  	[smem:$0x3FB4] =	sst s0;
	s0 =	simm.s32 @!p1 $0x0  }
0x14: {  	s2 =	sld [smem:$0x3F98];
	s0 =	simm.s32 @p1 $0x1  }
0x15: {  	[smem:$0x3FB5] =	sst s0;
	s0 =	simm.s32 @!p2 $0x0  }
0x16: {  	s3 =	sld [smem:$0x3FDB];
	s0 =	simm.s32 @p2 $0x1  }
0x17: {  	s4 =	simm.s32 $0x1BF5;
	[smem:$0x3FB7] =	sst s0  }
0x18: {  	s0 =	sld [smem:$0x3F9A];
	_ =	swait.ge [sflag:s4], $0x0  }
0x19: {  	s7 =	sld [smem:$0x3F9B]  }
0x1a: {  	s8 =	sadd.s32 $0xFFFFE003, lr  }
0x1b: {  	s9 =	sadd.s32 $0xFFFFFEF7, lr;
	s5 =	simm.s32 $0xFFFFFFFF;
	p2 =	slt.u32 s8, $0xFFFFF086  }
0x1c: {  	p1 =	slt.u32 s9, $0xF7A;
	s5 =	simm.s32 @!p2 $0x0  }
0x1d: {  	s5 =	simm.s32 @p1 $0x1;
	p0 =	seq.s32 s7, s2  }
0x1e: {  	s7 =	smul.u32 @!p0 $0xF7A, s2;
	p2 =	seq.s32 @!p0 s5, $0x0  }
0x1f: {  	s9 =	smul.u32 $0xF7A, s1;
	s8 =	simm.s32 @!p0 $0x1BF5;
	p2 =	por !p2, p0  }
0x20: {  	[sflag:s8] =	ssyncset.s32 @!p0 $0xFFFFF086;
	s6 =	sadd.s32 @!p0 s3, s7;
	s7 =	simm.s32 @!p0 $0x108  }
0x21: {  	s3 =	sadd.s32 s3, s9;
	s6 =	sadd.s32 @!p0 $0x88, s6;
	s7 =	simm.s32 @p2 $0x1082  }
0x22: {  	[simem:s7], [sflag:s8] =	dma.local @!p0 [hbm:s6], $0xF7A  }
0x23: {  	s9 =	sor.u32 $0xD0000000, s2;
	s6 =	simm.s32 $0x108;
	_ =	swait.ge @!p0 [sflag:s8], $0x0  }
0x24: {  	s3 =	sadd.s32 $0x88, s3;
	s6 =	simm.s32 @!p1 $0x1082;
	[sflag:s4] =	ssyncset.s32 $0xFFFFF086  }
0x25: {  	[simem:s6], [sflag:s4] =	dma.local [hbm:s3], $0xF7A  }
0x26: {  	[smem:$0x3F9B] =	sst s1;
	(tag) =	ssettag s2;
	_ =	strace s9  }
0x27: {  	s1 =	sld [smem:$0x3FAB]  }
0x28: {  	s2 =	sld [smem:$0x3FAC]  }
0x29: {  	s4 =	sld [smem:$0x3FAE]  }
0x2a: {  	p0 =	seq.s32 s5, $0x0;
	s5 =	sld [smem:$0x3FAF]  }
0x2b: {  	s6 =	sld [smem:$0x3FB0]  }
0x2c: {  	s7 =	sld [smem:$0x3FB1]  }
0x2d: {  	s3 =	simm.s32 $0x108;
	s8 =	sld [smem:$0x3FB2]  }
0x2e: {  	s3 =	simm.s32 @!p0 $0x1082;
	s9 =	sld [smem:$0x3FB3]  }
0x2f: {  	lr =	sadd.s32 s0, s3;
	s0 =	sld [smem:$0x3FAA]  }
0x30: {  	s3 =	sld [smem:$0x3FAD]  }
0x31: {  	[smem:$0x3FB6] =	sst s10  }
0x32: {  	s10 =	sld [smem:$0x3FB4];
	_ =	sdelay $0x3  }
0x33: {  	p0 =	seq.s32 s10, $0x1;
	s10 =	sld [smem:$0x3FB6];
	_ =	sdelay $0x3  }
0x34: {  	[smem:$0x3FB6] =	sst s10  }
0x35: {  	s10 =	sld [smem:$0x3FB5];
	_ =	sdelay $0x3  }
0x36: {  	p1 =	seq.s32 s10, $0x1;
	s10 =	sld [smem:$0x3FB6];
	_ =	sdelay $0x3  }
0x37: {  	[smem:$0x3FB6] =	sst s10  }
0x38: {  	s10 =	sld [smem:$0x3FB7]  }
0x39: {  	_ = 	snop;
	(pc) =	sbr.ind lr, $3  }
0x3a: {  	_ = 	snop  }
0x3b: {  	_ = 	snop  }
0x3c: {  	p2 =	seq.s32 s10, $0x1;
	s10 =	sld [smem:$0x3FB6]  }
0x3d: {  	_ =	shalt  }
0x3e: {  	_ =	shalt  }
0x3f: {  	_ =	shalt  }
0x40: {  	_ =	shalt  }
0x41: {  	_ =	shalt  }
0x42: {  	_ =	shalt  }
0x43: {  	_ =	shalt  }
0x44: {  	_ =	shalt  }
0x45: {  	_ =	shalt  }
0x46: {  	_ =	shalt  }
0x47: {  	_ =	shalt  }
0x48: {  	_ =	shalt  }
0x49: {  	_ =	shalt  }
0x4a: {  	_ =	shalt  }
0x4b: {  	_ =	shalt  }
0x4c: {  	_ =	shalt  }
0x4d: {  	_ =	shalt  }
0x4e: {  	_ =	shalt  }
0x4f: {  	_ =	shalt  }
0x50: {  	_ =	shalt  }
0x51: {  	_ =	shalt  }
0x52: {  	_ =	shalt  }
0x53: {  	_ =	shalt  }
0x54: {  	_ =	shalt  }
0x55: {  	_ =	shalt  }
0x56: {  	_ =	shalt  }
0x57: {  	_ =	shalt  }
0x58: {  	_ =	shalt  }
0x59: {  	_ =	shalt  }
0x5a: {  	_ =	shalt  }
0x5b: {  	_ =	shalt  }
0x5c: {  	_ =	shalt  }
0x5d: {  	_ =	shalt  }
0x5e: {  	_ =	shalt  }
0x5f: {  	_ =	shalt  }
0x60: {  	_ =	shalt  }
0x61: {  	_ =	shalt  }
0x62: {  	_ =	shalt  }
0x63: {  	_ =	shalt  }
0x64: {  	_ =	shalt  }
0x65: {  	_ =	shalt  }
0x66: {  	_ =	shalt  }
0x67: {  	_ =	shalt  }
0x68: {  	_ =	shalt  }
0x69: {  	_ =	shalt  }
0x6a: {  	_ =	shalt  }
0x6b: {  	_ =	shalt  }
0x6c: {  	_ =	shalt  }
0x6d: {  	_ =	shalt  }
0x6e: {  	_ =	shalt  }
0x6f: {  	_ =	shalt  }
0x70: {  	_ =	shalt  }
0x71: {  	_ =	shalt  }
0x72: {  	_ =	shalt  }
0x73: {  	_ =	shalt  }
0x74: {  	_ =	shalt  }
0x75: {  	_ =	shalt  }
0x76: {  	_ =	shalt  }
0x77: {  	_ =	shalt  }
0x78: {  	_ =	shalt  }
0x79: {  	_ =	shalt  }
0x7a: {  	_ =	shalt  }
0x7b: {  	_ =	shalt  }
0x7c: {  	_ =	shalt  }
0x7d: {  	_ =	shalt  }
0x7e: {  	_ =	shalt  }
0x7f: {  	_ =	shalt  }
0x80: {  	_ =	shalt  }
0x81: {  	_ =	shalt  }
0x82: {  	_ =	shalt  }
0x83: {  	_ =	shalt  }
0x84: {  	_ =	shalt  }
0x85: {  	_ =	shalt  }
0x86: {  	_ =	shalt  }
0x87: {  	_ =	shalt  }
.Lfunc_end0:
.L_simem_size_0:
called_computation.1_lowered:
.L_overlay_start_0:
0x88: {  	s2 =	sld [smem:$0x3FD9]  }
0x89: {  	s3 =	sld [smem:$0x3FFE];
	_ =	sdelay $0x1  }
0x8a: {  	s1 =	srdreg.scid  }
0x8b: {  	s0 =	sand.u32 $0x1, s1  }
0x8c: {  	s16 =	sshll.u32 s0, $0xA;
	s2 =	sadd.s32 s3, s2  }
0x8d: {  	s2 =	sadd.s32 s2, s16  }
0x8e: {  	[smem:$0x3FC2] =	sst s2  }
0x8f: {  	_ = 	snop  }
0x90: {  	(tm) =	ssettm $0x1  }
0x91: {  	s17 =	sld [smem:$0x3FFB];
	_ =	sdelay $0x3  }
0x92: {  	_ =	strace s17  }
0x93: {  	s2 =	sld [smem:$0x3FFC];
	_ =	sdelay $0x3  }
0x94: {  	_ =	strace s2  }
0x95: {  	s2 =	sld [smem:$0x3FFD];
	_ =	sdelay $0x3  }
0x96: {  	_ =	strace s2  }
0x97: {  	_ =	strace $0x8FFFFFFF  }
0x98: {  	s18 =	sld [smem:$0x3FDB];
	_ =	sdelay $0x1  }
0x99: {  	s19 =	simm.s32 $_scs_section_size  }
0x9a: {  	s4 =	simm.s32 $_size__tile_overlayer_lowered;
	s5 =	simm.s32 $_tile_overlayer_lowered  }
0x9b: {  	s22 =	simm.s32 $0x1BFF;
	s21 =	sshll.u32 s5, $0x1;
	s2 =	sadd.s32 s19, s18  }
0x9c: {  	s6 =	simm.s32 $0x0;
	s20 =	sshll.u32 s4, $0x1;
	s4 =	sadd.s32 s21, s2  }
0x9d: {  	[timem:s6], [sflag:s22] =	dma.local [hbm:s4], s20  }
0x9e: {  	_ =	swait.ge [sflag:s22], s20  }
0x9f: {  	s3 =	ssub.s32 $0x0, s20;
	[sflag:s22] =	ssyncset.done $0x0  }
0xa0: {  	[sflag:s22] =	ssyncadd.s32 s3;
	_ =	sdelay $0x1  }
0xa1: {  	s23 =	simm.s32 $0x1B8B  }
0xa2: {  	_ =	swait.ge [sflag:s23], $0x1  }
0xa3: {  	[sflag:s23] =	ssyncset.done $0x0  }
0xa4: {  	s25 =	simm.s32 $0x1B8E;
	s24 =	sld [smem:$0x3FFE];
	[sflag:s23] =	ssyncadd.s32 $0xFFFFFFFF  }
0xa5: {  	s26 =	simm.s32 $execute0_lowered;
	[smem:$0x3FD2] =	sst s25  }
0xa6: {  	s4 =	sshll.u32 s26, $0x1;
	_ =	strace $0x80000049;
	[dreg:$0x1] =	wrdreg $0xFFFFFFFF  }
0xa7: {  	s28 =	simm.s32 $_size_execute0_lowered;
	s2 =	sadd.s32 s2, s4;
	[dreg:$0x0] =	wrdreg $0x0  }
0xa8: {  	s4 =	sshll.u32 s28, $0x1;
	[dreg:$0x2] =	wrdreg s2  }
0xa9: {  	[dreg:$0x3] =	wrdreg s4  }
0xaa: {  	[dreg:$0x4] =	wrdreg $0xC0  }
0xab: {  	_ =	task [dreg:s6], $0x5FFFF  }
0xac: {  	[dreg:$0x1] =	wrdreg $0xFFFFFFFF  }
0xad: {  	[dreg:$0x0] =	wrdreg $0x60  }
0xae: {  	[dreg:$0x2] =	wrdreg s24  }
0xaf: {  	[dreg:$0x3] =	wrdreg $0xA0000  }
0xb0: {  	[dreg:$0x4] =	wrdreg $0x9  }
0xb1: {  	_ =	task.clear_ibuf [dreg:s6], $0x5FFFF;
	_ =	strace $0x90000049  }
0xb2: {  	s29 =	simm.s32 $0x9;
	_ =	strace $0x8000004B  }
0xb3: {  	_ =	swait.ge [sflag:s29], $0x1  }
0xb4: {  	[sflag:s29] =	ssyncadd.s32 $0xFFFFFFFF  }
0xb5: {  	_ =	strace $0x9000004B  }
0xb6: {  	_ =	sfence  }
0xb7: {  	s30 =	sld [smem:$0x0];
	_ =	sdelay $0x2  }
0xb8: {  	s31 =	sshll.u32 s1, $0xD;
	s1 =	sshrl.u32 s1, $0x2  }
0xb9: {  	s3 =	sand.u32 $0x4000, s31;
	s1 =	sadd.s32 s1, s30  }
0xba: {  	s0 =	sor.u32 s3, s0;
	s1 =	sshll.u32 s1, $0x11  }
0xbb: {  	s0 =	sor.u32 s1, s0  }
0xbc: {  	s0 =	sadd.s32 $0x8F2B, s0  }
0xbd: {  	[sflag:s0] =	ssyncadd.remote.s32 $0x1  }
0xbe: {  	_ =	sfence.sel $0xFFFF  }
0xbf: {  	[dreg:$0x0] =	wrdreg $0xFFFFFFFF;
	(pc) =	sbr.abs _section_cstart, $3  }
0xc0: {  	[dreg:$0x1] =	wrdreg $0xFFFFFFFF  }
0xc1: {  	_ =	task.clear_ibuf [dreg:s6], $0x2FFFF;
	_ =	strace $0x9FFFFFFF  }
0xc2: {  	(tm) =	ssettm $0x7FFFFFFF  }
0xc3: {  	_ =	shalt  }
tec
execute0_lowered:
.L_overlay_start_1:
0x0: {  	(tag) =	ssettag $0x1  }
0x1: {  	s0 =	rddreg [dreg:$0x0]  }
0x2: {  	s2 =	rddreg [dreg:$0x1];
	s13 =	stileid.u32  }
0x3: {  	s3 =	simm.s32 $0x0;
	s1 =	srdreg.scid;
	s4 =	smul.u32 $0xA00, s13  }
0x4: {  	s14 =	simm.s32 $0xC00;
	s31 =	simm.s32 $0x500;
	s7 =	smul.u32 $0x4E000, s13  }
0x5: {  	s15 =	simm.s32 $0xF80;
	s16 =	simm.s32 $0x0;
	s20 =	smul.u32 $0x13800, s13  }
0x6: {  	[smem:$0x7FF] =	sst s3;
	s1 =	sand.u32 $0x1, s1;
	s11 =	smul.u32 $0x2700, s13  }
0x7: {  	s5 =	sadd.s32 $0x16A00, s0;
	p0 =	seq.s32 s13, $0xF;
	s9 =	smul.u32 $0x27100, s1  }
0x8: {  	_ =	strace $0x8000004A;
	s6 =	ssub.s32 $0x2, s1;
	s1 =	smul.u32 $0x138800, s1  }
0x9: {  	s4 =	sadd.s32 s4, s0;
	s8 =	sshrl.u32 s6, $0x1;
	s0 =	sadd.s32 $0x64C00, s0  }
0xa: {  	s19 =	sshrl.u32 s7, $0x2;
	s7 =	sadd.s32 $0x124800, s2;
	s8 =	ssub.s32 s6, s8  }
0xb: {  	s18 =	sadd.s32 $0x2A00, s4;
	s10 =	sadd.s32 $0xCA00, s4;
	s9 =	sadd.s32 s5, s9  }
0xc: {  	s21 =	sshrl.u32 s1, $0x3;
	s1 =	sadd.s32 s20, s1;
	s26 =	sadd.s32 $0xCB00, s4  }
0xd: {  	s30 =	sadd.s32 $0x2B00, s4;
	s20 =	simm.s32 $0x2000;
	[dreg:$0x3] =	wrdreg s18  }
0xe: {  	s4 =	simm.s32 $0xD00;
	[dreg:$0x4] =	wrdreg s10;
	s10 =	sadd.s32 s19, s2  }
0xf: {  	s1 =	sshrl.u32 s1, $0x3;
	s12 =	sadd.s32 s0, s21;
	s6 =	sadd.s32 s5, s21  }
0x10: {  	s23 =	smax.u32 s8, $0x1;
	s24 =	sadd.s32 s11, s9;
	[dreg:$0xa] =	wrdreg s26  }
0x11: {  	s25 =	sadd.s32 $0x24900, s9;
	[dreg:$0xb] =	wrdreg s30;
	s26 =	sshrl.u32 @p0 s7, $0x3  }
0x12: {  	s19 =	simm.s32 $0x80;
	s21 =	simm.s32 $0x6000;
	s5 =	simm.s32 $0x600  }
0x13: {  	s7 =	simm.s32 $0xD80;
	s8 =	simm.s32 $0x680;
	[dreg:$0x7] =	wrdreg s23  }
0x14: {  	s9 =	simm.s32 $0xE00;
	s11 =	simm.s32 $0xE80;
	[dreg:$0x8] =	wrdreg s24  }
0x15: {  	s0 =	sadd.s32 s0, s1;
	s22 =	sadd.s32 $0x24900, s12;
	[dreg:$0x9] =	wrdreg s25  }
0x16: {  	s29 =	sshrl.u32 @!p0 s10, $0x3;
	s23 =	simm.s32 $0x1800;
	s24 =	simm.s32 $0x5  }
.Ltmp0:
0x17: {  	s25 =	simm.s32 $0x2;
	[dreg:$0xc] =	wrdreg s26;
	(pc) =	sbr.rel .LBB2_1-.Ltmp0, $4  }
0x18: {  	s1 =	simm.s32 $0x580;
	s10 =	simm.s32 $0x700;
	[dreg:$0x5] =	wrdreg s0  }
0x19: {  	s12 =	simm.s32 $0x780;
	[dreg:$0x6] =	wrdreg s22;
	s0 =	sshll.u32 @!p0 s13, $0x6  }
0x1a: {  	s22 =	simm.s32 $0x1;
	[dreg:$0xe] =	wrdreg s29;
	s28 =	sor.u32 @!p0 $0x1C05, s0  }
0x1b: {  	s13 =	simm.s32 $0xF00;
	s0 =	simm.s32 $0xC80;
	[dreg:$0xd] =	wrdreg s28  }
.LBB2_7:
0x1c: {  	[bflag:$0x0] =	sbarrier.arrive $0xFFFF  }
0x1d: {  	s18 =	rddreg [dreg:$0x6]  }
0x1e: {  	s17 =	simm.s32 @p0 $0x1FC5;
	s26 =	rddreg [dreg:$0xc]  }
0x1f: {  	[hbm:s18], [sflag:s17] =	dma.local @p0 [spmem:s26], $0x2800  }
0x20: {  	s17 =	simm.s32 @p0 $0x5  }
0x21: {  	_ =	swait.ge @p0 [sflag:s17], $0x2800  }
0x22: {  	s28 =	rddreg [dreg:$0xd]  }
0x23: {  	[sflag:s17] =	ssyncset.done @p0 $0x0;
	s29 =	rddreg [dreg:$0xe]  }
0x24: {  	[sflag:s17] =	ssyncadd.s32 @p0 $0xFFFFD800;
	s17 =	rddreg [dreg:$0x5]  }
0x25: {  	[hbm:s17], [sflag:s28] =	dma.local @!p0 [spmem:s29], $0x2700  }
0x26: {  	s17 =	simm.s32 @!p0 $0x5  }
0x27: {  	_ =	swait.ge @!p0 [sflag:s17], $0x2700  }
0x28: {  	s16 =	sadd.s32 $0x1, s16;
	s30 =	rddreg [dreg:$0x7]  }
0x29: {  	p1 =	sne.s32 s16, s30  }
.Ltmp1:
0x2a: {  	_ = 	snop;
	(pc) =	sbr.rel @!p1 .LBB2_8-.Ltmp1, $3  }
0x2b: {  	_ =	sdelay $0x1  }
0x2c: {  	[sflag:s17] =	ssyncset.done @!p0 $0x0  }
0x2d: {  	[sflag:s17] =	ssyncadd.s32 @!p0 $0xFFFFD900  }
.LBB2_1:
0x2e: {  	s17 =	rddreg [dreg:$0x3]  }
0x2f: {  	[tilespmem:s3], [sflag:$0x3] =	stream.linear.gather [hbm4b:s17+s3], $0x800, $0x38;
	[tilespmem:$0x1DC80] =	vst v63  }
0x30: {  	s30 =	rddreg [dreg:$0x4];
	s18 =	simm.s32 $0x800  }
0x31: {  	[tilespmem:s18], [sflag:$0x3] =	stream.linear.gather [hbm4b:s30+s3], $0x800, $0x38;
	[tilespmem:$0x1DC80] =	vst v63  }
0x32: {  	s17 =	simm.s32 @p0 $0x1FC5;
	s18 =	rddreg [dreg:$0x9]  }
0x33: {  	[spmem:s26], [sflag:s17] =	dma.local @p0 [hbm:s18], $0x2800  }
0x34: {  	s17 =	simm.s32 @p0 $0x5  }
0x35: {  	_ =	swait.ge @p0 [sflag:s17], $0x2800  }
0x36: {  	[sflag:s17] =	ssyncset.done @p0 $0x0  }
0x37: {  	[sflag:s17] =	ssyncadd.s32 @p0 $0xFFFFD800;
	s17 =	rddreg [dreg:$0x8]  }
0x38: {  	[spmem:s29], [sflag:s28] =	dma.local @!p0 [hbm:s17], $0x2700  }
0x39: {  	s17 =	simm.s32 @!p0 $0x5  }
0x3a: {  	_ =	swait.ge @!p0 [sflag:s17], $0x2700  }
0x3b: {  	[sflag:s17] =	ssyncset.done @!p0 $0x0  }
0x3c: {  	s30 =	simm.s32 $0x3;
	[sflag:s17] =	ssyncadd.s32 @!p0 $0xFFFFD900  }
0x3d: {  	_ =	swait.ge [sflag:s30], $0x800  }
0x3e: {  	[sflag:s30] =	ssyncset.done $0x0  }
0x3f: {  	[sflag:s30] =	ssyncadd.s32 $0xFFFFF800  }
0x40: {  	_ =	swait.ge [sflag:s30], $0x800  }
0x41: {  	[sflag:s30] =	ssyncset.done $0x0  }
0x42: {  	[sflag:s30] =	ssyncadd.s32 $0xFFFFF800  }
0x43: {  	[tilespmem:s20], [sflag:$0x1] =	stream.indirect.gather [hbm4b:s6+s19], $0x80, s3, s19, $0xb8;
	[tilespmem:$0x1DC80] =	vst v63  }
.Ltmp2:
0x44: {  	_ = 	snop;
	(pc) =	sbr.rel .LBB2_2-.Ltmp2, $4  }
0x45: {  	[tilespmem:s21], [sflag:$0x2] =	stream.indirect.gather [hbm4b:s6+s19], $0x80, s19, s19, $0xb8;
	[tilespmem:$0x1DC80] =	vst v63  }
0x46: {  	[bflag:$0x0] =	sbarrier.arrive $0xFFFF  }
0x47: {  	s17 =	rddreg [dreg:$0xb]  }
0x48: {  	s26 =	simm.s32 $0x0;
	s18 =	rddreg [dreg:$0xa]  }
.LBB2_3:
0x49: {  	s28 =	simm.s32 $0x1000  }
0x4a: {  	[tilespmem:s28], [sflag:$0x4] =	stream.linear.gather [hbm4b:s17+s3], $0x800, $0x38;
	[tilespmem:$0x1DC80] =	vst v63  }
0x4b: {  	_ = 	snop  }
0x4c: {  	[tilespmem:s23], [sflag:$0x4] =	stream.linear.gather [hbm4b:s18+s3], $0x800, $0x38;
	[tilespmem:$0x1DC80] =	vst v63  }
0x4d: {  	_ =	swait.ge [sflag:s22], $0x4000  }
0x4e: {  	[sflag:s22] =	ssyncset.done $0x0  }
0x4f: {  	s29 =	simm.s32 $0x800;
	[sflag:s22] =	ssyncadd.s32 $0xFFFFC000  }
0x50: {  	[spmem:s2] =	stream.indirect.scatter.add.f32 [tilespmem:s20], [sflag:$0x5], $0x80, s29, s19, $0xb8;
	[tilespmem:$0x1DC80] =	vst v63  }
0x51: {  	_ =	swait.ge [sflag:s24], $0x4000  }
0x52: {  	[sflag:s24] =	ssyncset.done $0x0  }
0x53: {  	[sflag:s24] =	ssyncadd.s32 $0xFFFFC000  }
0x54: {  	_ =	swait.ge [sflag:s25], $0x4000  }
0x55: {  	[sflag:s25] =	ssyncset.done $0x0  }
0x56: {  	s29 =	simm.s32 $0x100;
	[sflag:s25] =	ssyncadd.s32 $0xFFFFC000  }
0x57: {  	[tilespmem:s20], [sflag:$0x1] =	stream.indirect.gather [hbm4b:s6+s19], $0x80, s29, s19, $0xb8;
	[tilespmem:$0x1DC80] =	vst v63  }
0x58: {  	s29 =	simm.s32 $0x880  }
0x59: {  	[spmem:s2] =	stream.indirect.scatter.add.f32 [tilespmem:s21], [sflag:$0x5], $0x80, s29, s19, $0xb8;
	[tilespmem:$0x1DC80] =	vst v63  }
0x5a: {  	_ =	swait.ge [sflag:s24], $0x4000  }
0x5b: {  	[sflag:s24] =	ssyncset.done $0x0  }
0x5c: {  	s29 =	simm.s32 $0x180;
	[sflag:s24] =	ssyncadd.s32 $0xFFFFC000  }
0x5d: {  	[tilespmem:s21], [sflag:$0x2] =	stream.indirect.gather [hbm4b:s6+s19], $0x80, s29, s19, $0xb8;
	[tilespmem:$0x1DC80] =	vst v63  }
0x5e: {  	_ =	swait.ge [sflag:s22], $0x4000  }
0x5f: {  	[sflag:s22] =	ssyncset.done $0x0  }
0x60: {  	s29 =	simm.s32 $0x900;
	[sflag:s22] =	ssyncadd.s32 $0xFFFFC000  }
0x61: {  	[spmem:s2] =	stream.indirect.scatter.add.f32 [tilespmem:s20], [sflag:$0x5], $0x80, s29, s19, $0xb8;
	[tilespmem:$0x1DC80] =	vst v63  }
0x62: {  	_ =	swait.ge [sflag:s24], $0x4000  }
0x63: {  	[sflag:s24] =	ssyncset.done $0x0  }
0x64: {  	[sflag:s24] =	ssyncadd.s32 $0xFFFFC000  }
0x65: {  	_ =	swait.ge [sflag:s25], $0x4000  }
0x66: {  	[sflag:s25] =	ssyncset.done $0x0  }
0x67: {  	s29 =	simm.s32 $0x200;
	[sflag:s25] =	ssyncadd.s32 $0xFFFFC000  }
0x68: {  	[tilespmem:s20], [sflag:$0x1] =	stream.indirect.gather [hbm4b:s6+s19], $0x80, s29, s19, $0xb8;
	[tilespmem:$0x1DC80] =	vst v63  }
0x69: {  	s29 =	simm.s32 $0x980  }
0x6a: {  	[spmem:s2] =	stream.indirect.scatter.add.f32 [tilespmem:s21], [sflag:$0x5], $0x80, s29, s19, $0xb8;
	[tilespmem:$0x1DC80] =	vst v63  }
0x6b: {  	_ =	swait.ge [sflag:s24], $0x4000  }
0x6c: {  	[sflag:s24] =	ssyncset.done $0x0  }
0x6d: {  	s29 =	simm.s32 $0x280;
	[sflag:s24] =	ssyncadd.s32 $0xFFFFC000  }
0x6e: {  	[tilespmem:s21], [sflag:$0x2] =	stream.indirect.gather [hbm4b:s6+s19], $0x80, s29, s19, $0xb8;
	[tilespmem:$0x1DC80] =	vst v63  }
0x6f: {  	_ =	swait.ge [sflag:s22], $0x4000  }
0x70: {  	[sflag:s22] =	ssyncset.done $0x0  }
0x71: {  	s29 =	simm.s32 $0xA00;
	[sflag:s22] =	ssyncadd.s32 $0xFFFFC000  }
0x72: {  	[spmem:s2] =	stream.indirect.scatter.add.f32 [tilespmem:s20], [sflag:$0x5], $0x80, s29, s19, $0xb8;
	[tilespmem:$0x1DC80] =	vst v63  }
0x73: {  	_ =	swait.ge [sflag:s24], $0x4000  }
0x74: {  	[sflag:s24] =	ssyncset.done $0x0  }
0x75: {  	[sflag:s24] =	ssyncadd.s32 $0xFFFFC000  }
0x76: {  	_ =	swait.ge [sflag:s25], $0x4000  }
0x77: {  	[sflag:s25] =	ssyncset.done $0x0  }
0x78: {  	s29 =	simm.s32 $0x300;
	[sflag:s25] =	ssyncadd.s32 $0xFFFFC000  }
0x79: {  	[tilespmem:s20], [sflag:$0x1] =	stream.indirect.gather [hbm4b:s6+s19], $0x80, s29, s19, $0xb8;
	[tilespmem:$0x1DC80] =	vst v63  }
0x7a: {  	s29 =	simm.s32 $0xA80  }
0x7b: {  	[spmem:s2] =	stream.indirect.scatter.add.f32 [tilespmem:s21], [sflag:$0x5], $0x80, s29, s19, $0xb8;
	[tilespmem:$0x1DC80] =	vst v63  }
0x7c: {  	_ =	swait.ge [sflag:s24], $0x4000  }
0x7d: {  	[sflag:s24] =	ssyncset.done $0x0  }
0x7e: {  	s29 =	simm.s32 $0x380;
	[sflag:s24] =	ssyncadd.s32 $0xFFFFC000  }
0x7f: {  	[tilespmem:s21], [sflag:$0x2] =	stream.indirect.gather [hbm4b:s6+s19], $0x80, s29, s19, $0xb8;
	[tilespmem:$0x1DC80] =	vst v63  }
0x80: {  	_ =	swait.ge [sflag:s22], $0x4000  }
0x81: {  	[sflag:s22] =	ssyncset.done $0x0  }
0x82: {  	s29 =	simm.s32 $0xB00;
	[sflag:s22] =	ssyncadd.s32 $0xFFFFC000  }
0x83: {  	[spmem:s2] =	stream.indirect.scatter.add.f32 [tilespmem:s20], [sflag:$0x5], $0x80, s29, s19, $0xb8;
	[tilespmem:$0x1DC80] =	vst v63  }
0x84: {  	_ =	swait.ge [sflag:s24], $0x4000  }
0x85: {  	[sflag:s24] =	ssyncset.done $0x0  }
0x86: {  	[sflag:s24] =	ssyncadd.s32 $0xFFFFC000  }
0x87: {  	_ =	swait.ge [sflag:s25], $0x4000  }
0x88: {  	[sflag:s25] =	ssyncset.done $0x0  }
0x89: {  	s29 =	simm.s32 $0x400;
	[sflag:s25] =	ssyncadd.s32 $0xFFFFC000  }
0x8a: {  	[tilespmem:s20], [sflag:$0x1] =	stream.indirect.gather [hbm4b:s6+s19], $0x80, s29, s19, $0xb8;
	[tilespmem:$0x1DC80] =	vst v63  }
0x8b: {  	s29 =	simm.s32 $0xB80  }
0x8c: {  	[spmem:s2] =	stream.indirect.scatter.add.f32 [tilespmem:s21], [sflag:$0x5], $0x80, s29, s19, $0xb8;
	[tilespmem:$0x1DC80] =	vst v63  }
0x8d: {  	_ =	swait.ge [sflag:s24], $0x4000  }
0x8e: {  	[sflag:s24] =	ssyncset.done $0x0  }
0x8f: {  	s29 =	simm.s32 $0x480;
	[sflag:s24] =	ssyncadd.s32 $0xFFFFC000  }
0x90: {  	[tilespmem:s21], [sflag:$0x2] =	stream.indirect.gather [hbm4b:s6+s19], $0x80, s29, s19, $0xb8;
	[tilespmem:$0x1DC80] =	vst v63  }
0x91: {  	_ =	swait.ge [sflag:s22], $0x4000  }
0x92: {  	[sflag:s22] =	ssyncset.done $0x0  }
0x93: {  	[sflag:s22] =	ssyncadd.s32 $0xFFFFC000  }
0x94: {  	[spmem:s2] =	stream.indirect.scatter.add.f32 [tilespmem:s20], [sflag:$0x5], $0x80, s14, s19, $0xb8;
	[tilespmem:$0x1DC80] =	vst v63  }
0x95: {  	_ =	swait.ge [sflag:s24], $0x4000  }
0x96: {  	[sflag:s24] =	ssyncset.done $0x0  }
0x97: {  	[sflag:s24] =	ssyncadd.s32 $0xFFFFC000  }
0x98: {  	_ =	swait.ge [sflag:s25], $0x4000  }
0x99: {  	[sflag:s25] =	ssyncset.done $0x0  }
0x9a: {  	[sflag:s25] =	ssyncadd.s32 $0xFFFFC000  }
0x9b: {  	[tilespmem:s20], [sflag:$0x1] =	stream.indirect.gather [hbm4b:s6+s19], $0x80, s31, s19, $0xb8;
	[tilespmem:$0x1DC80] =	vst v63  }
0x9c: {  	_ = 	snop  }
0x9d: {  	[spmem:s2] =	stream.indirect.scatter.add.f32 [tilespmem:s21], [sflag:$0x5], $0x80, s0, s19, $0xb8;
	[tilespmem:$0x1DC80] =	vst v63  }
0x9e: {  	_ =	swait.ge [sflag:s24], $0x4000  }
0x9f: {  	[sflag:s24] =	ssyncset.done $0x0  }
0xa0: {  	[sflag:s24] =	ssyncadd.s32 $0xFFFFC000  }
0xa1: {  	[tilespmem:s21], [sflag:$0x2] =	stream.indirect.gather [hbm4b:s6+s19], $0x80, s1, s19, $0xb8;
	[tilespmem:$0x1DC80] =	vst v63  }
0xa2: {  	_ =	swait.ge [sflag:s22], $0x4000  }
0xa3: {  	[sflag:s22] =	ssyncset.done $0x0  }
0xa4: {  	[sflag:s22] =	ssyncadd.s32 $0xFFFFC000  }
0xa5: {  	[spmem:s2] =	stream.indirect.scatter.add.f32 [tilespmem:s20], [sflag:$0x5], $0x80, s4, s19, $0xb8;
	[tilespmem:$0x1DC80] =	vst v63  }
0xa6: {  	_ =	swait.ge [sflag:s24], $0x4000  }
0xa7: {  	[sflag:s24] =	ssyncset.done $0x0  }
0xa8: {  	[sflag:s24] =	ssyncadd.s32 $0xFFFFC000  }
0xa9: {  	_ =	swait.ge [sflag:s25], $0x4000  }
0xaa: {  	[sflag:s25] =	ssyncset.done $0x0  }
0xab: {  	[sflag:s25] =	ssyncadd.s32 $0xFFFFC000  }
0xac: {  	[tilespmem:s20], [sflag:$0x1] =	stream.indirect.gather [hbm4b:s6+s19], $0x80, s5, s19, $0xb8;
	[tilespmem:$0x1DC80] =	vst v63  }
0xad: {  	_ = 	snop  }
0xae: {  	[spmem:s2] =	stream.indirect.scatter.add.f32 [tilespmem:s21], [sflag:$0x5], $0x80, s7, s19, $0xb8;
	[tilespmem:$0x1DC80] =	vst v63  }
0xaf: {  	_ =	swait.ge [sflag:s24], $0x4000  }
0xb0: {  	[sflag:s24] =	ssyncset.done $0x0  }
0xb1: {  	[sflag:s24] =	ssyncadd.s32 $0xFFFFC000  }
0xb2: {  	[tilespmem:s21], [sflag:$0x2] =	stream.indirect.gather [hbm4b:s6+s19], $0x80, s8, s19, $0xb8;
	[tilespmem:$0x1DC80] =	vst v63  }
0xb3: {  	_ =	swait.ge [sflag:s22], $0x4000  }
0xb4: {  	[sflag:s22] =	ssyncset.done $0x0  }
0xb5: {  	[sflag:s22] =	ssyncadd.s32 $0xFFFFC000  }
0xb6: {  	[spmem:s2] =	stream.indirect.scatter.add.f32 [tilespmem:s20], [sflag:$0x5], $0x80, s9, s19, $0xb8;
	[tilespmem:$0x1DC80] =	vst v63  }
0xb7: {  	_ =	swait.ge [sflag:s24], $0x4000  }
0xb8: {  	[sflag:s24] =	ssyncset.done $0x0  }
0xb9: {  	[sflag:s24] =	ssyncadd.s32 $0xFFFFC000  }
0xba: {  	_ =	swait.ge [sflag:s25], $0x4000  }
0xbb: {  	[sflag:s25] =	ssyncset.done $0x0  }
0xbc: {  	[sflag:s25] =	ssyncadd.s32 $0xFFFFC000  }
0xbd: {  	[tilespmem:s20], [sflag:$0x1] =	stream.indirect.gather [hbm4b:s6+s19], $0x80, s10, s19, $0xb8;
	[tilespmem:$0x1DC80] =	vst v63  }
0xbe: {  	_ = 	snop  }
0xbf: {  	[spmem:s2] =	stream.indirect.scatter.add.f32 [tilespmem:s21], [sflag:$0x5], $0x80, s11, s19, $0xb8;
	[tilespmem:$0x1DC80] =	vst v63  }
0xc0: {  	_ =	swait.ge [sflag:s24], $0x4000  }
0xc1: {  	[sflag:s24] =	ssyncset.done $0x0  }
0xc2: {  	[sflag:s24] =	ssyncadd.s32 $0xFFFFC000  }
0xc3: {  	[tilespmem:s21], [sflag:$0x2] =	stream.indirect.gather [hbm4b:s6+s19], $0x80, s12, s19, $0xb8;
	[tilespmem:$0x1DC80] =	vst v63  }
0xc4: {  	_ =	swait.ge [sflag:s22], $0x4000  }
0xc5: {  	[sflag:s22] =	ssyncset.done $0x0  }
0xc6: {  	[sflag:s22] =	ssyncadd.s32 $0xFFFFC000  }
0xc7: {  	[spmem:s2] =	stream.indirect.scatter.add.f32 [tilespmem:s20], [sflag:$0x5], $0x80, s13, s19, $0xb8;
	[tilespmem:$0x1DC80] =	vst v63  }
0xc8: {  	_ =	swait.ge [sflag:s24], $0x4000  }
0xc9: {  	[sflag:s24] =	ssyncset.done $0x0  }
0xca: {  	[sflag:s24] =	ssyncadd.s32 $0xFFFFC000  }
0xcb: {  	_ =	swait.ge [sflag:s25], $0x4000  }
0xcc: {  	[sflag:s25] =	ssyncset.done $0x0  }
0xcd: {  	[sflag:s25] =	ssyncadd.s32 $0xFFFFC000  }
0xce: {  	[spmem:s2] =	stream.indirect.scatter.add.f32 [tilespmem:s21], [sflag:$0x5], $0x80, s15, s19, $0xb8;
	[tilespmem:$0x1DC80] =	vst v63  }
0xcf: {  	_ =	swait.ge [sflag:s24], $0x4000  }
0xd0: {  	[sflag:s24] =	ssyncset.done $0x0  }
0xd1: {  	s30 =	simm.s32 $0x4;
	s29 =	simm.s32 $0x1080;
	[sflag:s24] =	ssyncadd.s32 $0xFFFFC000  }
.LBB2_6:
0xd2: {  	_ =	swait.ge [sflag:s30], $0x800  }
0xd3: {  	[sflag:s30] =	ssyncset.done $0x0  }
0xd4: {  	s26 =	sadd.s32 $0x1, s26;
	[sflag:s30] =	ssyncadd.s32 $0xFFFFF800  }
0xd5: {  	p1 =	sne.s32 s26, $0xA;
	_ =	swait.ge [sflag:s30], $0x800  }
.Ltmp3:
0xd6: {  	[sflag:s30] =	ssyncset.done $0x0;
	(pc) =	sbr.rel @!p1 .LBB2_7-.Ltmp3, $4  }
0xd7: {  	[sflag:s30] =	ssyncadd.s32 $0xFFFFF800  }
0xd8: {  	[tilespmem:s20], [sflag:$0x1] =	stream.indirect.gather [hbm4b:s6+s19], $0x80, s28, s19, $0xb8;
	[tilespmem:$0x1DC80] =	vst v63  }
0xd9: {  	s18 =	sadd.s32 $0x100, s18;
	s17 =	sadd.s32 $0x100, s17  }
0xda: {  	[tilespmem:s21], [sflag:$0x2] =	stream.indirect.gather [hbm4b:s6+s19], $0x80, s29, s19, $0xb8;
	[tilespmem:$0x1DC80] =	vst v63  }
.LBB2_2:
0xdb: {  	s28 =	sand.u32 $0x1, s26  }
0xdc: {  	p1 =	seq.s32 s28, $0x1  }
.Ltmp4:
0xdd: {  	_ = 	snop;
	(pc) =	sbr.rel @!p1 .LBB2_3-.Ltmp4, $1  }
0xde: {  	_ =	sdelay $0x3  }
0xdf: {  	p1 =	seq.s32 s26, $0x9  }
0xe0: {  	s28 =	simm.s32 @!p1 $0x0  }
0xe1: {  	[tilespmem:s28], [sflag:$0x3] =	stream.linear.gather @!p1 [hbm4b:s17+s28], $0x800, $0x38;
	[tilespmem:$0x1DC80] =	vst v63  }
0xe2: {  	s29 =	simm.s32 @!p1 $0x800  }
0xe3: {  	[tilespmem:s29], [sflag:$0x3] =	stream.linear.gather @!p1 [hbm4b:s18+s28], $0x800, $0x38;
	[tilespmem:$0x1DC80] =	vst v63  }
0xe4: {  	_ =	swait.ge [sflag:s22], $0x4000  }
0xe5: {  	[sflag:s22] =	ssyncset.done $0x0  }
0xe6: {  	s29 =	simm.s32 $0x80;
	[sflag:s22] =	ssyncadd.s32 $0xFFFFC000  }
0xe7: {  	[spmem:s2] =	stream.indirect.scatter.add.f32 [tilespmem:s20], [sflag:$0x5], $0x80, s23, s29, $0xb8;
	[tilespmem:$0x1DC80] =	vst v63  }
0xe8: {  	_ =	swait.ge [sflag:s24], $0x4000  }
0xe9: {  	[sflag:s24] =	ssyncset.done $0x0  }
0xea: {  	[sflag:s24] =	ssyncadd.s32 $0xFFFFC000  }
0xeb: {  	_ =	swait.ge [sflag:s25], $0x4000  }
0xec: {  	[sflag:s25] =	ssyncset.done $0x0  }
0xed: {  	s30 =	simm.s32 $0x1100;
	[sflag:s25] =	ssyncadd.s32 $0xFFFFC000  }
0xee: {  	[tilespmem:s20], [sflag:$0x1] =	stream.indirect.gather [hbm4b:s6+s29], $0x80, s30, s29, $0xb8;
	[tilespmem:$0x1DC80] =	vst v63  }
0xef: {  	s30 =	simm.s32 $0x1880  }
0xf0: {  	[spmem:s2] =	stream.indirect.scatter.add.f32 [tilespmem:s21], [sflag:$0x5], $0x80, s30, s29, $0xb8;
	[tilespmem:$0x1DC80] =	vst v63  }
0xf1: {  	_ =	swait.ge [sflag:s24], $0x4000  }
0xf2: {  	[sflag:s24] =	ssyncset.done $0x0  }
0xf3: {  	s30 =	simm.s32 $0x1180;
	[sflag:s24] =	ssyncadd.s32 $0xFFFFC000  }
0xf4: {  	[tilespmem:s21], [sflag:$0x2] =	stream.indirect.gather [hbm4b:s6+s29], $0x80, s30, s29, $0xb8;
	[tilespmem:$0x1DC80] =	vst v63  }
0xf5: {  	_ =	swait.ge [sflag:s22], $0x4000  }
0xf6: {  	[sflag:s22] =	ssyncset.done $0x0  }
0xf7: {  	s30 =	simm.s32 $0x1900;
	[sflag:s22] =	ssyncadd.s32 $0xFFFFC000  }
0xf8: {  	[spmem:s2] =	stream.indirect.scatter.add.f32 [tilespmem:s20], [sflag:$0x5], $0x80, s30, s29, $0xb8;
	[tilespmem:$0x1DC80] =	vst v63  }
0xf9: {  	_ =	swait.ge [sflag:s24], $0x4000  }
0xfa: {  	[sflag:s24] =	ssyncset.done $0x0  }
0xfb: {  	[sflag:s24] =	ssyncadd.s32 $0xFFFFC000  }
0xfc: {  	_ =	swait.ge [sflag:s25], $0x4000  }
0xfd: {  	[sflag:s25] =	ssyncset.done $0x0  }
0xfe: {  	s30 =	simm.s32 $0x1200;
	[sflag:s25] =	ssyncadd.s32 $0xFFFFC000  }
0xff: {  	[tilespmem:s20], [sflag:$0x1] =	stream.indirect.gather [hbm4b:s6+s29], $0x80, s30, s29, $0xb8;
	[tilespmem:$0x1DC80] =	vst v63  }
0x100: {  	s30 =	simm.s32 $0x1980  }
0x101: {  	[spmem:s2] =	stream.indirect.scatter.add.f32 [tilespmem:s21], [sflag:$0x5], $0x80, s30, s29, $0xb8;
	[tilespmem:$0x1DC80] =	vst v63  }
0x102: {  	_ =	swait.ge [sflag:s24], $0x4000  }
0x103: {  	[sflag:s24] =	ssyncset.done $0x0  }
0x104: {  	s30 =	simm.s32 $0x1280;
	[sflag:s24] =	ssyncadd.s32 $0xFFFFC000  }
0x105: {  	[tilespmem:s21], [sflag:$0x2] =	stream.indirect.gather [hbm4b:s6+s29], $0x80, s30, s29, $0xb8;
	[tilespmem:$0x1DC80] =	vst v63  }
0x106: {  	_ =	swait.ge [sflag:s22], $0x4000  }
0x107: {  	[sflag:s22] =	ssyncset.done $0x0  }
0x108: {  	s30 =	simm.s32 $0x1A00;
	[sflag:s22] =	ssyncadd.s32 $0xFFFFC000  }
0x109: {  	[spmem:s2] =	stream.indirect.scatter.add.f32 [tilespmem:s20], [sflag:$0x5], $0x80, s30, s29, $0xb8;
	[tilespmem:$0x1DC80] =	vst v63  }
0x10a: {  	_ =	swait.ge [sflag:s24], $0x4000  }
0x10b: {  	[sflag:s24] =	ssyncset.done $0x0  }
0x10c: {  	[sflag:s24] =	ssyncadd.s32 $0xFFFFC000  }
0x10d: {  	_ =	swait.ge [sflag:s25], $0x4000  }
0x10e: {  	[sflag:s25] =	ssyncset.done $0x0  }
0x10f: {  	s30 =	simm.s32 $0x1300;
	[sflag:s25] =	ssyncadd.s32 $0xFFFFC000  }
0x110: {  	[tilespmem:s20], [sflag:$0x1] =	stream.indirect.gather [hbm4b:s6+s29], $0x80, s30, s29, $0xb8;
	[tilespmem:$0x1DC80] =	vst v63  }
0x111: {  	s30 =	simm.s32 $0x1A80  }
0x112: {  	[spmem:s2] =	stream.indirect.scatter.add.f32 [tilespmem:s21], [sflag:$0x5], $0x80, s30, s29, $0xb8;
	[tilespmem:$0x1DC80] =	vst v63  }
0x113: {  	_ =	swait.ge [sflag:s24], $0x4000  }
0x114: {  	[sflag:s24] =	ssyncset.done $0x0  }
0x115: {  	s30 =	simm.s32 $0x1380;
	[sflag:s24] =	ssyncadd.s32 $0xFFFFC000  }
0x116: {  	[tilespmem:s21], [sflag:$0x2] =	stream.indirect.gather [hbm4b:s6+s29], $0x80, s30, s29, $0xb8;
	[tilespmem:$0x1DC80] =	vst v63  }
0x117: {  	_ =	swait.ge [sflag:s22], $0x4000  }
0x118: {  	[sflag:s22] =	ssyncset.done $0x0  }
0x119: {  	s30 =	simm.s32 $0x1B00;
	[sflag:s22] =	ssyncadd.s32 $0xFFFFC000  }
0x11a: {  	[spmem:s2] =	stream.indirect.scatter.add.f32 [tilespmem:s20], [sflag:$0x5], $0x80, s30, s29, $0xb8;
	[tilespmem:$0x1DC80] =	vst v63  }
0x11b: {  	_ =	swait.ge [sflag:s24], $0x4000  }
0x11c: {  	[sflag:s24] =	ssyncset.done $0x0  }
0x11d: {  	[sflag:s24] =	ssyncadd.s32 $0xFFFFC000  }
0x11e: {  	_ =	swait.ge [sflag:s25], $0x4000  }
0x11f: {  	[sflag:s25] =	ssyncset.done $0x0  }
0x120: {  	s30 =	simm.s32 $0x1400;
	[sflag:s25] =	ssyncadd.s32 $0xFFFFC000  }
0x121: {  	[tilespmem:s20], [sflag:$0x1] =	stream.indirect.gather [hbm4b:s6+s29], $0x80, s30, s29, $0xb8;
	[tilespmem:$0x1DC80] =	vst v63  }
0x122: {  	s30 =	simm.s32 $0x1B80  }
0x123: {  	[spmem:s2] =	stream.indirect.scatter.add.f32 [tilespmem:s21], [sflag:$0x5], $0x80, s30, s29, $0xb8;
	[tilespmem:$0x1DC80] =	vst v63  }
0x124: {  	_ =	swait.ge [sflag:s24], $0x4000  }
0x125: {  	[sflag:s24] =	ssyncset.done $0x0  }
0x126: {  	s30 =	simm.s32 $0x1480;
	[sflag:s24] =	ssyncadd.s32 $0xFFFFC000  }
0x127: {  	[tilespmem:s21], [sflag:$0x2] =	stream.indirect.gather [hbm4b:s6+s29], $0x80, s30, s29, $0xb8;
	[tilespmem:$0x1DC80] =	vst v63  }
0x128: {  	_ =	swait.ge [sflag:s22], $0x4000  }
0x129: {  	[sflag:s22] =	ssyncset.done $0x0  }
0x12a: {  	s30 =	simm.s32 $0x1C00;
	[sflag:s22] =	ssyncadd.s32 $0xFFFFC000  }
0x12b: {  	[spmem:s2] =	stream.indirect.scatter.add.f32 [tilespmem:s20], [sflag:$0x5], $0x80, s30, s29, $0xb8;
	[tilespmem:$0x1DC80] =	vst v63  }
0x12c: {  	_ =	swait.ge [sflag:s24], $0x4000  }
0x12d: {  	[sflag:s24] =	ssyncset.done $0x0  }
0x12e: {  	[sflag:s24] =	ssyncadd.s32 $0xFFFFC000  }
0x12f: {  	_ =	swait.ge [sflag:s25], $0x4000  }
0x130: {  	[sflag:s25] =	ssyncset.done $0x0  }
0x131: {  	s30 =	simm.s32 $0x1500;
	[sflag:s25] =	ssyncadd.s32 $0xFFFFC000  }
0x132: {  	[tilespmem:s20], [sflag:$0x1] =	stream.indirect.gather [hbm4b:s6+s29], $0x80, s30, s29, $0xb8;
	[tilespmem:$0x1DC80] =	vst v63  }
0x133: {  	s30 =	simm.s32 $0x1C80  }
0x134: {  	[spmem:s2] =	stream.indirect.scatter.add.f32 [tilespmem:s21], [sflag:$0x5], $0x80, s30, s29, $0xb8;
	[tilespmem:$0x1DC80] =	vst v63  }
0x135: {  	_ =	swait.ge [sflag:s24], $0x4000  }
0x136: {  	[sflag:s24] =	ssyncset.done $0x0  }
0x137: {  	s30 =	simm.s32 $0x1580;
	[sflag:s24] =	ssyncadd.s32 $0xFFFFC000  }
0x138: {  	[tilespmem:s21], [sflag:$0x2] =	stream.indirect.gather [hbm4b:s6+s29], $0x80, s30, s29, $0xb8;
	[tilespmem:$0x1DC80] =	vst v63  }
0x139: {  	_ =	swait.ge [sflag:s22], $0x4000  }
0x13a: {  	[sflag:s22] =	ssyncset.done $0x0  }
0x13b: {  	s30 =	simm.s32 $0x1D00;
	[sflag:s22] =	ssyncadd.s32 $0xFFFFC000  }
0x13c: {  	[spmem:s2] =	stream.indirect.scatter.add.f32 [tilespmem:s20], [sflag:$0x5], $0x80, s30, s29, $0xb8;
	[tilespmem:$0x1DC80] =	vst v63  }
0x13d: {  	_ =	swait.ge [sflag:s24], $0x4000  }
0x13e: {  	[sflag:s24] =	ssyncset.done $0x0  }
0x13f: {  	[sflag:s24] =	ssyncadd.s32 $0xFFFFC000  }
0x140: {  	_ =	swait.ge [sflag:s25], $0x4000  }
0x141: {  	[sflag:s25] =	ssyncset.done $0x0  }
0x142: {  	s30 =	simm.s32 $0x1600;
	[sflag:s25] =	ssyncadd.s32 $0xFFFFC000  }
0x143: {  	[tilespmem:s20], [sflag:$0x1] =	stream.indirect.gather [hbm4b:s6+s29], $0x80, s30, s29, $0xb8;
	[tilespmem:$0x1DC80] =	vst v63  }
0x144: {  	s30 =	simm.s32 $0x1D80  }
0x145: {  	[spmem:s2] =	stream.indirect.scatter.add.f32 [tilespmem:s21], [sflag:$0x5], $0x80, s30, s29, $0xb8;
	[tilespmem:$0x1DC80] =	vst v63  }
0x146: {  	_ =	swait.ge [sflag:s24], $0x4000  }
0x147: {  	[sflag:s24] =	ssyncset.done $0x0  }
0x148: {  	s30 =	simm.s32 $0x1680;
	[sflag:s24] =	ssyncadd.s32 $0xFFFFC000  }
0x149: {  	[tilespmem:s21], [sflag:$0x2] =	stream.indirect.gather [hbm4b:s6+s29], $0x80, s30, s29, $0xb8;
	[tilespmem:$0x1DC80] =	vst v63  }
0x14a: {  	_ =	swait.ge [sflag:s22], $0x4000  }
0x14b: {  	[sflag:s22] =	ssyncset.done $0x0  }
0x14c: {  	s30 =	simm.s32 $0x1E00;
	[sflag:s22] =	ssyncadd.s32 $0xFFFFC000  }
0x14d: {  	[spmem:s2] =	stream.indirect.scatter.add.f32 [tilespmem:s20], [sflag:$0x5], $0x80, s30, s29, $0xb8;
	[tilespmem:$0x1DC80] =	vst v63  }
0x14e: {  	_ =	swait.ge [sflag:s24], $0x4000  }
0x14f: {  	[sflag:s24] =	ssyncset.done $0x0  }
0x150: {  	[sflag:s24] =	ssyncadd.s32 $0xFFFFC000  }
0x151: {  	_ =	swait.ge [sflag:s25], $0x4000  }
0x152: {  	[sflag:s25] =	ssyncset.done $0x0  }
0x153: {  	s30 =	simm.s32 $0x1700;
	[sflag:s25] =	ssyncadd.s32 $0xFFFFC000  }
0x154: {  	[tilespmem:s20], [sflag:$0x1] =	stream.indirect.gather [hbm4b:s6+s29], $0x80, s30, s29, $0xb8;
	[tilespmem:$0x1DC80] =	vst v63  }
0x155: {  	s30 =	simm.s32 $0x1E80  }
0x156: {  	[spmem:s2] =	stream.indirect.scatter.add.f32 [tilespmem:s21], [sflag:$0x5], $0x80, s30, s29, $0xb8;
	[tilespmem:$0x1DC80] =	vst v63  }
0x157: {  	_ =	swait.ge [sflag:s24], $0x4000  }
0x158: {  	[sflag:s24] =	ssyncset.done $0x0  }
0x159: {  	s30 =	simm.s32 $0x1780;
	[sflag:s24] =	ssyncadd.s32 $0xFFFFC000  }
0x15a: {  	[tilespmem:s21], [sflag:$0x2] =	stream.indirect.gather [hbm4b:s6+s29], $0x80, s30, s29, $0xb8;
	[tilespmem:$0x1DC80] =	vst v63  }
0x15b: {  	_ =	swait.ge [sflag:s22], $0x4000  }
0x15c: {  	[sflag:s22] =	ssyncset.done $0x0  }
0x15d: {  	s30 =	simm.s32 $0x1F00;
	[sflag:s22] =	ssyncadd.s32 $0xFFFFC000  }
0x15e: {  	[spmem:s2] =	stream.indirect.scatter.add.f32 [tilespmem:s20], [sflag:$0x5], $0x80, s30, s29, $0xb8;
	[tilespmem:$0x1DC80] =	vst v63  }
0x15f: {  	_ =	swait.ge [sflag:s24], $0x4000  }
0x160: {  	[sflag:s24] =	ssyncset.done $0x0  }
0x161: {  	[sflag:s24] =	ssyncadd.s32 $0xFFFFC000  }
0x162: {  	_ =	swait.ge [sflag:s25], $0x4000  }
0x163: {  	[sflag:s25] =	ssyncset.done $0x0  }
.Ltmp5:
0x164: {  	s30 =	simm.s32 $0x1F80;
	[sflag:s25] =	ssyncadd.s32 $0xFFFFC000;
	(pc) =	sbr.rel @p1 .LBB2_7-.Ltmp5, $4  }
0x165: {  	[spmem:s2] =	stream.indirect.scatter.add.f32 [tilespmem:s21], [sflag:$0x5], $0x80, s30, s29, $0xb8;
	[tilespmem:$0x1DC80] =	vst v63  }
0x166: {  	_ =	swait.ge [sflag:s24], $0x4000  }
0x167: {  	[sflag:s24] =	ssyncset.done $0x0  }
0x168: {  	[sflag:s24] =	ssyncadd.s32 $0xFFFFC000  }
.Ltmp6:
0x169: {  	(pc) =	sbr.rel .LBB2_6-.Ltmp6, $2  }
0x16a: {  	_ =	sdelay $0x2  }
0x16b: {  	s28 =	simm.s32 $0x0;
	s30 =	simm.s32 $0x3  }
.LBB2_8:
0x16c: {  	_ =	sfence.sel $0x180000  }
0x16d: {  	[bflag:$0x0] =	sbarrier.arrive $0xFFFF  }
0x16e: {  	_ =	strace $0x9000004A  }
0x16f: {  	s0 =	stileid.u32;
	[bflag:$0x2] =	sbarrier.arrive $0xFFFF  }
0x170: {  	p0 =	sne.s32 s0, $0x0;
	s0 =	rddreg [dreg:$0x2]  }
0x171: {  	s0 =	sadd.s32 @!p0 $0x100000, s0  }
0x172: {  	[sflag:s0] =	ssyncadd.tile.s32 @!p0 $0x1;
	_ =	shalt  }
.Lfunc_end2:
_tile_overlayer_lowered:
.L_overlay_start_2:
0x173: {  	(tag) =	ssettag $0x2  }
0x174: {  	s0 =	rddreg [dreg:$0x0];
	s2 =	stileid.u32  }
0x175: {  	s1 =	rddreg [dreg:$0x1];
	p0 =	sne.s32 s2, $0x0  }
0x176: {  	s3 =	rddreg [dreg:$0x2];
	[bflag:$0x3] =	sbarrier.arrive $0xFFFF;
	s2 =	simm.s32 @!p0 $0x1C05  }
0x177: {  	[timem:s3], [sflag:s2] =	dma.local @!p0 [hbm:s0], s1  }
0x178: {  	s0 =	simm.s32 @!p0 $0x5  }
0x179: {  	_ =	swait.ge @!p0 [sflag:s0], s1  }
0x17a: {  	s1 =	ssub.s32 @!p0 $0x0, s1;
	[sflag:s0] =	ssyncset.done @!p0 $0x0  }
0x17b: {  	[sflag:s0] =	ssyncadd.s32 @!p0 s1  }
0x17c: {  	[bflag:$0x3] =	sbarrier.arrive $0xFFFF  }
0x17d: {  	_ =	shalt  }

// kernel: kernel.14.cloned.1.call-start
scs
__scs_entry_jumppad:
0x0: {  	(pc) =	sbr.rel $0x88, $3  }
0x1: {  	(tag) =	ssettag $0x0;
	lr =	simm.s32 $0x1  }
0x2: {  	[smem:$0x3F9B] =	sst lr;
	_ =	strace $0xD0000000  }
0x3: {  	_ = 	snop  }
0x4: {  	_ = 	snop  }
0x5: {  	_ = 	snop  }
0x6: {  	_ = 	snop  }
0x7: {  	_ = 	snop  }
__scs_overlays_trampoline_lowered:
0x8: {  	[smem:$0x3FAA] =	sst s0  }
0x9: {  	[smem:$0x3FAB] =	sst s1  }
0xa: {  	[smem:$0x3FAC] =	sst s2  }
0xb: {  	[smem:$0x3FAD] =	sst s3  }
0xc: {  	[smem:$0x3FAE] =	sst s4  }
0xd: {  	[smem:$0x3FAF] =	sst s5  }
0xe: {  	[smem:$0x3FB0] =	sst s6  }
0xf: {  	[smem:$0x3FB1] =	sst s7  }
0x10: {  	[smem:$0x3FB2] =	sst s8  }
0x11: {  	[smem:$0x3FB3] =	sst s9;
	s0 =	simm.s32 @!p0 $0x0  }
0x12: {  	s1 =	sld [smem:$0x3F99];
	s0 =	simm.s32 @p0 $0x1  }
0x13: {  	[smem:$0x3FB4] =	sst s0;
	s0 =	simm.s32 @!p1 $0x0  }
0x14: {  	s2 =	sld [smem:$0x3F98];
	s0 =	simm.s32 @p1 $0x1  }
0x15: {  	[smem:$0x3FB5] =	sst s0;
	s0 =	simm.s32 @!p2 $0x0  }
0x16: {  	s3 =	sld [smem:$0x3FDB];
	s0 =	simm.s32 @p2 $0x1  }
0x17: {  	s4 =	simm.s32 $0x1BF5;
	[smem:$0x3FB7] =	sst s0  }
0x18: {  	s0 =	sld [smem:$0x3F9A];
	_ =	swait.ge [sflag:s4], $0x0  }
0x19: {  	s7 =	sld [smem:$0x3F9B]  }
0x1a: {  	s8 =	sadd.s32 $0xFFFFE003, lr  }
0x1b: {  	s9 =	sadd.s32 $0xFFFFFEF7, lr;
	s5 =	simm.s32 $0xFFFFFFFF;
	p2 =	slt.u32 s8, $0xFFFFF086  }
0x1c: {  	p1 =	slt.u32 s9, $0xF7A;
	s5 =	simm.s32 @!p2 $0x0  }
0x1d: {  	s5 =	simm.s32 @p1 $0x1;
	p0 =	seq.s32 s7, s2  }
0x1e: {  	s7 =	smul.u32 @!p0 $0xF7A, s2;
	p2 =	seq.s32 @!p0 s5, $0x0  }
0x1f: {  	s9 =	smul.u32 $0xF7A, s1;
	s8 =	simm.s32 @!p0 $0x1BF5;
	p2 =	por !p2, p0  }
0x20: {  	[sflag:s8] =	ssyncset.s32 @!p0 $0xFFFFF086;
	s6 =	sadd.s32 @!p0 s3, s7;
	s7 =	simm.s32 @!p0 $0x108  }
0x21: {  	s3 =	sadd.s32 s3, s9;
	s6 =	sadd.s32 @!p0 $0x88, s6;
	s7 =	simm.s32 @p2 $0x1082  }
0x22: {  	[simem:s7], [sflag:s8] =	dma.local @!p0 [hbm:s6], $0xF7A  }
0x23: {  	s9 =	sor.u32 $0xD0000000, s2;
	s6 =	simm.s32 $0x108;
	_ =	swait.ge @!p0 [sflag:s8], $0x0  }
0x24: {  	s3 =	sadd.s32 $0x88, s3;
	s6 =	simm.s32 @!p1 $0x1082;
	[sflag:s4] =	ssyncset.s32 $0xFFFFF086  }
0x25: {  	[simem:s6], [sflag:s4] =	dma.local [hbm:s3], $0xF7A  }
0x26: {  	[smem:$0x3F9B] =	sst s1;
	(tag) =	ssettag s2;
	_ =	strace s9  }
0x27: {  	s1 =	sld [smem:$0x3FAB]  }
0x28: {  	s2 =	sld [smem:$0x3FAC]  }
0x29: {  	s4 =	sld [smem:$0x3FAE]  }
0x2a: {  	p0 =	seq.s32 s5, $0x0;
	s5 =	sld [smem:$0x3FAF]  }
0x2b: {  	s6 =	sld [smem:$0x3FB0]  }
0x2c: {  	s7 =	sld [smem:$0x3FB1]  }
0x2d: {  	s3 =	simm.s32 $0x108;
	s8 =	sld [smem:$0x3FB2]  }
0x2e: {  	s3 =	simm.s32 @!p0 $0x1082;
	s9 =	sld [smem:$0x3FB3]  }
0x2f: {  	lr =	sadd.s32 s0, s3;
	s0 =	sld [smem:$0x3FAA]  }
0x30: {  	s3 =	sld [smem:$0x3FAD]  }
0x31: {  	[smem:$0x3FB6] =	sst s10  }
0x32: {  	s10 =	sld [smem:$0x3FB4];
	_ =	sdelay $0x3  }
0x33: {  	p0 =	seq.s32 s10, $0x1;
	s10 =	sld [smem:$0x3FB6];
	_ =	sdelay $0x3  }
0x34: {  	[smem:$0x3FB6] =	sst s10  }
0x35: {  	s10 =	sld [smem:$0x3FB5];
	_ =	sdelay $0x3  }
0x36: {  	p1 =	seq.s32 s10, $0x1;
	s10 =	sld [smem:$0x3FB6];
	_ =	sdelay $0x3  }
0x37: {  	[smem:$0x3FB6] =	sst s10  }
0x38: {  	s10 =	sld [smem:$0x3FB7]  }
0x39: {  	_ = 	snop;
	(pc) =	sbr.ind lr, $3  }
0x3a: {  	_ = 	snop  }
0x3b: {  	_ = 	snop  }
0x3c: {  	p2 =	seq.s32 s10, $0x1;
	s10 =	sld [smem:$0x3FB6]  }
0x3d: {  	_ =	shalt  }
0x3e: {  	_ =	shalt  }
0x3f: {  	_ =	shalt  }
0x40: {  	_ =	shalt  }
0x41: {  	_ =	shalt  }
0x42: {  	_ =	shalt  }
0x43: {  	_ =	shalt  }
0x44: {  	_ =	shalt  }
0x45: {  	_ =	shalt  }
0x46: {  	_ =	shalt  }
0x47: {  	_ =	shalt  }
0x48: {  	_ =	shalt  }
0x49: {  	_ =	shalt  }
0x4a: {  	_ =	shalt  }
0x4b: {  	_ =	shalt  }
0x4c: {  	_ =	shalt  }
0x4d: {  	_ =	shalt  }
0x4e: {  	_ =	shalt  }
0x4f: {  	_ =	shalt  }
0x50: {  	_ =	shalt  }
0x51: {  	_ =	shalt  }
0x52: {  	_ =	shalt  }
0x53: {  	_ =	shalt  }
0x54: {  	_ =	shalt  }
0x55: {  	_ =	shalt  }
0x56: {  	_ =	shalt  }
0x57: {  	_ =	shalt  }
0x58: {  	_ =	shalt  }
0x59: {  	_ =	shalt  }
0x5a: {  	_ =	shalt  }
0x5b: {  	_ =	shalt  }
0x5c: {  	_ =	shalt  }
0x5d: {  	_ =	shalt  }
0x5e: {  	_ =	shalt  }
0x5f: {  	_ =	shalt  }
0x60: {  	_ =	shalt  }
0x61: {  	_ =	shalt  }
0x62: {  	_ =	shalt  }
0x63: {  	_ =	shalt  }
0x64: {  	_ =	shalt  }
0x65: {  	_ =	shalt  }
0x66: {  	_ =	shalt  }
0x67: {  	_ =	shalt  }
0x68: {  	_ =	shalt  }
0x69: {  	_ =	shalt  }
0x6a: {  	_ =	shalt  }
0x6b: {  	_ =	shalt  }
0x6c: {  	_ =	shalt  }
0x6d: {  	_ =	shalt  }
0x6e: {  	_ =	shalt  }
0x6f: {  	_ =	shalt  }
0x70: {  	_ =	shalt  }
0x71: {  	_ =	shalt  }
0x72: {  	_ =	shalt  }
0x73: {  	_ =	shalt  }
0x74: {  	_ =	shalt  }
0x75: {  	_ =	shalt  }
0x76: {  	_ =	shalt  }
0x77: {  	_ =	shalt  }
0x78: {  	_ =	shalt  }
0x79: {  	_ =	shalt  }
0x7a: {  	_ =	shalt  }
0x7b: {  	_ =	shalt  }
0x7c: {  	_ =	shalt  }
0x7d: {  	_ =	shalt  }
0x7e: {  	_ =	shalt  }
0x7f: {  	_ =	shalt  }
0x80: {  	_ =	shalt  }
0x81: {  	_ =	shalt  }
0x82: {  	_ =	shalt  }
0x83: {  	_ =	shalt  }
0x84: {  	_ =	shalt  }
0x85: {  	_ =	shalt  }
0x86: {  	_ =	shalt  }
0x87: {  	_ =	shalt  }
.Lfunc_end0:
.L_simem_size_0:
called_computation.2_lowered:
.L_overlay_start_0:
0x88: {  	s2 =	sld [smem:$0x3FD9]  }
0x89: {  	s3 =	sld [smem:$0x3FFE];
	_ =	sdelay $0x1  }
0x8a: {  	s1 =	srdreg.scid  }
0x8b: {  	s0 =	sand.u32 $0x1, s1  }
0x8c: {  	s17 =	sshll.u32 s0, $0xA;
	s2 =	sadd.s32 s3, s2  }
0x8d: {  	s2 =	sadd.s32 s2, s17  }
0x8e: {  	[smem:$0x3FC2] =	sst s2  }
0x8f: {  	_ = 	snop  }
0x90: {  	s2 =	sld [smem:$0x3FD0];
	(tm) =	ssettm $0x1  }
0x91: {  	s18 =	sld [smem:$0x3FFB];
	_ =	sdelay $0x3  }
0x92: {  	_ =	strace s18  }
0x93: {  	s3 =	sld [smem:$0x3FFC];
	_ =	sdelay $0x3  }
0x94: {  	_ =	strace s3  }
0x95: {  	s3 =	sld [smem:$0x3FFD];
	_ =	sdelay $0x3  }
0x96: {  	_ =	strace s3  }
0x97: {  	_ =	strace $0x8FFFFFFF  }
0x98: {  	s19 =	sld [smem:$0x3FDB];
	_ =	sdelay $0x1  }
0x99: {  	s4 =	simm.s32 $_scs_section_size  }
0x9a: {  	s5 =	simm.s32 $_size__tile_overlayer_lowered;
	s6 =	simm.s32 $_tile_overlayer_lowered  }
0x9b: {  	s22 =	simm.s32 $0x1BFF;
	s21 =	sshll.u32 s6, $0x1;
	s3 =	sadd.s32 s4, s19  }
0x9c: {  	s7 =	simm.s32 $0x0;
	s20 =	sshll.u32 s5, $0x1;
	s5 =	sadd.s32 s21, s3  }
0x9d: {  	[timem:s7], [sflag:s22] =	dma.local [hbm:s5], s20  }
0x9e: {  	_ =	swait.ge [sflag:s22], s20  }
0x9f: {  	s4 =	ssub.s32 $0x0, s20;
	[sflag:s22] =	ssyncset.done $0x0  }
0xa0: {  	[sflag:s22] =	ssyncadd.s32 s4;
	_ =	sdelay $0x1  }
0xa1: {  	s23 =	simm.s32 $0x1B8B  }
0xa2: {  	_ =	swait.ge [sflag:s23], $0x1  }
0xa3: {  	[sflag:s23] =	ssyncset.done $0x0  }
0xa4: {  	s25 =	simm.s32 $0x1B8E;
	s24 =	sld [smem:$0x3FFE];
	[sflag:s23] =	ssyncadd.s32 $0xFFFFFFFF  }
0xa5: {  	s26 =	simm.s32 $execute0_lowered;
	[smem:$0x3FD2] =	sst s25  }
0xa6: {  	s5 =	sshll.u32 s26, $0x1;
	_ =	strace $0x8000004C;
	[dreg:$0x1] =	wrdreg $0xFFFFFFFF  }
0xa7: {  	s28 =	simm.s32 $_size_execute0_lowered;
	s3 =	sadd.s32 s3, s5;
	[dreg:$0x0] =	wrdreg $0x0  }
0xa8: {  	s5 =	sshll.u32 s28, $0x1;
	[dreg:$0x2] =	wrdreg s3  }
0xa9: {  	[dreg:$0x3] =	wrdreg s5  }
0xaa: {  	[dreg:$0x4] =	wrdreg $0xC0  }
0xab: {  	_ =	task [dreg:s7], $0x5FFFF  }
0xac: {  	[dreg:$0x1] =	wrdreg $0xFFFFFFFF  }
0xad: {  	[dreg:$0x0] =	wrdreg $0x60  }
0xae: {  	[dreg:$0x2] =	wrdreg s2  }
0xaf: {  	[dreg:$0x3] =	wrdreg s24  }
0xb0: {  	[dreg:$0x4] =	wrdreg $0xA0000  }
0xb1: {  	[dreg:$0x5] =	wrdreg $0x9  }
0xb2: {  	_ =	task.clear_ibuf [dreg:s7], $0x6FFFF;
	_ =	strace $0x9000004C  }
0xb3: {  	s29 =	simm.s32 $0x9;
	_ =	strace $0x8000004E  }
0xb4: {  	_ =	swait.ge [sflag:s29], $0x1  }
0xb5: {  	[sflag:s29] =	ssyncadd.s32 $0xFFFFFFFF  }
0xb6: {  	_ =	strace $0x9000004E  }
0xb7: {  	_ =	sfence  }
0xb8: {  	s30 =	sld [smem:$0x0];
	_ =	sdelay $0x2  }
0xb9: {  	s31 =	sshll.u32 s1, $0xD;
	s1 =	sshrl.u32 s1, $0x2  }
0xba: {  	s3 =	sand.u32 $0x4000, s31;
	s1 =	sadd.s32 s1, s30  }
0xbb: {  	s0 =	sor.u32 s3, s0;
	s1 =	sshll.u32 s1, $0x11  }
0xbc: {  	s0 =	sor.u32 s1, s0  }
0xbd: {  	s0 =	sadd.s32 $0x8F2B, s0  }
0xbe: {  	[sflag:s0] =	ssyncadd.remote.s32 $0x1  }
0xbf: {  	_ =	sfence.sel $0xFFFF  }
0xc0: {  	[dreg:$0x0] =	wrdreg $0xFFFFFFFF;
	(pc) =	sbr.abs _section_cstart, $3  }
0xc1: {  	[dreg:$0x1] =	wrdreg $0xFFFFFFFF  }
0xc2: {  	_ =	task.clear_ibuf [dreg:s7], $0x2FFFF;
	_ =	strace $0x9FFFFFFF  }
0xc3: {  	(tm) =	ssettm $0x7FFFFFFF  }
tec
execute0_lowered:
.L_overlay_start_1:
0x0: {  	(tag) =	ssettag $0x1  }
0x1: {  	s1 =	rddreg [dreg:$0x0]  }
0x2: {  	s0 =	rddreg [dreg:$0x1]  }
0x3: {  	s2 =	rddreg [dreg:$0x2];
	s3 =	srdreg.scid;
	s4 =	simm.s32 $0x0  }
0x4: {  	s13 =	stileid.u32;
	s19 =	simm.s32 $0x3;
	s20 =	simm.s32 $0x80  }
0x5: {  	s29 =	simm.s32 $0x1600;
	s30 =	simm.s32 $0x1D80;
	s10 =	smul.u32 $0x4E000, s13  }
0x6: {  	s31 =	simm.s32 $0x1680;
	s3 =	sand.u32 $0x1, s3;
	s11 =	smul.u32 $0x2700, s13  }
0x7: {  	[smem:$0x7FF] =	sst s4;
	s8 =	sadd.s32 $0x16A00, s0;
	s24 =	smul.u32 $0x13800, s13  }
0x8: {  	s12 =	smul.u32 $0x2800, s13;
	s14 =	sadd.s32 $0x24900, s1;
	p0 =	seq.s32 s13, $0xF  }
0x9: {  	s5 =	sshll.u32 s3, $0x4;
	_ =	strace $0x8000004D;
	s23 =	smul.u32 $0x138800, s3  }
0xa: {  	s7 =	ssub.s32 $0x2, s3;
	s3 =	smul.u32 $0x28000, s3;
	[dreg:$0x7] =	wrdreg s14  }
0xb: {  	s6 =	sor.u32 s13, s5;
	s5 =	sadd.s32 $0x2A00, s0;
	s9 =	sshrl.u32 s7, $0x1  }
0xc: {  	s22 =	sshrl.u32 s10, $0x2;
	s11 =	sadd.s32 s1, s11;
	s6 =	smul.u32 $0x500, s6  }
0xd: {  	s9 =	ssub.s32 s7, s9;
	s7 =	sadd.s32 $0xCA00, s0;
	s0 =	sadd.s32 s22, s2  }
0xe: {  	[dreg:$0x6] =	wrdreg s11;
	s11 =	sadd.s32 $0x124800, s2;
	s10 =	sshrl.u32 s23, $0x3  }
0xf: {  	s3 =	sadd.s32 s12, s3;
	s22 =	simm.s32 $0x6000;
	s12 =	simm.s32 $0x0  }
0x10: {  	s10 =	sadd.s32 s8, s10;
	s26 =	smax.u32 s9, $0x1;
	s3 =	sadd.s32 $0x800, s3  }
0x11: {  	s15 =	sshrl.u32 @p0 s11, $0x3;
	s28 =	sshrl.u32 @!p0 s0, $0x3;
	s0 =	simm.s32 $0x1E00  }
0x12: {  	s9 =	simm.s32 $0x1F00;
	s11 =	simm.s32 $0x4;
	[dreg:$0xa] =	wrdreg s26  }
0x13: {  	s21 =	sadd.s32 s5, s6;
	s6 =	sadd.s32 s6, s7;
	[dreg:$0xb] =	wrdreg s3  }
0x14: {  	s25 =	sadd.s32 $0x24900, s10;
	s3 =	sshll.u32 @!p0 s13, $0x6;
	[dreg:$0xc] =	wrdreg s15  }
0x15: {  	s26 =	simm.s32 $0x2;
	s10 =	simm.s32 $0x1F80;
	[dreg:$0x4] =	wrdreg s21  }
.Ltmp0:
0x16: {  	[dreg:$0x5] =	wrdreg s6;
	s6 =	sadd.s32 s24, s23;
	(pc) =	sbr.rel .LBB2_1-.Ltmp0, $4  }
0x17: {  	[dreg:$0x9] =	wrdreg s25;
	s16 =	sor.u32 @!p0 $0x1C05, s3;
	s21 =	simm.s32 $0x2000  }
0x18: {  	s23 =	simm.s32 $0x1;
	s25 =	simm.s32 $0x5;
	s6 =	sshrl.u32 s6, $0x3  }
0x19: {  	s3 =	simm.s32 $0x1700;
	[dreg:$0xd] =	wrdreg s16;
	s6 =	sadd.s32 s8, s6  }
0x1a: {  	s8 =	simm.s32 $0x1780;
	[dreg:$0x8] =	wrdreg s6;
	s6 =	simm.s32 $0x1E80  }
.LBB2_8:
0x1b: {  	[bflag:$0x0] =	sbarrier.arrive $0xFFFF  }
0x1c: {  	s14 =	rddreg [dreg:$0x9]  }
0x1d: {  	s13 =	simm.s32 @p0 $0x1FC5;
	s15 =	rddreg [dreg:$0xc]  }
0x1e: {  	[hbm:s14], [sflag:s13] =	dma.local @p0 [spmem:s15], $0x2800  }
0x1f: {  	s13 =	simm.s32 @p0 $0x5  }
0x20: {  	_ =	swait.ge @p0 [sflag:s13], $0x2800  }
0x21: {  	[sflag:s13] =	ssyncset.done @p0 $0x0;
	s16 =	rddreg [dreg:$0xd]  }
0x22: {  	[sflag:s13] =	ssyncadd.s32 @p0 $0xFFFFD800;
	s13 =	rddreg [dreg:$0x8]  }
0x23: {  	[hbm:s13], [sflag:s16] =	dma.local @!p0 [spmem:s28], $0x2700  }
0x24: {  	s13 =	simm.s32 @!p0 $0x5  }
0x25: {  	_ =	swait.ge @!p0 [sflag:s13], $0x2700  }
0x26: {  	s12 =	sadd.s32 $0x1, s12;
	s24 =	rddreg [dreg:$0xa]  }
0x27: {  	p1 =	sne.s32 s12, s24  }
.Ltmp1:
0x28: {  	_ = 	snop;
	(pc) =	sbr.rel @!p1 .LBB2_9-.Ltmp1, $3  }
0x29: {  	_ =	sdelay $0x1  }
0x2a: {  	[sflag:s13] =	ssyncset.done @!p0 $0x0  }
0x2b: {  	[sflag:s13] =	ssyncadd.s32 @!p0 $0xFFFFD900  }
.LBB2_1:
0x2c: {  	s13 =	rddreg [dreg:$0x4]  }
0x2d: {  	[tilespmem:s4], [sflag:$0x3] =	stream.linear.gather [hbm4b:s13+s4], $0x800, $0x38;
	[tilespmem:$0x1DC80] =	vst v63  }
0x2e: {  	s24 =	rddreg [dreg:$0x5];
	s14 =	simm.s32 $0x800  }
0x2f: {  	[tilespmem:s14], [sflag:$0x3] =	stream.linear.gather [hbm4b:s24+s4], $0x800, $0x38;
	[tilespmem:$0x1DC80] =	vst v63  }
0x30: {  	s13 =	simm.s32 @p0 $0x1FC5;
	s14 =	rddreg [dreg:$0x7]  }
0x31: {  	[spmem:s15], [sflag:s13] =	dma.local @p0 [hbm:s14], $0x2800  }
0x32: {  	s13 =	simm.s32 @p0 $0x5  }
0x33: {  	_ =	swait.ge @p0 [sflag:s13], $0x2800  }
0x34: {  	[sflag:s13] =	ssyncset.done @p0 $0x0  }
0x35: {  	[sflag:s13] =	ssyncadd.s32 @p0 $0xFFFFD800;
	s13 =	rddreg [dreg:$0x6]  }
0x36: {  	[spmem:s28], [sflag:s16] =	dma.local @!p0 [hbm:s13], $0x2700  }
0x37: {  	s13 =	simm.s32 @!p0 $0x5  }
0x38: {  	_ =	swait.ge @!p0 [sflag:s13], $0x2700  }
0x39: {  	[sflag:s13] =	ssyncset.done @!p0 $0x0  }
0x3a: {  	[sflag:s13] =	ssyncadd.s32 @!p0 $0xFFFFD900  }
0x3b: {  	_ =	swait.ge [sflag:s19], $0x800  }
0x3c: {  	[sflag:s19] =	ssyncset.done $0x0  }
0x3d: {  	[sflag:s19] =	ssyncadd.s32 $0xFFFFF800  }
0x3e: {  	_ =	swait.ge [sflag:s19], $0x800  }
0x3f: {  	[sflag:s19] =	ssyncset.done $0x0  }
0x40: {  	[sflag:s19] =	ssyncadd.s32 $0xFFFFF800  }
0x41: {  	[tilespmem:s21], [sflag:$0x1] =	stream.indirect.gather [hbm4b:s1+s20], $0x80, s4, s20, $0xb8;
	[tilespmem:$0x1DC80] =	vst v63  }
.Ltmp2:
0x42: {  	_ = 	snop;
	(pc) =	sbr.rel .LBB2_2-.Ltmp2, $4  }
0x43: {  	_ = 	snop  }
0x44: {  	[tilespmem:s22], [sflag:$0x2] =	stream.indirect.gather [hbm4b:s1+s20], $0x80, s20, s20, $0xb8;
	[tilespmem:$0x1DC80] =	vst v63  }
0x45: {  	[bflag:$0x0] =	sbarrier.arrive $0xFFFF  }
0x46: {  	s14 =	simm.s32 $0x0;
	s13 =	rddreg [dreg:$0xb]  }
.LBB2_7:
0x47: {  	s14 =	sadd.s32 $0x1, s14  }
0x48: {  	p1 =	sne.s32 s14, $0x5  }
.Ltmp3:
0x49: {  	_ = 	snop;
	(pc) =	sbr.rel @!p1 .LBB2_8-.Ltmp3, $2  }
0x4a: {  	_ =	sdelay $0x2  }
0x4b: {  	s13 =	sadd.s32 $0x800, s13  }
.LBB2_2:
0x4c: {  	s16 =	sand.u32 $0x1, s14  }
0x4d: {  	p1 =	seq.s32 s16, $0x1  }
.Ltmp4:
0x4e: {  	_ = 	snop;
	(pc) =	sbr.rel @p1 .LBB2_5-.Ltmp4, $1  }
0x4f: {  	_ =	sdelay $0x3  }
0x50: {  	p1 =	seq.s32 s14, $0x4  }
0x51: {  	s17 =	sshrl.u32 @!p1 s13, $0x3  }
0x52: {  	s15 =	simm.s32 @!p1 $0x0;
	s24 =	simm.s32 @!p1 $0x1000;
	s18 =	sadd.s32 @!p1 s5, s17  }
0x53: {  	[tilespmem:s24], [sflag:$0x4] =	stream.linear.gather @!p1 [hbm4b:s18+s15], $0x800, $0x38;
	[tilespmem:$0x1DC80] =	vst v63  }
0x54: {  	s17 =	sadd.s32 @!p1 s7, s17;
	s18 =	simm.s32 @!p1 $0x1800  }
0x55: {  	[tilespmem:s18], [sflag:$0x4] =	stream.linear.gather @!p1 [hbm4b:s17+s15], $0x800, $0x38;
	[tilespmem:$0x1DC80] =	vst v63  }
0x56: {  	_ =	swait.ge [sflag:s23], $0x4000  }
0x57: {  	[sflag:s23] =	ssyncset.done $0x0  }
0x58: {  	s17 =	simm.s32 $0x800;
	[sflag:s23] =	ssyncadd.s32 $0xFFFFC000  }
0x59: {  	[spmem:s2] =	stream.indirect.scatter.add.f32 [tilespmem:s21], [sflag:$0x5], $0x80, s17, s20, $0xb8;
	[tilespmem:$0x1DC80] =	vst v63  }
0x5a: {  	_ =	swait.ge [sflag:s25], $0x4000  }
0x5b: {  	[sflag:s25] =	ssyncset.done $0x0  }
0x5c: {  	[sflag:s25] =	ssyncadd.s32 $0xFFFFC000  }
0x5d: {  	_ =	swait.ge [sflag:s26], $0x4000  }
0x5e: {  	[sflag:s26] =	ssyncset.done $0x0  }
0x5f: {  	s18 =	simm.s32 $0x100;
	[sflag:s26] =	ssyncadd.s32 $0xFFFFC000  }
0x60: {  	[tilespmem:s21], [sflag:$0x1] =	stream.indirect.gather [hbm4b:s1+s20], $0x80, s18, s20, $0xb8;
	[tilespmem:$0x1DC80] =	vst v63  }
0x61: {  	s24 =	simm.s32 $0x880  }
0x62: {  	[spmem:s2] =	stream.indirect.scatter.add.f32 [tilespmem:s22], [sflag:$0x5], $0x80, s24, s20, $0xb8;
	[tilespmem:$0x1DC80] =	vst v63  }
0x63: {  	_ =	swait.ge [sflag:s25], $0x4000  }
0x64: {  	[sflag:s25] =	ssyncset.done $0x0  }
0x65: {  	s17 =	simm.s32 $0x180;
	[sflag:s25] =	ssyncadd.s32 $0xFFFFC000  }
0x66: {  	[tilespmem:s22], [sflag:$0x2] =	stream.indirect.gather [hbm4b:s1+s20], $0x80, s17, s20, $0xb8;
	[tilespmem:$0x1DC80] =	vst v63  }
0x67: {  	_ =	swait.ge [sflag:s23], $0x4000  }
0x68: {  	[sflag:s23] =	ssyncset.done $0x0  }
0x69: {  	s18 =	simm.s32 $0x900;
	[sflag:s23] =	ssyncadd.s32 $0xFFFFC000  }
0x6a: {  	[spmem:s2] =	stream.indirect.scatter.add.f32 [tilespmem:s21], [sflag:$0x5], $0x80, s18, s20, $0xb8;
	[tilespmem:$0x1DC80] =	vst v63  }
0x6b: {  	_ =	swait.ge [sflag:s25], $0x4000  }
0x6c: {  	[sflag:s25] =	ssyncset.done $0x0  }
0x6d: {  	[sflag:s25] =	ssyncadd.s32 $0xFFFFC000  }
0x6e: {  	_ =	swait.ge [sflag:s26], $0x4000  }
0x6f: {  	[sflag:s26] =	ssyncset.done $0x0  }
0x70: {  	s24 =	simm.s32 $0x200;
	[sflag:s26] =	ssyncadd.s32 $0xFFFFC000  }
0x71: {  	[tilespmem:s21], [sflag:$0x1] =	stream.indirect.gather [hbm4b:s1+s20], $0x80, s24, s20, $0xb8;
	[tilespmem:$0x1DC80] =	vst v63  }
0x72: {  	s17 =	simm.s32 $0x980  }
0x73: {  	[spmem:s2] =	stream.indirect.scatter.add.f32 [tilespmem:s22], [sflag:$0x5], $0x80, s17, s20, $0xb8;
	[tilespmem:$0x1DC80] =	vst v63  }
0x74: {  	_ =	swait.ge [sflag:s25], $0x4000  }
0x75: {  	[sflag:s25] =	ssyncset.done $0x0  }
0x76: {  	s18 =	simm.s32 $0x280;
	[sflag:s25] =	ssyncadd.s32 $0xFFFFC000  }
0x77: {  	[tilespmem:s22], [sflag:$0x2] =	stream.indirect.gather [hbm4b:s1+s20], $0x80, s18, s20, $0xb8;
	[tilespmem:$0x1DC80] =	vst v63  }
0x78: {  	_ =	swait.ge [sflag:s23], $0x4000  }
0x79: {  	[sflag:s23] =	ssyncset.done $0x0  }
0x7a: {  	s24 =	simm.s32 $0xA00;
	[sflag:s23] =	ssyncadd.s32 $0xFFFFC000  }
0x7b: {  	[spmem:s2] =	stream.indirect.scatter.add.f32 [tilespmem:s21], [sflag:$0x5], $0x80, s24, s20, $0xb8;
	[tilespmem:$0x1DC80] =	vst v63  }
0x7c: {  	_ =	swait.ge [sflag:s25], $0x4000  }
0x7d: {  	[sflag:s25] =	ssyncset.done $0x0  }
0x7e: {  	[sflag:s25] =	ssyncadd.s32 $0xFFFFC000  }
0x7f: {  	_ =	swait.ge [sflag:s26], $0x4000  }
0x80: {  	[sflag:s26] =	ssyncset.done $0x0  }
0x81: {  	s17 =	simm.s32 $0x300;
	[sflag:s26] =	ssyncadd.s32 $0xFFFFC000  }
0x82: {  	[tilespmem:s21], [sflag:$0x1] =	stream.indirect.gather [hbm4b:s1+s20], $0x80, s17, s20, $0xb8;
	[tilespmem:$0x1DC80] =	vst v63  }
0x83: {  	s18 =	simm.s32 $0xA80  }
0x84: {  	[spmem:s2] =	stream.indirect.scatter.add.f32 [tilespmem:s22], [sflag:$0x5], $0x80, s18, s20, $0xb8;
	[tilespmem:$0x1DC80] =	vst v63  }
0x85: {  	_ =	swait.ge [sflag:s25], $0x4000  }
0x86: {  	[sflag:s25] =	ssyncset.done $0x0  }
0x87: {  	s24 =	simm.s32 $0x380;
	[sflag:s25] =	ssyncadd.s32 $0xFFFFC000  }
0x88: {  	[tilespmem:s22], [sflag:$0x2] =	stream.indirect.gather [hbm4b:s1+s20], $0x80, s24, s20, $0xb8;
	[tilespmem:$0x1DC80] =	vst v63  }
0x89: {  	_ =	swait.ge [sflag:s23], $0x4000  }
0x8a: {  	[sflag:s23] =	ssyncset.done $0x0  }
0x8b: {  	s17 =	simm.s32 $0xB00;
	[sflag:s23] =	ssyncadd.s32 $0xFFFFC000  }
0x8c: {  	[spmem:s2] =	stream.indirect.scatter.add.f32 [tilespmem:s21], [sflag:$0x5], $0x80, s17, s20, $0xb8;
	[tilespmem:$0x1DC80] =	vst v63  }
0x8d: {  	_ =	swait.ge [sflag:s25], $0x4000  }
0x8e: {  	[sflag:s25] =	ssyncset.done $0x0  }
0x8f: {  	[sflag:s25] =	ssyncadd.s32 $0xFFFFC000  }
0x90: {  	_ =	swait.ge [sflag:s26], $0x4000  }
0x91: {  	[sflag:s26] =	ssyncset.done $0x0  }
0x92: {  	s18 =	simm.s32 $0x400;
	[sflag:s26] =	ssyncadd.s32 $0xFFFFC000  }
0x93: {  	[tilespmem:s21], [sflag:$0x1] =	stream.indirect.gather [hbm4b:s1+s20], $0x80, s18, s20, $0xb8;
	[tilespmem:$0x1DC80] =	vst v63  }
0x94: {  	s24 =	simm.s32 $0xB80  }
0x95: {  	[spmem:s2] =	stream.indirect.scatter.add.f32 [tilespmem:s22], [sflag:$0x5], $0x80, s24, s20, $0xb8;
	[tilespmem:$0x1DC80] =	vst v63  }
0x96: {  	_ =	swait.ge [sflag:s25], $0x4000  }
0x97: {  	[sflag:s25] =	ssyncset.done $0x0  }
0x98: {  	s17 =	simm.s32 $0x480;
	[sflag:s25] =	ssyncadd.s32 $0xFFFFC000  }
0x99: {  	[tilespmem:s22], [sflag:$0x2] =	stream.indirect.gather [hbm4b:s1+s20], $0x80, s17, s20, $0xb8;
	[tilespmem:$0x1DC80] =	vst v63  }
0x9a: {  	_ =	swait.ge [sflag:s23], $0x4000  }
0x9b: {  	[sflag:s23] =	ssyncset.done $0x0  }
0x9c: {  	s18 =	simm.s32 $0xC00;
	[sflag:s23] =	ssyncadd.s32 $0xFFFFC000  }
0x9d: {  	[spmem:s2] =	stream.indirect.scatter.add.f32 [tilespmem:s21], [sflag:$0x5], $0x80, s18, s20, $0xb8;
	[tilespmem:$0x1DC80] =	vst v63  }
0x9e: {  	_ =	swait.ge [sflag:s25], $0x4000  }
0x9f: {  	[sflag:s25] =	ssyncset.done $0x0  }
0xa0: {  	[sflag:s25] =	ssyncadd.s32 $0xFFFFC000  }
0xa1: {  	_ =	swait.ge [sflag:s26], $0x4000  }
0xa2: {  	[sflag:s26] =	ssyncset.done $0x0  }
0xa3: {  	s24 =	simm.s32 $0x500;
	[sflag:s26] =	ssyncadd.s32 $0xFFFFC000  }
0xa4: {  	[tilespmem:s21], [sflag:$0x1] =	stream.indirect.gather [hbm4b:s1+s20], $0x80, s24, s20, $0xb8;
	[tilespmem:$0x1DC80] =	vst v63  }
0xa5: {  	s17 =	simm.s32 $0xC80  }
0xa6: {  	[spmem:s2] =	stream.indirect.scatter.add.f32 [tilespmem:s22], [sflag:$0x5], $0x80, s17, s20, $0xb8;
	[tilespmem:$0x1DC80] =	vst v63  }
0xa7: {  	_ =	swait.ge [sflag:s25], $0x4000  }
0xa8: {  	[sflag:s25] =	ssyncset.done $0x0  }
0xa9: {  	s18 =	simm.s32 $0x580;
	[sflag:s25] =	ssyncadd.s32 $0xFFFFC000  }
0xaa: {  	[tilespmem:s22], [sflag:$0x2] =	stream.indirect.gather [hbm4b:s1+s20], $0x80, s18, s20, $0xb8;
	[tilespmem:$0x1DC80] =	vst v63  }
0xab: {  	_ =	swait.ge [sflag:s23], $0x4000  }
0xac: {  	[sflag:s23] =	ssyncset.done $0x0  }
0xad: {  	s24 =	simm.s32 $0xD00;
	[sflag:s23] =	ssyncadd.s32 $0xFFFFC000  }
0xae: {  	[spmem:s2] =	stream.indirect.scatter.add.f32 [tilespmem:s21], [sflag:$0x5], $0x80, s24, s20, $0xb8;
	[tilespmem:$0x1DC80] =	vst v63  }
0xaf: {  	_ =	swait.ge [sflag:s25], $0x4000  }
0xb0: {  	[sflag:s25] =	ssyncset.done $0x0  }
0xb1: {  	[sflag:s25] =	ssyncadd.s32 $0xFFFFC000  }
0xb2: {  	_ =	swait.ge [sflag:s26], $0x4000  }
0xb3: {  	[sflag:s26] =	ssyncset.done $0x0  }
0xb4: {  	s17 =	simm.s32 $0x600;
	[sflag:s26] =	ssyncadd.s32 $0xFFFFC000  }
0xb5: {  	[tilespmem:s21], [sflag:$0x1] =	stream.indirect.gather [hbm4b:s1+s20], $0x80, s17, s20, $0xb8;
	[tilespmem:$0x1DC80] =	vst v63  }
0xb6: {  	s18 =	simm.s32 $0xD80  }
0xb7: {  	[spmem:s2] =	stream.indirect.scatter.add.f32 [tilespmem:s22], [sflag:$0x5], $0x80, s18, s20, $0xb8;
	[tilespmem:$0x1DC80] =	vst v63  }
0xb8: {  	_ =	swait.ge [sflag:s25], $0x4000  }
0xb9: {  	[sflag:s25] =	ssyncset.done $0x0  }
0xba: {  	s24 =	simm.s32 $0x680;
	[sflag:s25] =	ssyncadd.s32 $0xFFFFC000  }
0xbb: {  	[tilespmem:s22], [sflag:$0x2] =	stream.indirect.gather [hbm4b:s1+s20], $0x80, s24, s20, $0xb8;
	[tilespmem:$0x1DC80] =	vst v63  }
0xbc: {  	_ =	swait.ge [sflag:s23], $0x4000  }
0xbd: {  	[sflag:s23] =	ssyncset.done $0x0  }
0xbe: {  	s17 =	simm.s32 $0xE00;
	[sflag:s23] =	ssyncadd.s32 $0xFFFFC000  }
0xbf: {  	[spmem:s2] =	stream.indirect.scatter.add.f32 [tilespmem:s21], [sflag:$0x5], $0x80, s17, s20, $0xb8;
	[tilespmem:$0x1DC80] =	vst v63  }
0xc0: {  	_ =	swait.ge [sflag:s25], $0x4000  }
0xc1: {  	[sflag:s25] =	ssyncset.done $0x0  }
0xc2: {  	[sflag:s25] =	ssyncadd.s32 $0xFFFFC000  }
0xc3: {  	_ =	swait.ge [sflag:s26], $0x4000  }
0xc4: {  	[sflag:s26] =	ssyncset.done $0x0  }
0xc5: {  	s18 =	simm.s32 $0x700;
	[sflag:s26] =	ssyncadd.s32 $0xFFFFC000  }
0xc6: {  	[tilespmem:s21], [sflag:$0x1] =	stream.indirect.gather [hbm4b:s1+s20], $0x80, s18, s20, $0xb8;
	[tilespmem:$0x1DC80] =	vst v63  }
0xc7: {  	s24 =	simm.s32 $0xE80  }
0xc8: {  	[spmem:s2] =	stream.indirect.scatter.add.f32 [tilespmem:s22], [sflag:$0x5], $0x80, s24, s20, $0xb8;
	[tilespmem:$0x1DC80] =	vst v63  }
0xc9: {  	_ =	swait.ge [sflag:s25], $0x4000  }
0xca: {  	[sflag:s25] =	ssyncset.done $0x0  }
0xcb: {  	s17 =	simm.s32 $0x780;
	[sflag:s25] =	ssyncadd.s32 $0xFFFFC000  }
0xcc: {  	[tilespmem:s22], [sflag:$0x2] =	stream.indirect.gather [hbm4b:s1+s20], $0x80, s17, s20, $0xb8;
	[tilespmem:$0x1DC80] =	vst v63  }
0xcd: {  	_ =	swait.ge [sflag:s23], $0x4000  }
0xce: {  	[sflag:s23] =	ssyncset.done $0x0  }
0xcf: {  	s18 =	simm.s32 $0xF00;
	[sflag:s23] =	ssyncadd.s32 $0xFFFFC000  }
0xd0: {  	[spmem:s2] =	stream.indirect.scatter.add.f32 [tilespmem:s21], [sflag:$0x5], $0x80, s18, s20, $0xb8;
	[tilespmem:$0x1DC80] =	vst v63  }
0xd1: {  	_ =	swait.ge [sflag:s25], $0x4000  }
0xd2: {  	[sflag:s25] =	ssyncset.done $0x0  }
0xd3: {  	[sflag:s25] =	ssyncadd.s32 $0xFFFFC000  }
0xd4: {  	_ =	swait.ge [sflag:s26], $0x4000  }
0xd5: {  	[sflag:s26] =	ssyncset.done $0x0  }
.Ltmp5:
0xd6: {  	s24 =	simm.s32 $0xF80;
	[sflag:s26] =	ssyncadd.s32 $0xFFFFC000;
	(pc) =	sbr.rel @p1 .LBB2_8-.Ltmp5, $4  }
0xd7: {  	[spmem:s2] =	stream.indirect.scatter.add.f32 [tilespmem:s22], [sflag:$0x5], $0x80, s24, s20, $0xb8;
	[tilespmem:$0x1DC80] =	vst v63  }
0xd8: {  	_ =	swait.ge [sflag:s25], $0x4000  }
0xd9: {  	[sflag:s25] =	ssyncset.done $0x0  }
0xda: {  	[sflag:s25] =	ssyncadd.s32 $0xFFFFC000  }
0xdb: {  	_ =	swait.ge [sflag:s11], $0x800  }
0xdc: {  	[sflag:s11] =	ssyncset.done $0x0  }
0xdd: {  	[sflag:s11] =	ssyncadd.s32 $0xFFFFF800  }
0xde: {  	p1 =	seq.s32 s16, $0x0;
	_ =	swait.ge [sflag:s11], $0x800  }
.Ltmp6:
0xdf: {  	[sflag:s11] =	ssyncset.done $0x0;
	(pc) =	sbr.rel @p1 .LBB2_7-.Ltmp6, $4  }
0xe0: {  	s15 =	simm.s32 $0x1000;
	[sflag:s11] =	ssyncadd.s32 $0xFFFFF800  }
0xe1: {  	[tilespmem:s21], [sflag:$0x1] =	stream.indirect.gather [hbm4b:s1+s20], $0x80, s15, s20, $0xb8;
	[tilespmem:$0x1DC80] =	vst v63  }
0xe2: {  	s24 =	simm.s32 $0x1080  }
0xe3: {  	[tilespmem:s22], [sflag:$0x2] =	stream.indirect.gather [hbm4b:s1+s20], $0x80, s24, s20, $0xb8;
	[tilespmem:$0x1DC80] =	vst v63  }
.LBB2_5:
0xe4: {  	p1 =	seq.s32 s14, $0x4  }
0xe5: {  	s15 =	sshrl.u32 @!p1 s13, $0x3  }
0xe6: {  	s17 =	simm.s32 @!p1 $0x0;
	s16 =	sadd.s32 @!p1 s5, s15  }
0xe7: {  	[tilespmem:s17], [sflag:$0x3] =	stream.linear.gather @!p1 [hbm4b:s16+s17], $0x800, $0x38;
	[tilespmem:$0x1DC80] =	vst v63  }
0xe8: {  	s15 =	sadd.s32 @!p1 s7, s15;
	s16 =	simm.s32 @!p1 $0x800  }
0xe9: {  	[tilespmem:s16], [sflag:$0x3] =	stream.linear.gather @!p1 [hbm4b:s15+s17], $0x800, $0x38;
	[tilespmem:$0x1DC80] =	vst v63  }
0xea: {  	_ =	swait.ge [sflag:s23], $0x4000  }
0xeb: {  	[sflag:s23] =	ssyncset.done $0x0  }
0xec: {  	s24 =	simm.s32 $0x1800;
	[sflag:s23] =	ssyncadd.s32 $0xFFFFC000  }
0xed: {  	[spmem:s2] =	stream.indirect.scatter.add.f32 [tilespmem:s21], [sflag:$0x5], $0x80, s24, s20, $0xb8;
	[tilespmem:$0x1DC80] =	vst v63  }
0xee: {  	_ =	swait.ge [sflag:s25], $0x4000  }
0xef: {  	[sflag:s25] =	ssyncset.done $0x0  }
0xf0: {  	[sflag:s25] =	ssyncadd.s32 $0xFFFFC000  }
0xf1: {  	_ =	swait.ge [sflag:s26], $0x4000  }
0xf2: {  	[sflag:s26] =	ssyncset.done $0x0  }
0xf3: {  	s16 =	simm.s32 $0x1100;
	[sflag:s26] =	ssyncadd.s32 $0xFFFFC000  }
0xf4: {  	[tilespmem:s21], [sflag:$0x1] =	stream.indirect.gather [hbm4b:s1+s20], $0x80, s16, s20, $0xb8;
	[tilespmem:$0x1DC80] =	vst v63  }
0xf5: {  	s17 =	simm.s32 $0x1880  }
0xf6: {  	[spmem:s2] =	stream.indirect.scatter.add.f32 [tilespmem:s22], [sflag:$0x5], $0x80, s17, s20, $0xb8;
	[tilespmem:$0x1DC80] =	vst v63  }
0xf7: {  	_ =	swait.ge [sflag:s25], $0x4000  }
0xf8: {  	[sflag:s25] =	ssyncset.done $0x0  }
0xf9: {  	s18 =	simm.s32 $0x1180;
	[sflag:s25] =	ssyncadd.s32 $0xFFFFC000  }
0xfa: {  	[tilespmem:s22], [sflag:$0x2] =	stream.indirect.gather [hbm4b:s1+s20], $0x80, s18, s20, $0xb8;
	[tilespmem:$0x1DC80] =	vst v63  }
0xfb: {  	_ =	swait.ge [sflag:s23], $0x4000  }
0xfc: {  	[sflag:s23] =	ssyncset.done $0x0  }
0xfd: {  	s24 =	simm.s32 $0x1900;
	[sflag:s23] =	ssyncadd.s32 $0xFFFFC000  }
0xfe: {  	[spmem:s2] =	stream.indirect.scatter.add.f32 [tilespmem:s21], [sflag:$0x5], $0x80, s24, s20, $0xb8;
	[tilespmem:$0x1DC80] =	vst v63  }
0xff: {  	_ =	swait.ge [sflag:s25], $0x4000  }
0x100: {  	[sflag:s25] =	ssyncset.done $0x0  }
0x101: {  	[sflag:s25] =	ssyncadd.s32 $0xFFFFC000  }
0x102: {  	_ =	swait.ge [sflag:s26], $0x4000  }
0x103: {  	[sflag:s26] =	ssyncset.done $0x0  }
0x104: {  	s16 =	simm.s32 $0x1200;
	[sflag:s26] =	ssyncadd.s32 $0xFFFFC000  }
0x105: {  	[tilespmem:s21], [sflag:$0x1] =	stream.indirect.gather [hbm4b:s1+s20], $0x80, s16, s20, $0xb8;
	[tilespmem:$0x1DC80] =	vst v63  }
0x106: {  	s17 =	simm.s32 $0x1980  }
0x107: {  	[spmem:s2] =	stream.indirect.scatter.add.f32 [tilespmem:s22], [sflag:$0x5], $0x80, s17, s20, $0xb8;
	[tilespmem:$0x1DC80] =	vst v63  }
0x108: {  	_ =	swait.ge [sflag:s25], $0x4000  }
0x109: {  	[sflag:s25] =	ssyncset.done $0x0  }
0x10a: {  	s18 =	simm.s32 $0x1280;
	[sflag:s25] =	ssyncadd.s32 $0xFFFFC000  }
0x10b: {  	[tilespmem:s22], [sflag:$0x2] =	stream.indirect.gather [hbm4b:s1+s20], $0x80, s18, s20, $0xb8;
	[tilespmem:$0x1DC80] =	vst v63  }
0x10c: {  	_ =	swait.ge [sflag:s23], $0x4000  }
0x10d: {  	[sflag:s23] =	ssyncset.done $0x0  }
0x10e: {  	s24 =	simm.s32 $0x1A00;
	[sflag:s23] =	ssyncadd.s32 $0xFFFFC000  }
0x10f: {  	[spmem:s2] =	stream.indirect.scatter.add.f32 [tilespmem:s21], [sflag:$0x5], $0x80, s24, s20, $0xb8;
	[tilespmem:$0x1DC80] =	vst v63  }
0x110: {  	_ =	swait.ge [sflag:s25], $0x4000  }
0x111: {  	[sflag:s25] =	ssyncset.done $0x0  }
0x112: {  	[sflag:s25] =	ssyncadd.s32 $0xFFFFC000  }
0x113: {  	_ =	swait.ge [sflag:s26], $0x4000  }
0x114: {  	[sflag:s26] =	ssyncset.done $0x0  }
0x115: {  	s16 =	simm.s32 $0x1300;
	[sflag:s26] =	ssyncadd.s32 $0xFFFFC000  }
0x116: {  	[tilespmem:s21], [sflag:$0x1] =	stream.indirect.gather [hbm4b:s1+s20], $0x80, s16, s20, $0xb8;
	[tilespmem:$0x1DC80] =	vst v63  }
0x117: {  	s17 =	simm.s32 $0x1A80  }
0x118: {  	[spmem:s2] =	stream.indirect.scatter.add.f32 [tilespmem:s22], [sflag:$0x5], $0x80, s17, s20, $0xb8;
	[tilespmem:$0x1DC80] =	vst v63  }
0x119: {  	_ =	swait.ge [sflag:s25], $0x4000  }
0x11a: {  	[sflag:s25] =	ssyncset.done $0x0  }
0x11b: {  	s18 =	simm.s32 $0x1380;
	[sflag:s25] =	ssyncadd.s32 $0xFFFFC000  }
0x11c: {  	[tilespmem:s22], [sflag:$0x2] =	stream.indirect.gather [hbm4b:s1+s20], $0x80, s18, s20, $0xb8;
	[tilespmem:$0x1DC80] =	vst v63  }
0x11d: {  	_ =	swait.ge [sflag:s23], $0x4000  }
0x11e: {  	[sflag:s23] =	ssyncset.done $0x0  }
0x11f: {  	s24 =	simm.s32 $0x1B00;
	[sflag:s23] =	ssyncadd.s32 $0xFFFFC000  }
0x120: {  	[spmem:s2] =	stream.indirect.scatter.add.f32 [tilespmem:s21], [sflag:$0x5], $0x80, s24, s20, $0xb8;
	[tilespmem:$0x1DC80] =	vst v63  }
0x121: {  	_ =	swait.ge [sflag:s25], $0x4000  }
0x122: {  	[sflag:s25] =	ssyncset.done $0x0  }
0x123: {  	[sflag:s25] =	ssyncadd.s32 $0xFFFFC000  }
0x124: {  	_ =	swait.ge [sflag:s26], $0x4000  }
0x125: {  	[sflag:s26] =	ssyncset.done $0x0  }
0x126: {  	s16 =	simm.s32 $0x1400;
	[sflag:s26] =	ssyncadd.s32 $0xFFFFC000  }
0x127: {  	[tilespmem:s21], [sflag:$0x1] =	stream.indirect.gather [hbm4b:s1+s20], $0x80, s16, s20, $0xb8;
	[tilespmem:$0x1DC80] =	vst v63  }
0x128: {  	s17 =	simm.s32 $0x1B80  }
0x129: {  	[spmem:s2] =	stream.indirect.scatter.add.f32 [tilespmem:s22], [sflag:$0x5], $0x80, s17, s20, $0xb8;
	[tilespmem:$0x1DC80] =	vst v63  }
0x12a: {  	_ =	swait.ge [sflag:s25], $0x4000  }
0x12b: {  	[sflag:s25] =	ssyncset.done $0x0  }
0x12c: {  	s18 =	simm.s32 $0x1480;
	[sflag:s25] =	ssyncadd.s32 $0xFFFFC000  }
0x12d: {  	[tilespmem:s22], [sflag:$0x2] =	stream.indirect.gather [hbm4b:s1+s20], $0x80, s18, s20, $0xb8;
	[tilespmem:$0x1DC80] =	vst v63  }
0x12e: {  	_ =	swait.ge [sflag:s23], $0x4000  }
0x12f: {  	[sflag:s23] =	ssyncset.done $0x0  }
0x130: {  	s24 =	simm.s32 $0x1C00;
	[sflag:s23] =	ssyncadd.s32 $0xFFFFC000  }
0x131: {  	[spmem:s2] =	stream.indirect.scatter.add.f32 [tilespmem:s21], [sflag:$0x5], $0x80, s24, s20, $0xb8;
	[tilespmem:$0x1DC80] =	vst v63  }
0x132: {  	_ =	swait.ge [sflag:s25], $0x4000  }
0x133: {  	[sflag:s25] =	ssyncset.done $0x0  }
0x134: {  	[sflag:s25] =	ssyncadd.s32 $0xFFFFC000  }
0x135: {  	_ =	swait.ge [sflag:s26], $0x4000  }
0x136: {  	[sflag:s26] =	ssyncset.done $0x0  }
0x137: {  	s16 =	simm.s32 $0x1500;
	[sflag:s26] =	ssyncadd.s32 $0xFFFFC000  }
0x138: {  	[tilespmem:s21], [sflag:$0x1] =	stream.indirect.gather [hbm4b:s1+s20], $0x80, s16, s20, $0xb8;
	[tilespmem:$0x1DC80] =	vst v63  }
0x139: {  	s17 =	simm.s32 $0x1C80  }
0x13a: {  	[spmem:s2] =	stream.indirect.scatter.add.f32 [tilespmem:s22], [sflag:$0x5], $0x80, s17, s20, $0xb8;
	[tilespmem:$0x1DC80] =	vst v63  }
0x13b: {  	_ =	swait.ge [sflag:s25], $0x4000  }
0x13c: {  	[sflag:s25] =	ssyncset.done $0x0  }
0x13d: {  	s18 =	simm.s32 $0x1580;
	[sflag:s25] =	ssyncadd.s32 $0xFFFFC000  }
0x13e: {  	[tilespmem:s22], [sflag:$0x2] =	stream.indirect.gather [hbm4b:s1+s20], $0x80, s18, s20, $0xb8;
	[tilespmem:$0x1DC80] =	vst v63  }
0x13f: {  	_ =	swait.ge [sflag:s23], $0x4000  }
0x140: {  	[sflag:s23] =	ssyncset.done $0x0  }
0x141: {  	s24 =	simm.s32 $0x1D00;
	[sflag:s23] =	ssyncadd.s32 $0xFFFFC000  }
0x142: {  	[spmem:s2] =	stream.indirect.scatter.add.f32 [tilespmem:s21], [sflag:$0x5], $0x80, s24, s20, $0xb8;
	[tilespmem:$0x1DC80] =	vst v63  }
0x143: {  	_ =	swait.ge [sflag:s25], $0x4000  }
0x144: {  	[sflag:s25] =	ssyncset.done $0x0  }
0x145: {  	[sflag:s25] =	ssyncadd.s32 $0xFFFFC000  }
0x146: {  	_ =	swait.ge [sflag:s26], $0x4000  }
0x147: {  	[sflag:s26] =	ssyncset.done $0x0  }
0x148: {  	[sflag:s26] =	ssyncadd.s32 $0xFFFFC000  }
0x149: {  	[tilespmem:s21], [sflag:$0x1] =	stream.indirect.gather [hbm4b:s1+s20], $0x80, s29, s20, $0xb8;
	[tilespmem:$0x1DC80] =	vst v63  }
0x14a: {  	_ = 	snop  }
0x14b: {  	[spmem:s2] =	stream.indirect.scatter.add.f32 [tilespmem:s22], [sflag:$0x5], $0x80, s30, s20, $0xb8;
	[tilespmem:$0x1DC80] =	vst v63  }
0x14c: {  	_ =	swait.ge [sflag:s25], $0x4000  }
0x14d: {  	[sflag:s25] =	ssyncset.done $0x0  }
0x14e: {  	[sflag:s25] =	ssyncadd.s32 $0xFFFFC000  }
0x14f: {  	[tilespmem:s22], [sflag:$0x2] =	stream.indirect.gather [hbm4b:s1+s20], $0x80, s31, s20, $0xb8;
	[tilespmem:$0x1DC80] =	vst v63  }
0x150: {  	_ =	swait.ge [sflag:s23], $0x4000  }
0x151: {  	[sflag:s23] =	ssyncset.done $0x0  }
0x152: {  	[sflag:s23] =	ssyncadd.s32 $0xFFFFC000  }
0x153: {  	[spmem:s2] =	stream.indirect.scatter.add.f32 [tilespmem:s21], [sflag:$0x5], $0x80, s0, s20, $0xb8;
	[tilespmem:$0x1DC80] =	vst v63  }
0x154: {  	_ =	swait.ge [sflag:s25], $0x4000  }
0x155: {  	[sflag:s25] =	ssyncset.done $0x0  }
0x156: {  	[sflag:s25] =	ssyncadd.s32 $0xFFFFC000  }
0x157: {  	_ =	swait.ge [sflag:s26], $0x4000  }
0x158: {  	[sflag:s26] =	ssyncset.done $0x0  }
0x159: {  	[sflag:s26] =	ssyncadd.s32 $0xFFFFC000  }
0x15a: {  	[tilespmem:s21], [sflag:$0x1] =	stream.indirect.gather [hbm4b:s1+s20], $0x80, s3, s20, $0xb8;
	[tilespmem:$0x1DC80] =	vst v63  }
0x15b: {  	_ = 	snop  }
0x15c: {  	[spmem:s2] =	stream.indirect.scatter.add.f32 [tilespmem:s22], [sflag:$0x5], $0x80, s6, s20, $0xb8;
	[tilespmem:$0x1DC80] =	vst v63  }
0x15d: {  	_ =	swait.ge [sflag:s25], $0x4000  }
0x15e: {  	[sflag:s25] =	ssyncset.done $0x0  }
0x15f: {  	[sflag:s25] =	ssyncadd.s32 $0xFFFFC000  }
0x160: {  	[tilespmem:s22], [sflag:$0x2] =	stream.indirect.gather [hbm4b:s1+s20], $0x80, s8, s20, $0xb8;
	[tilespmem:$0x1DC80] =	vst v63  }
0x161: {  	_ =	swait.ge [sflag:s23], $0x4000  }
0x162: {  	[sflag:s23] =	ssyncset.done $0x0  }
0x163: {  	[sflag:s23] =	ssyncadd.s32 $0xFFFFC000  }
0x164: {  	[spmem:s2] =	stream.indirect.scatter.add.f32 [tilespmem:s21], [sflag:$0x5], $0x80, s9, s20, $0xb8;
	[tilespmem:$0x1DC80] =	vst v63  }
0x165: {  	_ =	swait.ge [sflag:s25], $0x4000  }
0x166: {  	[sflag:s25] =	ssyncset.done $0x0  }
0x167: {  	[sflag:s25] =	ssyncadd.s32 $0xFFFFC000  }
0x168: {  	_ =	swait.ge [sflag:s26], $0x4000  }
0x169: {  	[sflag:s26] =	ssyncset.done $0x0  }
.Ltmp7:
0x16a: {  	[sflag:s26] =	ssyncadd.s32 $0xFFFFC000;
	(pc) =	sbr.rel @p1 .LBB2_8-.Ltmp7, $4  }
0x16b: {  	[spmem:s2] =	stream.indirect.scatter.add.f32 [tilespmem:s22], [sflag:$0x5], $0x80, s10, s20, $0xb8;
	[tilespmem:$0x1DC80] =	vst v63  }
0x16c: {  	_ =	swait.ge [sflag:s25], $0x4000  }
0x16d: {  	[sflag:s25] =	ssyncset.done $0x0  }
0x16e: {  	[sflag:s25] =	ssyncadd.s32 $0xFFFFC000  }
0x16f: {  	_ =	swait.ge [sflag:s19], $0x800  }
0x170: {  	[sflag:s19] =	ssyncset.done $0x0  }
0x171: {  	[sflag:s19] =	ssyncadd.s32 $0xFFFFF800  }
0x172: {  	_ =	swait.ge [sflag:s19], $0x800  }
.Ltmp8:
0x173: {  	[sflag:s19] =	ssyncset.done $0x0;
	(pc) =	sbr.rel .LBB2_7-.Ltmp8, $4  }
0x174: {  	[sflag:s19] =	ssyncadd.s32 $0xFFFFF800  }
0x175: {  	[tilespmem:s21], [sflag:$0x1] =	stream.indirect.gather [hbm4b:s1+s20], $0x80, s4, s20, $0xb8;
	[tilespmem:$0x1DC80] =	vst v63  }
0x176: {  	_ = 	snop  }
0x177: {  	[tilespmem:s22], [sflag:$0x2] =	stream.indirect.gather [hbm4b:s1+s20], $0x80, s20, s20, $0xb8;
	[tilespmem:$0x1DC80] =	vst v63  }
.LBB2_9:
0x178: {  	_ =	sfence.sel $0x180000  }
0x179: {  	[bflag:$0x0] =	sbarrier.arrive $0xFFFF  }
0x17a: {  	_ =	strace $0x9000004D  }
0x17b: {  	s0 =	stileid.u32;
	[bflag:$0x2] =	sbarrier.arrive $0xFFFF  }
0x17c: {  	p0 =	sne.s32 s0, $0x0;
	s0 =	rddreg [dreg:$0x3]  }
0x17d: {  	s0 =	sadd.s32 @!p0 $0x100000, s0  }
0x17e: {  	[sflag:s0] =	ssyncadd.tile.s32 @!p0 $0x1;
	_ =	shalt  }
.Lfunc_end2:
_tile_overlayer_lowered:
.L_overlay_start_2:
0x17f: {  	(tag) =	ssettag $0x2  }
0x180: {  	s0 =	rddreg [dreg:$0x0];
	s2 =	stileid.u32  }
0x181: {  	s1 =	rddreg [dreg:$0x1];
	p0 =	sne.s32 s2, $0x0  }
0x182: {  	s3 =	rddreg [dreg:$0x2];
	[bflag:$0x3] =	sbarrier.arrive $0xFFFF;
	s2 =	simm.s32 @!p0 $0x1C05  }
0x183: {  	[timem:s3], [sflag:s2] =	dma.local @!p0 [hbm:s0], s1  }
0x184: {  	s0 =	simm.s32 @!p0 $0x5  }
0x185: {  	_ =	swait.ge @!p0 [sflag:s0], s1  }
0x186: {  	s1 =	ssub.s32 @!p0 $0x0, s1;
	[sflag:s0] =	ssyncset.done @!p0 $0x0  }
0x187: {  	[sflag:s0] =	ssyncadd.s32 @!p0 s1  }
0x188: {  	[bflag:$0x3] =	sbarrier.arrive $0xFFFF  }
0x189: {  	_ =	shalt  }

// kernel: kernel.8.cloned.1.call-start
scs
__scs_entry_jumppad:
0x0: {  	(pc) =	sbr.rel $0x88, $3  }
0x1: {  	(tag) =	ssettag $0x0;
	lr =	simm.s32 $0x1  }
0x2: {  	[smem:$0x3F9B] =	sst lr;
	_ =	strace $0xD0000000  }
0x3: {  	_ = 	snop  }
0x4: {  	_ = 	snop  }
0x5: {  	_ = 	snop  }
0x6: {  	_ = 	snop  }
0x7: {  	_ = 	snop  }
__scs_overlays_trampoline_lowered:
0x8: {  	[smem:$0x3FAA] =	sst s0  }
0x9: {  	[smem:$0x3FAB] =	sst s1  }
0xa: {  	[smem:$0x3FAC] =	sst s2  }
0xb: {  	[smem:$0x3FAD] =	sst s3  }
0xc: {  	[smem:$0x3FAE] =	sst s4  }
0xd: {  	[smem:$0x3FAF] =	sst s5  }
0xe: {  	[smem:$0x3FB0] =	sst s6  }
0xf: {  	[smem:$0x3FB1] =	sst s7  }
0x10: {  	[smem:$0x3FB2] =	sst s8  }
0x11: {  	[smem:$0x3FB3] =	sst s9;
	s0 =	simm.s32 @!p0 $0x0  }
0x12: {  	s1 =	sld [smem:$0x3F99];
	s0 =	simm.s32 @p0 $0x1  }
0x13: {  	[smem:$0x3FB4] =	sst s0;
	s0 =	simm.s32 @!p1 $0x0  }
0x14: {  	s2 =	sld [smem:$0x3F98];
	s0 =	simm.s32 @p1 $0x1  }
0x15: {  	[smem:$0x3FB5] =	sst s0;
	s0 =	simm.s32 @!p2 $0x0  }
0x16: {  	s3 =	sld [smem:$0x3FDB];
	s0 =	simm.s32 @p2 $0x1  }
0x17: {  	s4 =	simm.s32 $0x1BF5;
	[smem:$0x3FB7] =	sst s0  }
0x18: {  	s0 =	sld [smem:$0x3F9A];
	_ =	swait.ge [sflag:s4], $0x0  }
0x19: {  	s7 =	sld [smem:$0x3F9B]  }
0x1a: {  	s8 =	sadd.s32 $0xFFFFE003, lr  }
0x1b: {  	s9 =	sadd.s32 $0xFFFFFEF7, lr;
	s5 =	simm.s32 $0xFFFFFFFF;
	p2 =	slt.u32 s8, $0xFFFFF086  }
0x1c: {  	p1 =	slt.u32 s9, $0xF7A;
	s5 =	simm.s32 @!p2 $0x0  }
0x1d: {  	s5 =	simm.s32 @p1 $0x1;
	p0 =	seq.s32 s7, s2  }
0x1e: {  	s7 =	smul.u32 @!p0 $0xF7A, s2;
	p2 =	seq.s32 @!p0 s5, $0x0  }
0x1f: {  	s9 =	smul.u32 $0xF7A, s1;
	s8 =	simm.s32 @!p0 $0x1BF5;
	p2 =	por !p2, p0  }
0x20: {  	[sflag:s8] =	ssyncset.s32 @!p0 $0xFFFFF086;
	s6 =	sadd.s32 @!p0 s3, s7;
	s7 =	simm.s32 @!p0 $0x108  }
0x21: {  	s3 =	sadd.s32 s3, s9;
	s6 =	sadd.s32 @!p0 $0x88, s6;
	s7 =	simm.s32 @p2 $0x1082  }
0x22: {  	[simem:s7], [sflag:s8] =	dma.local @!p0 [hbm:s6], $0xF7A  }
0x23: {  	s9 =	sor.u32 $0xD0000000, s2;
	s6 =	simm.s32 $0x108;
	_ =	swait.ge @!p0 [sflag:s8], $0x0  }
0x24: {  	s3 =	sadd.s32 $0x88, s3;
	s6 =	simm.s32 @!p1 $0x1082;
	[sflag:s4] =	ssyncset.s32 $0xFFFFF086  }
0x25: {  	[simem:s6], [sflag:s4] =	dma.local [hbm:s3], $0xF7A  }
0x26: {  	[smem:$0x3F9B] =	sst s1;
	(tag) =	ssettag s2;
	_ =	strace s9  }
0x27: {  	s1 =	sld [smem:$0x3FAB]  }
0x28: {  	s2 =	sld [smem:$0x3FAC]  }
0x29: {  	s4 =	sld [smem:$0x3FAE]  }
0x2a: {  	p0 =	seq.s32 s5, $0x0;
	s5 =	sld [smem:$0x3FAF]  }
0x2b: {  	s6 =	sld [smem:$0x3FB0]  }
0x2c: {  	s7 =	sld [smem:$0x3FB1]  }
0x2d: {  	s3 =	simm.s32 $0x108;
	s8 =	sld [smem:$0x3FB2]  }
0x2e: {  	s3 =	simm.s32 @!p0 $0x1082;
	s9 =	sld [smem:$0x3FB3]  }
0x2f: {  	lr =	sadd.s32 s0, s3;
	s0 =	sld [smem:$0x3FAA]  }
0x30: {  	s3 =	sld [smem:$0x3FAD]  }
0x31: {  	[smem:$0x3FB6] =	sst s10  }
0x32: {  	s10 =	sld [smem:$0x3FB4];
	_ =	sdelay $0x3  }
0x33: {  	p0 =	seq.s32 s10, $0x1;
	s10 =	sld [smem:$0x3FB6];
	_ =	sdelay $0x3  }
0x34: {  	[smem:$0x3FB6] =	sst s10  }
0x35: {  	s10 =	sld [smem:$0x3FB5];
	_ =	sdelay $0x3  }
0x36: {  	p1 =	seq.s32 s10, $0x1;
	s10 =	sld [smem:$0x3FB6];
	_ =	sdelay $0x3  }
0x37: {  	[smem:$0x3FB6] =	sst s10  }
0x38: {  	s10 =	sld [smem:$0x3FB7]  }
0x39: {  	_ = 	snop;
	(pc) =	sbr.ind lr, $3  }
0x3a: {  	_ = 	snop  }
0x3b: {  	_ = 	snop  }
0x3c: {  	p2 =	seq.s32 s10, $0x1;
	s10 =	sld [smem:$0x3FB6]  }
0x3d: {  	_ =	shalt  }
0x3e: {  	_ =	shalt  }
0x3f: {  	_ =	shalt  }
0x40: {  	_ =	shalt  }
0x41: {  	_ =	shalt  }
0x42: {  	_ =	shalt  }
0x43: {  	_ =	shalt  }
0x44: {  	_ =	shalt  }
0x45: {  	_ =	shalt  }
0x46: {  	_ =	shalt  }
0x47: {  	_ =	shalt  }
0x48: {  	_ =	shalt  }
0x49: {  	_ =	shalt  }
0x4a: {  	_ =	shalt  }
0x4b: {  	_ =	shalt  }
0x4c: {  	_ =	shalt  }
0x4d: {  	_ =	shalt  }
0x4e: {  	_ =	shalt  }
0x4f: {  	_ =	shalt  }
0x50: {  	_ =	shalt  }
0x51: {  	_ =	shalt  }
0x52: {  	_ =	shalt  }
0x53: {  	_ =	shalt  }
0x54: {  	_ =	shalt  }
0x55: {  	_ =	shalt  }
0x56: {  	_ =	shalt  }
0x57: {  	_ =	shalt  }
0x58: {  	_ =	shalt  }
0x59: {  	_ =	shalt  }
0x5a: {  	_ =	shalt  }
0x5b: {  	_ =	shalt  }
0x5c: {  	_ =	shalt  }
0x5d: {  	_ =	shalt  }
0x5e: {  	_ =	shalt  }
0x5f: {  	_ =	shalt  }
0x60: {  	_ =	shalt  }
0x61: {  	_ =	shalt  }
0x62: {  	_ =	shalt  }
0x63: {  	_ =	shalt  }
0x64: {  	_ =	shalt  }
0x65: {  	_ =	shalt  }
0x66: {  	_ =	shalt  }
0x67: {  	_ =	shalt  }
0x68: {  	_ =	shalt  }
0x69: {  	_ =	shalt  }
0x6a: {  	_ =	shalt  }
0x6b: {  	_ =	shalt  }
0x6c: {  	_ =	shalt  }
0x6d: {  	_ =	shalt  }
0x6e: {  	_ =	shalt  }
0x6f: {  	_ =	shalt  }
0x70: {  	_ =	shalt  }
0x71: {  	_ =	shalt  }
0x72: {  	_ =	shalt  }
0x73: {  	_ =	shalt  }
0x74: {  	_ =	shalt  }
0x75: {  	_ =	shalt  }
0x76: {  	_ =	shalt  }
0x77: {  	_ =	shalt  }
0x78: {  	_ =	shalt  }
0x79: {  	_ =	shalt  }
0x7a: {  	_ =	shalt  }
0x7b: {  	_ =	shalt  }
0x7c: {  	_ =	shalt  }
0x7d: {  	_ =	shalt  }
0x7e: {  	_ =	shalt  }
0x7f: {  	_ =	shalt  }
0x80: {  	_ =	shalt  }
0x81: {  	_ =	shalt  }
0x82: {  	_ =	shalt  }
0x83: {  	_ =	shalt  }
0x84: {  	_ =	shalt  }
0x85: {  	_ =	shalt  }
0x86: {  	_ =	shalt  }
0x87: {  	_ =	shalt  }
.Lfunc_end0:
.L_simem_size_0:
called_computation_lowered:
.L_overlay_start_0:
0x88: {  	s2 =	sld [smem:$0x3FD9]  }
0x89: {  	s3 =	sld [smem:$0x3FFE];
	_ =	sdelay $0x1  }
0x8a: {  	s1 =	srdreg.scid  }
0x8b: {  	s0 =	sand.u32 $0x1, s1  }
0x8c: {  	s17 =	sshll.u32 s0, $0xA;
	s2 =	sadd.s32 s3, s2  }
0x8d: {  	s2 =	sadd.s32 s2, s17  }
0x8e: {  	[smem:$0x3FC2] =	sst s2  }
0x8f: {  	_ = 	snop  }
0x90: {  	s2 =	sld [smem:$0x3FD0];
	(tm) =	ssettm $0x1  }
0x91: {  	s18 =	sld [smem:$0x3FFB];
	_ =	sdelay $0x3  }
0x92: {  	_ =	strace s18  }
0x93: {  	s3 =	sld [smem:$0x3FFC];
	_ =	sdelay $0x3  }
0x94: {  	_ =	strace s3  }
0x95: {  	s3 =	sld [smem:$0x3FFD];
	_ =	sdelay $0x3  }
0x96: {  	_ =	strace s3  }
0x97: {  	_ =	strace $0x8FFFFFFF  }
0x98: {  	s19 =	sld [smem:$0x3FDB];
	_ =	sdelay $0x1  }
0x99: {  	s4 =	simm.s32 $_scs_section_size  }
0x9a: {  	s5 =	simm.s32 $_size__tile_overlayer_lowered;
	s6 =	simm.s32 $_tile_overlayer_lowered  }
0x9b: {  	s22 =	simm.s32 $0x1BFF;
	s21 =	sshll.u32 s6, $0x1;
	s3 =	sadd.s32 s4, s19  }
0x9c: {  	s7 =	simm.s32 $0x0;
	s20 =	sshll.u32 s5, $0x1;
	s5 =	sadd.s32 s21, s3  }
0x9d: {  	[timem:s7], [sflag:s22] =	dma.local [hbm:s5], s20  }
0x9e: {  	_ =	swait.ge [sflag:s22], s20  }
0x9f: {  	s4 =	ssub.s32 $0x0, s20;
	[sflag:s22] =	ssyncset.done $0x0  }
0xa0: {  	[sflag:s22] =	ssyncadd.s32 s4;
	_ =	sdelay $0x1  }
0xa1: {  	s23 =	simm.s32 $0x1B8B  }
0xa2: {  	_ =	swait.ge [sflag:s23], $0x1  }
0xa3: {  	[sflag:s23] =	ssyncset.done $0x0  }
0xa4: {  	s25 =	simm.s32 $0x1B8E;
	s24 =	sld [smem:$0x3FFE];
	[sflag:s23] =	ssyncadd.s32 $0xFFFFFFFF  }
0xa5: {  	s26 =	simm.s32 $execute0_lowered;
	[smem:$0x3FD2] =	sst s25  }
0xa6: {  	s5 =	sshll.u32 s26, $0x1;
	_ =	strace $0x80000046;
	[dreg:$0x1] =	wrdreg $0xFFFFFFFF  }
0xa7: {  	s28 =	simm.s32 $_size_execute0_lowered;
	s3 =	sadd.s32 s3, s5;
	[dreg:$0x0] =	wrdreg $0x0  }
0xa8: {  	s5 =	sshll.u32 s28, $0x1;
	[dreg:$0x2] =	wrdreg s3  }
0xa9: {  	[dreg:$0x3] =	wrdreg s5  }
0xaa: {  	[dreg:$0x4] =	wrdreg $0xC0  }
0xab: {  	_ =	task [dreg:s7], $0x5FFFF  }
0xac: {  	[dreg:$0x1] =	wrdreg $0xFFFFFFFF  }
0xad: {  	[dreg:$0x0] =	wrdreg $0x60  }
0xae: {  	[dreg:$0x2] =	wrdreg s24  }
0xaf: {  	[dreg:$0x3] =	wrdreg s2  }
0xb0: {  	[dreg:$0x4] =	wrdreg $0x2B000  }
0xb1: {  	[dreg:$0x5] =	wrdreg $0x9  }
0xb2: {  	_ =	task.clear_ibuf [dreg:s7], $0x6FFFF;
	_ =	strace $0x90000046  }
0xb3: {  	s29 =	simm.s32 $0x9;
	_ =	strace $0x80000048  }
0xb4: {  	_ =	swait.ge [sflag:s29], $0x1  }
0xb5: {  	[sflag:s29] =	ssyncadd.s32 $0xFFFFFFFF  }
0xb6: {  	_ =	strace $0x90000048  }
0xb7: {  	_ =	sfence  }
0xb8: {  	s30 =	sld [smem:$0x0];
	_ =	sdelay $0x2  }
0xb9: {  	s31 =	sshll.u32 s1, $0xD;
	s1 =	sshrl.u32 s1, $0x2  }
0xba: {  	s3 =	sand.u32 $0x4000, s31;
	s1 =	sadd.s32 s1, s30  }
0xbb: {  	s0 =	sor.u32 s3, s0;
	s1 =	sshll.u32 s1, $0x11  }
0xbc: {  	s0 =	sor.u32 s1, s0  }
0xbd: {  	s0 =	sadd.s32 $0x8F2B, s0  }
0xbe: {  	[sflag:s0] =	ssyncadd.remote.s32 $0x1  }
0xbf: {  	_ =	sfence.sel $0xFFFF  }
0xc0: {  	[dreg:$0x0] =	wrdreg $0xFFFFFFFF;
	(pc) =	sbr.abs _section_cstart, $3  }
0xc1: {  	[dreg:$0x1] =	wrdreg $0xFFFFFFFF  }
0xc2: {  	_ =	task.clear_ibuf [dreg:s7], $0x2FFFF;
	_ =	strace $0x9FFFFFFF  }
0xc3: {  	(tm) =	ssettm $0x7FFFFFFF  }
tec
execute0_lowered:
.L_overlay_start_1:
0x0: {  	(tag) =	ssettag $0x1  }
0x1: {  	s3 =	rddreg [dreg:$0x0]  }
0x2: {  	s5 =	rddreg [dreg:$0x1]  }
0x3: {  	s0 =	srdreg.scid;
	s1 =	rddreg [dreg:$0x2]  }
0x4: {  	s2 =	simm.s32 $0x0;
	s4 =	sand.u32 $0x1, s0;
	s0 =	rddreg [dreg:$0x3]  }
0x5: {  	s10 =	stileid.u32;
	s12 =	simm.s32 $0x0;
	[smem:$0x7FF] =	sst s2  }
0x6: {  	s8 =	smul.u32 $0x9C0, s10;
	p1 =	seq.s32 s10, $0xF;
	p0 =	sne.s32 s10, $0x0  }
0x7: {  	s6 =	sshll.u32 s4, $0x4;
	s4 =	ssub.s32 $0x2, s4;
	_ =	strace $0x80000047  }
0x8: {  	s11 =	sshrl.u32 @!p0 s1, $0x3;
	s7 =	sor.u32 s10, s6;
	s9 =	sshrl.u32 s4, $0x1  }
0x9: {  	s31 =	sshrl.u32 s8, $0x2;
	s5 =	sadd.s32 s5, s6;
	s7 =	smul.u32 $0x500, s7  }
0xa: {  	s8 =	simm.s32 $0x80;
	s10 =	simm.s32 $0x2;
	s30 =	ssub.s32 s4, s9  }
0xb: {  	s4 =	sadd.s32 s31, s1;
	s9 =	simm.s32 $0x2800;
	s3 =	sadd.s32 s7, s3  }
0xc: {  	v0 =	vimm.f32 $1.000000000e+00;
	v1 =	vimm.f32 $0.0e+00;
	s6 =	smax.u32 s30, $0x1;
	s7 =	simm.s32 $0x1;
	s3 =	sadd.s32 $0xCA00, s3  }
.LBB2_1:
0xd: {  	[tilespmem:s2], [sflag:$0x1] =	stream.linear.gather [hbm4b:s3+s2], $0x2800, $0x38;
	[tilespmem:$0x2D80] =	vst v63  }
0xe: {  	[tilespmem:$0x2800] =	vst v0  }
0xf: {  	[tilespmem:$0x2810] =	vst v0  }
0x10: {  	[tilespmem:$0x2820] =	vst v0  }
0x11: {  	[tilespmem:$0x2830] =	vst v0  }
0x12: {  	[tilespmem:$0x2840] =	vst v0  }
0x13: {  	[tilespmem:$0x2850] =	vst v0  }
0x14: {  	[tilespmem:$0x2860] =	vst v0  }
0x15: {  	[tilespmem:$0x2870] =	vst v0  }
0x16: {  	[tilespmem:$0x2880] =	vst v1  }
0x17: {  	[tilespmem:$0x2890] =	vst v1  }
0x18: {  	[tilespmem:$0x28A0] =	vst v1  }
0x19: {  	[tilespmem:$0x28B0] =	vst v1  }
0x1a: {  	[tilespmem:$0x28C0] =	vst v1  }
0x1b: {  	[tilespmem:$0x28D0] =	vst v1  }
0x1c: {  	[tilespmem:$0x28E0] =	vst v1  }
0x1d: {  	[tilespmem:$0x28F0] =	vst v1  }
0x1e: {  	[tilespmem:$0x2900] =	vst v1  }
0x1f: {  	[tilespmem:$0x2910] =	vst v1  }
0x20: {  	[tilespmem:$0x2920] =	vst v1  }
0x21: {  	[tilespmem:$0x2930] =	vst v1  }
0x22: {  	[tilespmem:$0x2940] =	vst v1  }
0x23: {  	[tilespmem:$0x2950] =	vst v1  }
0x24: {  	[tilespmem:$0x2960] =	vst v1  }
0x25: {  	[tilespmem:$0x2970] =	vst v1  }
0x26: {  	[tilespmem:$0x2980] =	vst v1  }
0x27: {  	[tilespmem:$0x2990] =	vst v1  }
0x28: {  	[tilespmem:$0x29A0] =	vst v1  }
0x29: {  	[tilespmem:$0x29B0] =	vst v1  }
0x2a: {  	[tilespmem:$0x29C0] =	vst v1  }
0x2b: {  	[tilespmem:$0x29D0] =	vst v1  }
0x2c: {  	[tilespmem:$0x29E0] =	vst v1  }
0x2d: {  	[tilespmem:$0x29F0] =	vst v1  }
0x2e: {  	[tilespmem:$0x2A00] =	vst v1  }
0x2f: {  	[tilespmem:$0x2A10] =	vst v1  }
0x30: {  	[tilespmem:$0x2A20] =	vst v1  }
0x31: {  	[tilespmem:$0x2A30] =	vst v1  }
0x32: {  	[tilespmem:$0x2A40] =	vst v1  }
0x33: {  	[tilespmem:$0x2A50] =	vst v1  }
0x34: {  	[tilespmem:$0x2A60] =	vst v1  }
0x35: {  	[tilespmem:$0x2A70] =	vst v1  }
0x36: {  	[tilespmem:$0x2A80] =	vst v1  }
0x37: {  	[tilespmem:$0x2A90] =	vst v1  }
0x38: {  	[tilespmem:$0x2AA0] =	vst v1  }
0x39: {  	[tilespmem:$0x2AB0] =	vst v1  }
0x3a: {  	[tilespmem:$0x2AC0] =	vst v1  }
0x3b: {  	[tilespmem:$0x2AD0] =	vst v1  }
0x3c: {  	[tilespmem:$0x2AE0] =	vst v1  }
0x3d: {  	s13 =	simm.s32 @p1 $0x2880;
	[tilespmem:$0x2AF0] =	vst v1  }
0x3e: {  	[spmem:s4] =	stream.linear.scatter @p1 [tilespmem:s13], [sflag:$0x3], $0x280, $0x38;
	[tilespmem:$0x2D80] =	vst v63  }
0x3f: {  	s13 =	simm.s32 @p1 $0x3  }
0x40: {  	_ =	swait.ge @p1 [sflag:s13], $0x280  }
0x41: {  	[sflag:s13] =	ssyncset.done @p1 $0x0  }
0x42: {  	[sflag:s13] =	ssyncadd.s32 @p1 $0xFFFFFD80;
	s13 =	simm.s32 @!p1 $0x2880  }
0x43: {  	[spmem:s4] =	stream.linear.scatter @!p1 [tilespmem:s13], [sflag:$0x3], $0x270, $0x38;
	[tilespmem:$0x2D80] =	vst v63  }
0x44: {  	s13 =	simm.s32 @!p1 $0x3  }
0x45: {  	_ =	swait.ge @!p1 [sflag:s13], $0x270  }
0x46: {  	[sflag:s13] =	ssyncset.done @!p1 $0x0  }
0x47: {  	[sflag:s13] =	ssyncadd.s32 @!p1 $0xFFFFFD90  }
0x48: {  	_ =	swait.ge [sflag:s7], $0x2800  }
0x49: {  	[sflag:s7] =	ssyncset.done $0x0  }
0x4a: {  	[sflag:s7] =	ssyncadd.s32 $0xFFFFD800  }
0x4b: {  	s23 =	simm.s32 $0x0;
	[bflag:$0x0] =	sbarrier.arrive $0xFFFF  }
0x4c: {  	[spmem:s1] =	stream.indirect.scatter.add.f32 [tilespmem:s9], [sflag:$0x2], $0x1, s23, s8, $0xb8;
	[tilespmem:$0x2D80] =	vst v63  }
0x4d: {  	s24 =	simm.s32 $0x80  }
0x4e: {  	[spmem:s1] =	stream.indirect.scatter.add.f32 [tilespmem:s9], [sflag:$0x2], $0x1, s24, s8, $0xb8;
	[tilespmem:$0x2D80] =	vst v63  }
0x4f: {  	s25 =	simm.s32 $0x100  }
0x50: {  	[spmem:s1] =	stream.indirect.scatter.add.f32 [tilespmem:s9], [sflag:$0x2], $0x1, s25, s8, $0xb8;
	[tilespmem:$0x2D80] =	vst v63  }
0x51: {  	s26 =	simm.s32 $0x180  }
0x52: {  	[spmem:s1] =	stream.indirect.scatter.add.f32 [tilespmem:s9], [sflag:$0x2], $0x1, s26, s8, $0xb8;
	[tilespmem:$0x2D80] =	vst v63  }
0x53: {  	s28 =	simm.s32 $0x200  }
0x54: {  	[spmem:s1] =	stream.indirect.scatter.add.f32 [tilespmem:s9], [sflag:$0x2], $0x1, s28, s8, $0xb8;
	[tilespmem:$0x2D80] =	vst v63  }
0x55: {  	s29 =	simm.s32 $0x280  }
0x56: {  	[spmem:s1] =	stream.indirect.scatter.add.f32 [tilespmem:s9], [sflag:$0x2], $0x1, s29, s8, $0xb8;
	[tilespmem:$0x2D80] =	vst v63  }
0x57: {  	s30 =	simm.s32 $0x300  }
0x58: {  	[spmem:s1] =	stream.indirect.scatter.add.f32 [tilespmem:s9], [sflag:$0x2], $0x1, s30, s8, $0xb8;
	[tilespmem:$0x2D80] =	vst v63  }
0x59: {  	s31 =	simm.s32 $0x380  }
0x5a: {  	[spmem:s1] =	stream.indirect.scatter.add.f32 [tilespmem:s9], [sflag:$0x2], $0x1, s31, s8, $0xb8;
	[tilespmem:$0x2D80] =	vst v63  }
0x5b: {  	_ =	swait.ge [sflag:s10], $0x80  }
0x5c: {  	[sflag:s10] =	ssyncset.done $0x0  }
0x5d: {  	[sflag:s10] =	ssyncadd.s32 $0xFFFFFF80  }
0x5e: {  	_ =	swait.ge [sflag:s10], $0x80  }
0x5f: {  	[sflag:s10] =	ssyncset.done $0x0  }
0x60: {  	[sflag:s10] =	ssyncadd.s32 $0xFFFFFF80  }
0x61: {  	_ =	swait.ge [sflag:s10], $0x80  }
0x62: {  	[sflag:s10] =	ssyncset.done $0x0  }
0x63: {  	[sflag:s10] =	ssyncadd.s32 $0xFFFFFF80  }
0x64: {  	_ =	swait.ge [sflag:s10], $0x80  }
0x65: {  	[sflag:s10] =	ssyncset.done $0x0  }
0x66: {  	[sflag:s10] =	ssyncadd.s32 $0xFFFFFF80  }
0x67: {  	_ =	swait.ge [sflag:s10], $0x80  }
0x68: {  	[sflag:s10] =	ssyncset.done $0x0  }
0x69: {  	[sflag:s10] =	ssyncadd.s32 $0xFFFFFF80  }
0x6a: {  	_ =	swait.ge [sflag:s10], $0x80  }
0x6b: {  	[sflag:s10] =	ssyncset.done $0x0  }
0x6c: {  	[sflag:s10] =	ssyncadd.s32 $0xFFFFFF80  }
0x6d: {  	_ =	swait.ge [sflag:s10], $0x80  }
0x6e: {  	[sflag:s10] =	ssyncset.done $0x0  }
0x6f: {  	[sflag:s10] =	ssyncadd.s32 $0xFFFFFF80  }
0x70: {  	_ =	swait.ge [sflag:s10], $0x80  }
0x71: {  	s15 =	simm.s32 $0x2000;
	s13 =	simm.s32 $0x1000;
	[sflag:s10] =	ssyncset.done $0x0  }
.LBB2_2:
0x72: {  	s16 =	sshra.s32 s13, $0x2  }
0x73: {  	[sflag:s10] =	ssyncadd.s32 $0xFFFFFF80;
	s13 =	smov.u32 s15;
	s14 =	sadd.s32 $0x1000, s15  }
0x74: {  	[spmem:s1] =	stream.indirect.scatter.add.f32 [tilespmem:s9], [sflag:$0x2], $0x1, s16, s8, $0xb8;
	[tilespmem:$0x2D80] =	vst v63  }
0x75: {  	p2 =	sne.s32 s15, $0x9000;
	s15 =	sadd.s32 $0x80, s16  }
0x76: {  	[spmem:s1] =	stream.indirect.scatter.add.f32 [tilespmem:s9], [sflag:$0x2], $0x1, s15, s8, $0xb8;
	[tilespmem:$0x2D80] =	vst v63  }
0x77: {  	s15 =	sadd.s32 $0x100, s16  }
0x78: {  	[spmem:s1] =	stream.indirect.scatter.add.f32 [tilespmem:s9], [sflag:$0x2], $0x1, s15, s8, $0xb8;
	[tilespmem:$0x2D80] =	vst v63  }
0x79: {  	s15 =	sadd.s32 $0x180, s16  }
0x7a: {  	[spmem:s1] =	stream.indirect.scatter.add.f32 [tilespmem:s9], [sflag:$0x2], $0x1, s15, s8, $0xb8;
	[tilespmem:$0x2D80] =	vst v63  }
0x7b: {  	s15 =	sadd.s32 $0x200, s16  }
0x7c: {  	[spmem:s1] =	stream.indirect.scatter.add.f32 [tilespmem:s9], [sflag:$0x2], $0x1, s15, s8, $0xb8;
	[tilespmem:$0x2D80] =	vst v63  }
0x7d: {  	s15 =	sadd.s32 $0x280, s16  }
0x7e: {  	[spmem:s1] =	stream.indirect.scatter.add.f32 [tilespmem:s9], [sflag:$0x2], $0x1, s15, s8, $0xb8;
	[tilespmem:$0x2D80] =	vst v63  }
0x7f: {  	s15 =	sadd.s32 $0x300, s16  }
0x80: {  	[spmem:s1] =	stream.indirect.scatter.add.f32 [tilespmem:s9], [sflag:$0x2], $0x1, s15, s8, $0xb8;
	[tilespmem:$0x2D80] =	vst v63  }
0x81: {  	s15 =	sadd.s32 $0x380, s16  }
0x82: {  	[spmem:s1] =	stream.indirect.scatter.add.f32 [tilespmem:s9], [sflag:$0x2], $0x1, s15, s8, $0xb8;
	[tilespmem:$0x2D80] =	vst v63  }
0x83: {  	_ =	swait.ge [sflag:s10], $0x80  }
0x84: {  	[sflag:s10] =	ssyncset.done $0x0  }
0x85: {  	[sflag:s10] =	ssyncadd.s32 $0xFFFFFF80  }
0x86: {  	_ =	swait.ge [sflag:s10], $0x80  }
0x87: {  	[sflag:s10] =	ssyncset.done $0x0  }
0x88: {  	[sflag:s10] =	ssyncadd.s32 $0xFFFFFF80  }
0x89: {  	_ =	swait.ge [sflag:s10], $0x80  }
0x8a: {  	[sflag:s10] =	ssyncset.done $0x0  }
0x8b: {  	[sflag:s10] =	ssyncadd.s32 $0xFFFFFF80  }
0x8c: {  	_ =	swait.ge [sflag:s10], $0x80  }
0x8d: {  	[sflag:s10] =	ssyncset.done $0x0  }
0x8e: {  	[sflag:s10] =	ssyncadd.s32 $0xFFFFFF80  }
0x8f: {  	_ =	swait.ge [sflag:s10], $0x80  }
0x90: {  	[sflag:s10] =	ssyncset.done $0x0  }
0x91: {  	[sflag:s10] =	ssyncadd.s32 $0xFFFFFF80  }
0x92: {  	_ =	swait.ge [sflag:s10], $0x80  }
0x93: {  	[sflag:s10] =	ssyncset.done $0x0  }
0x94: {  	[sflag:s10] =	ssyncadd.s32 $0xFFFFFF80  }
.Ltmp0:
0x95: {  	_ =	swait.ge [sflag:s10], $0x80;
	(pc) =	sbr.rel @p2 .LBB2_2-.Ltmp0, $4  }
0x96: {  	[sflag:s10] =	ssyncset.done $0x0  }
0x97: {  	[sflag:s10] =	ssyncadd.s32 $0xFFFFFF80  }
0x98: {  	_ =	swait.ge [sflag:s10], $0x80  }
0x99: {  	s15 =	smov.u32 s14;
	[sflag:s10] =	ssyncset.done $0x0  }
0x9a: {  	s13 =	sshra.s32 s13, $0x2;
	[sflag:s10] =	ssyncadd.s32 $0xFFFFFF80  }
0x9b: {  	[spmem:s1] =	stream.indirect.scatter.add.f32 [tilespmem:s9], [sflag:$0x2], $0x1, s13, s8, $0xb8;
	[tilespmem:$0x2D80] =	vst v63  }
0x9c: {  	s14 =	sadd.s32 $0x80, s13  }
0x9d: {  	[spmem:s1] =	stream.indirect.scatter.add.f32 [tilespmem:s9], [sflag:$0x2], $0x1, s14, s8, $0xb8;
	[tilespmem:$0x2D80] =	vst v63  }
0x9e: {  	s26 =	sadd.s32 $0x100, s13  }
0x9f: {  	[spmem:s1] =	stream.indirect.scatter.add.f32 [tilespmem:s9], [sflag:$0x2], $0x1, s26, s8, $0xb8;
	[tilespmem:$0x2D80] =	vst v63  }
0xa0: {  	s28 =	sadd.s32 $0x180, s13  }
0xa1: {  	[spmem:s1] =	stream.indirect.scatter.add.f32 [tilespmem:s9], [sflag:$0x2], $0x1, s28, s8, $0xb8;
	[tilespmem:$0x2D80] =	vst v63  }
0xa2: {  	s29 =	sadd.s32 $0x200, s13  }
0xa3: {  	[spmem:s1] =	stream.indirect.scatter.add.f32 [tilespmem:s9], [sflag:$0x2], $0x1, s29, s8, $0xb8;
	[tilespmem:$0x2D80] =	vst v63  }
0xa4: {  	s30 =	sadd.s32 $0x280, s13  }
0xa5: {  	[spmem:s1] =	stream.indirect.scatter.add.f32 [tilespmem:s9], [sflag:$0x2], $0x1, s30, s8, $0xb8;
	[tilespmem:$0x2D80] =	vst v63  }
0xa6: {  	s31 =	sadd.s32 $0x300, s13  }
0xa7: {  	[spmem:s1] =	stream.indirect.scatter.add.f32 [tilespmem:s9], [sflag:$0x2], $0x1, s31, s8, $0xb8;
	[tilespmem:$0x2D80] =	vst v63  }
0xa8: {  	s13 =	sadd.s32 $0x380, s13  }
0xa9: {  	[spmem:s1] =	stream.indirect.scatter.add.f32 [tilespmem:s9], [sflag:$0x2], $0x1, s13, s8, $0xb8;
	[tilespmem:$0x2D80] =	vst v63  }
0xaa: {  	_ =	swait.ge [sflag:s10], $0x80  }
0xab: {  	[sflag:s10] =	ssyncset.done $0x0  }
0xac: {  	[sflag:s10] =	ssyncadd.s32 $0xFFFFFF80  }
0xad: {  	_ =	swait.ge [sflag:s10], $0x80  }
0xae: {  	[sflag:s10] =	ssyncset.done $0x0  }
0xaf: {  	[sflag:s10] =	ssyncadd.s32 $0xFFFFFF80  }
0xb0: {  	_ =	swait.ge [sflag:s10], $0x80  }
0xb1: {  	[sflag:s10] =	ssyncset.done $0x0  }
0xb2: {  	[sflag:s10] =	ssyncadd.s32 $0xFFFFFF80  }
0xb3: {  	_ =	swait.ge [sflag:s10], $0x80  }
0xb4: {  	[sflag:s10] =	ssyncset.done $0x0  }
0xb5: {  	[sflag:s10] =	ssyncadd.s32 $0xFFFFFF80  }
0xb6: {  	_ =	swait.ge [sflag:s10], $0x80  }
0xb7: {  	[sflag:s10] =	ssyncset.done $0x0  }
0xb8: {  	[sflag:s10] =	ssyncadd.s32 $0xFFFFFF80  }
0xb9: {  	_ =	swait.ge [sflag:s10], $0x80  }
0xba: {  	[sflag:s10] =	ssyncset.done $0x0  }
0xbb: {  	[sflag:s10] =	ssyncadd.s32 $0xFFFFFF80  }
0xbc: {  	_ =	swait.ge [sflag:s10], $0x80  }
0xbd: {  	[sflag:s10] =	ssyncset.done $0x0  }
0xbe: {  	[sflag:s10] =	ssyncadd.s32 $0xFFFFFF80  }
0xbf: {  	_ =	swait.ge [sflag:s10], $0x80  }
0xc0: {  	s15 =	simm.s32 @!p0 $0x10;
	s12 =	sadd.s32 $0x1, s12;
	[sflag:s10] =	ssyncset.done $0x0  }
0xc1: {  	s16 =	simm.s32 @!p0 $0x1C03;
	p2 =	sne.s32 s12, s6;
	[sflag:s10] =	ssyncadd.s32 $0xFFFFFF80  }
0xc2: {  	s14 =	simm.s32 @!p0 $0x20;
	s13 =	simm.s32 @!p0 $0x1;
	[bflag:$0x0] =	sbarrier.arrive $0xFFFF  }
0xc3: {  	[hbm:s5@s14], [sflag:s16] =	dma.strided @!p0 [spmem:s11@s15], $0x500, s13, $0x10   }
.Ltmp1:
0xc4: {  	_ = 	snop;
	(pc) =	sbr.rel @p2 .LBB2_1-.Ltmp1, $4  }
0xc5: {  	s13 =	simm.s32 @!p0 $0x3  }
0xc6: {  	_ =	swait.ge @!p0 [sflag:s13], $0x500  }
0xc7: {  	[sflag:s13] =	ssyncset.done @!p0 $0x0  }
0xc8: {  	[sflag:s13] =	ssyncadd.s32 @!p0 $0xFFFFFB00  }
0xc9: {  	_ =	sfence.sel $0x180000  }
0xca: {  	[bflag:$0x0] =	sbarrier.arrive $0xFFFF  }
0xcb: {  	_ =	strace $0x90000047  }
0xcc: {  	s0 =	sadd.s32 @!p0 $0x100000, s0;
	[bflag:$0x2] =	sbarrier.arrive $0xFFFF  }
0xcd: {  	[sflag:s0] =	ssyncadd.tile.s32 @!p0 $0x1;
	_ =	shalt  }
.Lfunc_end2:
_tile_overlayer_lowered:
.L_overlay_start_2:
0xce: {  	(tag) =	ssettag $0x2  }
0xcf: {  	s0 =	rddreg [dreg:$0x0];
	s2 =	stileid.u32  }
0xd0: {  	s1 =	rddreg [dreg:$0x1];
	p0 =	sne.s32 s2, $0x0  }
0xd1: {  	s3 =	rddreg [dreg:$0x2];
	[bflag:$0x3] =	sbarrier.arrive $0xFFFF;
	s2 =	simm.s32 @!p0 $0x1C03  }
0xd2: {  	[timem:s3], [sflag:s2] =	dma.local @!p0 [hbm:s0], s1  }
0xd3: {  	s0 =	simm.s32 @!p0 $0x3  }
0xd4: {  	_ =	swait.ge @!p0 [sflag:s0], s1  }
0xd5: {  	s1 =	ssub.s32 @!p0 $0x0, s1;
	[sflag:s0] =	ssyncset.done @!p0 $0x0  }
0xd6: {  	[sflag:s0] =	ssyncadd.s32 @!p0 s1  }
0xd7: {  	[bflag:$0x3] =	sbarrier.arrive $0xFFFF  }
0xd8: {  	_ =	shalt  }

</sc_bundles>
